<compile_context>
chip_gen: v7x
topology: tpu7x:2x2x1
jax: 0.10.2.dev20260603
libtpu: 0.0.44.dev20260713+nightly
codegen_flags: <defaults>
</compile_context>

<pallas_src>
import functools

import jax
import jax.numpy as jnp
from jax import lax
from jax.experimental import pallas as pl
from jax.experimental.pallas import tpu as pltpu
from jax.experimental.pallas import tpu_sc as plsc

NC = 2
NS = 16
NW = NC * NS


def _pad_rows(rows, n_pad_to):
    extra = n_pad_to - rows.shape[0]
    if extra == 0:
        return rows
    reps = -(-extra // rows.shape[0])
    return jnp.concatenate([rows, jnp.tile(rows, reps)[:extra]])


def _sc_body(kc, kz, H, W, xf, tab, out,
             csrc_v, cdst_v, zdst_v, b0, b1, zb,
             sg0, sg1, ss0, ss1, semz):
    wid = lax.axis_index("s") * NC + lax.axis_index("c")

    pltpu.sync_copy(tab.at[0, wid], csrc_v)
    pltpu.sync_copy(tab.at[1, wid], cdst_v)
    pltpu.sync_copy(tab.at[2, wid], zdst_v)
    csv = [csrc_v[pl.ds(16 * c, 16)] for c in range(-(-kc // 16))]
    cdv = [cdst_v[pl.ds(16 * c, 16)] for c in range(-(-kc // 16))]
    zdv = [zdst_v[pl.ds(16 * c, 16)] for c in range(-(-kz // 16))]

    def _idx(vs, k):
        return vs[k // 16][k % 16]

    zeros16 = jnp.zeros((16,), jnp.float32)
    nw16 = W // 16
    HQ = H // 4

    def zero_fire(k, q):
        d = _idx(zdv, k)
        pltpu.async_copy(zb, out.at[pl.ds(d, 1), pl.ds(q * HQ, HQ)], semz)

    def zero_drain(k, q):
        d = _idx(zdv, k)
        pltpu.make_async_copy(
            zb, out.at[pl.ds(d, 1), pl.ds(q * HQ, HQ)], semz).wait()

    bufs = (b0, b1)
    gsems = (sg0, sg1)
    ssems = (ss0, ss1)

    def gather_fire(k):
        s = _idx(csv, k)
        pltpu.async_copy(xf.at[pl.ds(s, 1)], bufs[k % 2], gsems[k % 2])

    def gather_wait(k):
        s = _idx(csv, k)
        pltpu.make_async_copy(
            xf.at[pl.ds(s, 1)], bufs[k % 2], gsems[k % 2]).wait()

    def scatter_fire(k):
        d = _idx(cdv, k)
        pltpu.async_copy(bufs[k % 2], out.at[pl.ds(d, 1)], ssems[k % 2])

    def scatter_wait(k):
        d = _idx(cdv, k)
        pltpu.make_async_copy(
            bufs[k % 2], out.at[pl.ds(d, 1)], ssems[k % 2]).wait()

    if kc > 0:
        gather_fire(0)

    def zfill(t, carry):
        zb[0, t // nw16, pl.ds((t % nw16) * 16, 16)] = zeros16
        return carry

    lax.fori_loop(0, HQ * nw16, zfill, 0)

    for k in range(kc):
        if k >= 1:
            scatter_wait(k - 1)
        if k + 1 < kc:
            gather_fire(k + 1)
        if k < kz:
            for q in range(4):
                zero_fire(k, q)
        if 2 <= k and k - 2 < kz:
            for q in range(4):
                zero_drain(k - 2, q)
        gather_wait(k)
        scatter_fire(k)
    if kc > 0:
        scatter_wait(kc - 1)
    for k in range(kc, kz):
        for q in range(4):
            zero_fire(k, q)
    for k in range(max(min(kc - 2, kz), 0), kz):
        for q in range(4):
            zero_drain(k, q)


def kernel(x, in_channels, out_channels):
    B, C_in, H, W = x.shape
    C_out = out_channels.shape[0]

    jmax = max(C_in, C_out - C_in)
    io = jnp.arange(C_out, dtype=jnp.int32)
    m_in = jnp.pad((in_channels != 0).astype(jnp.int32), (0, C_out - C_in))
    m_out = (out_channels != 0).astype(jnp.int32)
    cs_in = jnp.cumsum(m_in) - 1
    cs_out = jnp.cumsum(m_out) - 1
    ranks3 = jnp.stack([cs_in, cs_out, io - cs_out - 1])
    masks3 = jnp.stack([m_in, m_out, 1 - m_out])
    j = jnp.arange(jmax, dtype=jnp.int32)
    sel = (ranks3[:, None, :] == j[None, :, None]) & (masks3[:, None, :] == 1)
    pos3 = (sel.astype(jnp.int32) * io[None, None, :]).sum(-1)

    b = jnp.arange(B, dtype=jnp.int32)
    strides3 = jnp.array([C_in, C_out, C_out], dtype=jnp.int32)
    planes3 = (b[None, :, None] * strides3[:, None, None]
               + pos3[:, None, :])

    kc = -(-(B * C_in) // NW)
    kz = -(-(B * (C_out - C_in)) // NW)
    kp = -(-max(kc, kz) // 128) * 128

    def worker_rows(rows, k):
        t = _pad_rows(rows, NW * k).reshape(NW, k)
        return jnp.pad(t, ((0, 0), (0, kp - k)))

    tab = jnp.stack([
        worker_rows(planes3[0, :, :C_in].reshape(-1), kc),
        worker_rows(planes3[1, :, :C_in].reshape(-1), kc),
        worker_rows(planes3[2, :, :C_out - C_in].reshape(-1), kz),
    ])

    xf = x.reshape(B * C_in, H, W)

    mesh = plsc.VectorSubcoreMesh(
        core_axis_name="c", subcore_axis_name="s",
        num_cores=NC, num_subcores=NS)
    body = functools.partial(_sc_body, kc, kz, H, W)
    out = pl.kernel(
        body,
        out_type=jax.ShapeDtypeStruct((B * C_out, H, W), jnp.float32),
        mesh=mesh,
        compiler_params=pltpu.CompilerParams(use_tc_tiling_on_sc=True),
        scratch_types=[
            pltpu.VMEM((kp,), jnp.int32),
            pltpu.VMEM((kp,), jnp.int32),
            pltpu.VMEM((kp,), jnp.int32),
            pltpu.VMEM((1, H, W), jnp.float32),
            pltpu.VMEM((1, H, W), jnp.float32),
            pltpu.VMEM((1, H // 4, W), jnp.float32),
            pltpu.SemaphoreType.DMA,
            pltpu.SemaphoreType.DMA,
            pltpu.SemaphoreType.DMA,
            pltpu.SemaphoreType.DMA,
            pltpu.SemaphoreType.DMA,
        ],
    )(xf, tab)
    return out.reshape(B, C_out, H, W)

# --- scband reference (transcript-rebuilt; emitter-appended) ---
"""Pipeline reference for scband-channel-mapper-14963666059471 (READ-ONLY COPY).

The authoritative reference and input builder live on the scoring server;
editing this copy changes nothing except your own understanding.
"""

import jax, jax.numpy as jnp
import numpy as np


def setup_inputs(seed: int = 0) -> dict:
    key = jax.random.key(seed)
    x = jax.random.normal(key, (4, 96, 224, 224), dtype=jnp.float32)
    in_channels = jnp.ones((96,), dtype=jnp.int32)
    out_channels = jnp.concatenate([jnp.ones((96,), dtype=jnp.int32), jnp.zeros((96,), dtype=jnp.int32)])
    return {"x": x, "in_channels": in_channels, "out_channels": out_channels}


def reference(x, in_channels, out_channels):
    # Faithful translation of ChannelMapper.forward for the mismatched-length branch:
    # len(in_channels)=96 != len(out_channels)=192
    # x = x[:, nonzero(in_channels), :, :]
    in_idx = jnp.where(in_channels != 0, size=in_channels.shape[0])[0]
    xs = x[:, in_idx, :, :]
    # new_x = zeros(B, len(out_channels), H, W); new_x[:, nonzero(out_channels)] = xs
    out_idx = jnp.where(out_channels != 0, size=in_channels.shape[0])[0]
    new_x = jnp.zeros((x.shape[0], out_channels.shape[0], x.shape[2], x.shape[3]), dtype=x.dtype)
    new_x = new_x.at[:, out_idx, :, :].set(xs)
    return new_x

if __name__ == "__main__":
    import jax
    _d = setup_inputs()
    print(jax.jit(kernel)(*tuple(_d.values())))

</pallas_src>

<mosaic_0001>
#map = affine_map<(d0, d1) -> (0, 0, 0)>
module attributes {stable_mosaic.version = 14 : i64} {
  func.func @_sc_body(%arg0: i32, %arg1: i32, %arg2: memref<384x224x224xf32, #tpu.memory_space<hbm>>, %arg3: memref<3x32x128xi32, #tpu.memory_space<hbm>>, %arg4: memref<768x224x224xf32, #tpu.memory_space<hbm>>, %arg5: memref<128xi32, #tpu.memory_space<vmem>>, %arg6: memref<128xi32, #tpu.memory_space<vmem>>, %arg7: memref<128xi32, #tpu.memory_space<vmem>>, %arg8: memref<1x224x224xf32, #tpu.memory_space<vmem>>, %arg9: memref<1x224x224xf32, #tpu.memory_space<vmem>>, %arg10: memref<1x56x224xf32, #tpu.memory_space<vmem>>, %arg11: memref<!tpu.dma_semaphore, #tpu.memory_space<semaphore_mem>>, %arg12: memref<!tpu.dma_semaphore, #tpu.memory_space<semaphore_mem>>, %arg13: memref<!tpu.dma_semaphore, #tpu.memory_space<semaphore_mem>>, %arg14: memref<!tpu.dma_semaphore, #tpu.memory_space<semaphore_mem>>, %arg15: memref<!tpu.dma_semaphore, #tpu.memory_space<semaphore_mem>>) attributes {dimension_semantics = [#tpu.dimension_semantics<core_parallel>, #tpu.dimension_semantics<subcore_parallel>], iteration_bounds = array<i64: 2, 16>, scalar_prefetch = 0 : i64, scratch_operands = 11 : i64, tpu.core_type = #tpu.core_type<sc_vector_subcore>, window_params = [{transform_indices = #map}, {transform_indices = #map}, {transform_indices = #map}]} {
    %mul3A = arith.constant 2 : i32
    %mul3A_0 = arith.muli %arg1, %mul3A : i32
    %add3A = arith.addi %mul3A_0, %arg0 : i32
    %run_scoped3A = arith.constant 0 : i32
    "tpu.region"() ({
      %run_scoped3A_1165 = tpu.sem_alloc : memref<!tpu.dma_semaphore, #tpu.memory_space<semaphore_mem>>
      %dma_start3A_1166 = arith.constant 0 : i32
      %dma_start3A_1167 = tpu.memref_slice %arg3[%run_scoped3A, %add3A, %dma_start3A_1166] : memref<3x32x128xi32, #tpu.memory_space<hbm>> -> memref<1x1x128xi32, #tpu.memory_space<hbm>>
      %dma_start3A_1168 = tpu.memref_squeeze %dma_start3A_1167 : memref<1x1x128xi32, #tpu.memory_space<hbm>> -> memref<128xi32, #tpu.memory_space<hbm>>
      %dma_start3A_1169 = arith.constant 0 : i32
      %dma_start3A_1170 = tpu.memref_slice %arg3[%run_scoped3A, %add3A, %dma_start3A_1169] : memref<3x32x128xi32, #tpu.memory_space<hbm>> -> memref<1x1x128xi32, #tpu.memory_space<hbm>>
      %dma_start3A_1171 = tpu.memref_squeeze %dma_start3A_1170 : memref<1x1x128xi32, #tpu.memory_space<hbm>> -> memref<128xi32, #tpu.memory_space<hbm>>
      tpu.enqueue_dma source(%dma_start3A_1171 : memref<128xi32, #tpu.memory_space<hbm>>) target(%arg5 : memref<128xi32, #tpu.memory_space<vmem>>) target_semaphore(%run_scoped3A_1165 : memref<!tpu.dma_semaphore, #tpu.memory_space<semaphore_mem>>)
      %dma_wait3A_1172 = arith.constant 0 : i32
      %dma_wait3A_1173 = tpu.memref_slice %arg3[%run_scoped3A, %add3A, %dma_wait3A_1172] : memref<3x32x128xi32, #tpu.memory_space<hbm>> -> memref<1x1x128xi32, #tpu.memory_space<hbm>>
      %dma_wait3A_1174 = tpu.memref_squeeze %dma_wait3A_1173 : memref<1x1x128xi32, #tpu.memory_space<hbm>> -> memref<128xi32, #tpu.memory_space<hbm>>
      %dma_wait3A_1175 = arith.constant 0 : i32
      %dma_wait3A_1176 = tpu.memref_slice %arg3[%run_scoped3A, %add3A, %dma_wait3A_1175] : memref<3x32x128xi32, #tpu.memory_space<hbm>> -> memref<1x1x128xi32, #tpu.memory_space<hbm>>
      %dma_wait3A_1177 = tpu.memref_squeeze %dma_wait3A_1176 : memref<1x1x128xi32, #tpu.memory_space<hbm>> -> memref<128xi32, #tpu.memory_space<hbm>>
      tpu.wait_dma2 semaphore(%run_scoped3A_1165 : memref<!tpu.dma_semaphore, #tpu.memory_space<semaphore_mem>>) src(%dma_wait3A_1177 : memref<128xi32, #tpu.memory_space<hbm>>) dst(%arg5 : memref<128xi32, #tpu.memory_space<vmem>>)
      tpu.yield
    }) : () -> ()
    %run_scoped3A_1 = arith.constant 1 : i32
    "tpu.region"() ({
      %run_scoped3A_1165 = tpu.sem_alloc : memref<!tpu.dma_semaphore, #tpu.memory_space<semaphore_mem>>
      %dma_start3A_1166 = arith.constant 0 : i32
      %dma_start3A_1167 = tpu.memref_slice %arg3[%run_scoped3A_1, %add3A, %dma_start3A_1166] : memref<3x32x128xi32, #tpu.memory_space<hbm>> -> memref<1x1x128xi32, #tpu.memory_space<hbm>>
      %dma_start3A_1168 = tpu.memref_squeeze %dma_start3A_1167 : memref<1x1x128xi32, #tpu.memory_space<hbm>> -> memref<128xi32, #tpu.memory_space<hbm>>
      %dma_start3A_1169 = arith.constant 0 : i32
      %dma_start3A_1170 = tpu.memref_slice %arg3[%run_scoped3A_1, %add3A, %dma_start3A_1169] : memref<3x32x128xi32, #tpu.memory_space<hbm>> -> memref<1x1x128xi32, #tpu.memory_space<hbm>>
      %dma_start3A_1171 = tpu.memref_squeeze %dma_start3A_1170 : memref<1x1x128xi32, #tpu.memory_space<hbm>> -> memref<128xi32, #tpu.memory_space<hbm>>
      tpu.enqueue_dma source(%dma_start3A_1171 : memref<128xi32, #tpu.memory_space<hbm>>) target(%arg6 : memref<128xi32, #tpu.memory_space<vmem>>) target_semaphore(%run_scoped3A_1165 : memref<!tpu.dma_semaphore, #tpu.memory_space<semaphore_mem>>)
      %dma_wait3A_1172 = arith.constant 0 : i32
      %dma_wait3A_1173 = tpu.memref_slice %arg3[%run_scoped3A_1, %add3A, %dma_wait3A_1172] : memref<3x32x128xi32, #tpu.memory_space<hbm>> -> memref<1x1x128xi32, #tpu.memory_space<hbm>>
      %dma_wait3A_1174 = tpu.memref_squeeze %dma_wait3A_1173 : memref<1x1x128xi32, #tpu.memory_space<hbm>> -> memref<128xi32, #tpu.memory_space<hbm>>
      %dma_wait3A_1175 = arith.constant 0 : i32
      %dma_wait3A_1176 = tpu.memref_slice %arg3[%run_scoped3A_1, %add3A, %dma_wait3A_1175] : memref<3x32x128xi32, #tpu.memory_space<hbm>> -> memref<1x1x128xi32, #tpu.memory_space<hbm>>
      %dma_wait3A_1177 = tpu.memref_squeeze %dma_wait3A_1176 : memref<1x1x128xi32, #tpu.memory_space<hbm>> -> memref<128xi32, #tpu.memory_space<hbm>>
      tpu.wait_dma2 semaphore(%run_scoped3A_1165 : memref<!tpu.dma_semaphore, #tpu.memory_space<semaphore_mem>>) src(%dma_wait3A_1177 : memref<128xi32, #tpu.memory_space<hbm>>) dst(%arg6 : memref<128xi32, #tpu.memory_space<vmem>>)
      tpu.yield
    }) : () -> ()
    %run_scoped3A_2 = arith.constant 2 : i32
    "tpu.region"() ({
      %run_scoped3A_1165 = tpu.sem_alloc : memref<!tpu.dma_semaphore, #tpu.memory_space<semaphore_mem>>
      %dma_start3A_1166 = arith.constant 0 : i32
      %dma_start3A_1167 = tpu.memref_slice %arg3[%run_scoped3A_2, %add3A, %dma_start3A_1166] : memref<3x32x128xi32, #tpu.memory_space<hbm>> -> memref<1x1x128xi32, #tpu.memory_space<hbm>>
      %dma_start3A_1168 = tpu.memref_squeeze %dma_start3A_1167 : memref<1x1x128xi32, #tpu.memory_space<hbm>> -> memref<128xi32, #tpu.memory_space<hbm>>
      %dma_start3A_1169 = arith.constant 0 : i32
      %dma_start3A_1170 = tpu.memref_slice %arg3[%run_scoped3A_2, %add3A, %dma_start3A_1169] : memref<3x32x128xi32, #tpu.memory_space<hbm>> -> memref<1x1x128xi32, #tpu.memory_space<hbm>>
      %dma_start3A_1171 = tpu.memref_squeeze %dma_start3A_1170 : memref<1x1x128xi32, #tpu.memory_space<hbm>> -> memref<128xi32, #tpu.memory_space<hbm>>
      tpu.enqueue_dma source(%dma_start3A_1171 : memref<128xi32, #tpu.memory_space<hbm>>) target(%arg7 : memref<128xi32, #tpu.memory_space<vmem>>) target_semaphore(%run_scoped3A_1165 : memref<!tpu.dma_semaphore, #tpu.memory_space<semaphore_mem>>)
      %dma_wait3A_1172 = arith.constant 0 : i32
      %dma_wait3A_1173 = tpu.memref_slice %arg3[%run_scoped3A_2, %add3A, %dma_wait3A_1172] : memref<3x32x128xi32, #tpu.memory_space<hbm>> -> memref<1x1x128xi32, #tpu.memory_space<hbm>>
      %dma_wait3A_1174 = tpu.memref_squeeze %dma_wait3A_1173 : memref<1x1x128xi32, #tpu.memory_space<hbm>> -> memref<128xi32, #tpu.memory_space<hbm>>
      %dma_wait3A_1175 = arith.constant 0 : i32
      %dma_wait3A_1176 = tpu.memref_slice %arg3[%run_scoped3A_2, %add3A, %dma_wait3A_1175] : memref<3x32x128xi32, #tpu.memory_space<hbm>> -> memref<1x1x128xi32, #tpu.memory_space<hbm>>
      %dma_wait3A_1177 = tpu.memref_squeeze %dma_wait3A_1176 : memref<1x1x128xi32, #tpu.memory_space<hbm>> -> memref<128xi32, #tpu.memory_space<hbm>>
      tpu.wait_dma2 semaphore(%run_scoped3A_1165 : memref<!tpu.dma_semaphore, #tpu.memory_space<semaphore_mem>>) src(%dma_wait3A_1177 : memref<128xi32, #tpu.memory_space<hbm>>) dst(%arg7 : memref<128xi32, #tpu.memory_space<vmem>>)
      tpu.yield
    }) : () -> ()
    %get3A = arith.constant 0 : index
    %get3A_3 = tpu.vector_load %arg5[%get3A] {strides = array<i32>} : memref<128xi32, #tpu.memory_space<vmem>>, vector<16xi32>,
    %get3A_4 = vector.shape_cast %get3A_3 : vector<16xi32> to vector<16xi32>
    %get3A_5 = arith.constant 0 : index
    %get3A_6 = tpu.vector_load %arg6[%get3A_5] {strides = array<i32>} : memref<128xi32, #tpu.memory_space<vmem>>, vector<16xi32>,
    %get3A_7 = vector.shape_cast %get3A_6 : vector<16xi32> to vector<16xi32>
    %get3A_8 = arith.constant 0 : index
    %get3A_9 = tpu.vector_load %arg7[%get3A_8] {strides = array<i32>} : memref<128xi32, #tpu.memory_space<vmem>>, vector<16xi32>,
    %get3A_10 = vector.shape_cast %get3A_9 : vector<16xi32> to vector<16xi32>
    %broadcast_in_dim3A = arith.constant 0.000000e+00 : f32
    %broadcast_in_dim3A_11 = vector.broadcast %broadcast_in_dim3A : f32 to vector<16xf32>
    %slice3A = vector.extract_strided_slice %get3A_4 {offsets = [0], sizes = [1], strides = [1]} : vector<16xi32> to vector<1xi32>
    %squeeze3A = vector.extract %slice3A[0] : i32 from vector<1xi32>
    %dma_start3A = arith.constant 0 : i32
    %dma_start3A_12 = arith.constant 0 : i32
    %dma_start3A_13 = tpu.memref_slice %arg2[%squeeze3A, %dma_start3A, %dma_start3A_12] : memref<384x224x224xf32, #tpu.memory_space<hbm>> -> memref<1x224x224xf32, #tpu.memory_space<hbm>>
    %dma_start3A_14 = arith.constant 0 : i32
    %dma_start3A_15 = arith.constant 0 : i32
    %dma_start3A_16 = tpu.memref_slice %arg2[%squeeze3A, %dma_start3A_14, %dma_start3A_15] : memref<384x224x224xf32, #tpu.memory_space<hbm>> -> memref<1x224x224xf32, #tpu.memory_space<hbm>>
    tpu.enqueue_dma source(%dma_start3A_16 : memref<1x224x224xf32, #tpu.memory_space<hbm>>) target(%arg8 : memref<1x224x224xf32, #tpu.memory_space<vmem>>) target_semaphore(%arg11 : memref<!tpu.dma_semaphore, #tpu.memory_space<semaphore_mem>>)
    %scan3A = arith.constant 0 : i32
    %scan3A_17 = arith.constant 0 : i32
    %scan3A_18 = arith.constant 784 : i32
    %scan3A_19 = arith.addi %scan3A_17, %scan3A_18 : i32
    %scan3A_20 = arith.constant 1 : i32
    scf.for %scan3A_1165 = %scan3A_17 to %scan3A_19 step %scan3A_20  : i32 {
      %jit3A = arith.constant 14 : i32
      %div3A = arith.divsi %scan3A_1165, %jit3A : i32
      %sign3A = arith.constant 0 : i32
      %sign3A_1166 = arith.cmpi sgt, %scan3A_1165, %sign3A : i32
      %sign3A_1167 = arith.extui %sign3A_1166 : i1 to i32
      %sign3A_1168 = arith.constant 0 : i32
      %sign3A_1169 = arith.cmpi slt, %scan3A_1165, %sign3A_1168 : i32
      %sign3A_1170 = arith.extui %sign3A_1169 : i1 to i32
      %sign3A_1171 = arith.subi %sign3A_1167, %sign3A_1170 : i32
      %sign3A_1172 = arith.constant 0 : i32
      %sign3A_1173 = arith.cmpi sgt, %jit3A, %sign3A_1172 : i32
      %sign3A_1174 = arith.extui %sign3A_1173 : i1 to i32
      %sign3A_1175 = arith.constant 0 : i32
      %sign3A_1176 = arith.cmpi slt, %jit3A, %sign3A_1175 : i32
      %sign3A_1177 = arith.extui %sign3A_1176 : i1 to i32
      %sign3A_1178 = arith.subi %sign3A_1174, %sign3A_1177 : i32
      %ne3A = arith.cmpi ne, %sign3A_1171, %sign3A_1178 : i32
      %rem3A = arith.remsi %scan3A_1165, %jit3A : i32
      %ne3A_1179 = arith.constant 0 : i32
      %ne3A_1180 = arith.cmpi ne, %rem3A, %ne3A_1179 : i32
      %and3A = arith.andi %ne3A, %ne3A_1180 : i1
      %sub3A = arith.constant 1 : i32
      %sub3A_1181 = arith.subi %div3A, %sub3A : i32
      %select_n3A = arith.select %and3A, %sub3A_1181, %div3A : i32
      %jit3A_1182 = arith.constant 14 : i32
      %eq3A = arith.constant 0 : i32
      %eq3A_1183 = arith.cmpi eq, %jit3A_1182, %eq3A : i32
      %jit3A_1184 = arith.constant 1 : i32
      %select_n3A_1185 = arith.select %eq3A_1183, %jit3A_1184, %jit3A_1182 : i32
      %rem3A_1186 = arith.remsi %scan3A_1165, %select_n3A_1185 : i32
      %ne3A_1187 = arith.constant 0 : i32
      %ne3A_1188 = arith.cmpi ne, %rem3A_1186, %ne3A_1187 : i32
      %lt3A = arith.constant 0 : i32
      %lt3A_1189 = arith.cmpi slt, %rem3A_1186, %lt3A : i32
      %lt3A_1190 = arith.constant 0 : i32
      %lt3A_1191 = arith.cmpi slt, %select_n3A_1185, %lt3A_1190 : i32
      %ne3A_1192 = arith.xori %lt3A_1189, %lt3A_1191 : i1
      %and3A_1193 = arith.andi %ne3A_1192, %ne3A_1188 : i1
      %add3A_1194 = arith.addi %rem3A_1186, %select_n3A_1185 : i32
      %select_n3A_1195 = arith.select %and3A_1193, %add3A_1194, %rem3A_1186 : i32
      %mul3A_1196 = arith.constant 16 : i32
      %mul3A_1197 = arith.muli %select_n3A_1195, %mul3A_1196 : i32
      %swap3A = arith.constant 0 : i32
      %swap3A_1198 = arith.index_cast %swap3A : i32 to index
      %swap3A_1199 = arith.index_cast %select_n3A : i32 to index
      %swap3A_1200 = arith.index_cast %mul3A_1197 : i32 to index
      %swap3A_1201 = tpu.vector_load %arg10[%swap3A_1198, %swap3A_1199, %swap3A_1200] {strides = array<i32>} : memref<1x56x224xf32, #tpu.memory_space<vmem>>, vector<1x1x16xf32>,
      %swap3A_1202 = vector.shape_cast %swap3A_1201 : vector<1x1x16xf32> to vector<16xf32>
      %swap3A_1203 = vector.shape_cast %broadcast_in_dim3A_11 : vector<16xf32> to vector<1x1x16xf32>
      tpu.vector_store %arg10[%swap3A_1198, %swap3A_1199, %swap3A_1200], %swap3A_1203 {strides = array<i32>} : memref<1x56x224xf32, #tpu.memory_space<vmem>>, vector<1x1x16xf32>,
    }
    %scan3A_21 = arith.constant 784 : i32
    %slice3A_22 = vector.extract_strided_slice %get3A_4 {offsets = [1], sizes = [1], strides = [1]} : vector<16xi32> to vector<1xi32>
    %squeeze3A_23 = vector.extract %slice3A_22[0] : i32 from vector<1xi32>
    %dma_start3A_24 = arith.constant 0 : i32
    %dma_start3A_25 = arith.constant 0 : i32
    %dma_start3A_26 = tpu.memref_slice %arg2[%squeeze3A_23, %dma_start3A_24, %dma_start3A_25] : memref<384x224x224xf32, #tpu.memory_space<hbm>> -> memref<1x224x224xf32, #tpu.memory_space<hbm>>
    %dma_start3A_27 = arith.constant 0 : i32
    %dma_start3A_28 = arith.constant 0 : i32
    %dma_start3A_29 = tpu.memref_slice %arg2[%squeeze3A_23, %dma_start3A_27, %dma_start3A_28] : memref<384x224x224xf32, #tpu.memory_space<hbm>> -> memref<1x224x224xf32, #tpu.memory_space<hbm>>
    tpu.enqueue_dma source(%dma_start3A_29 : memref<1x224x224xf32, #tpu.memory_space<hbm>>) target(%arg9 : memref<1x224x224xf32, #tpu.memory_space<vmem>>) target_semaphore(%arg12 : memref<!tpu.dma_semaphore, #tpu.memory_space<semaphore_mem>>)
    %slice3A_30 = vector.extract_strided_slice %get3A_10 {offsets = [0], sizes = [1], strides = [1]} : vector<16xi32> to vector<1xi32>
    %squeeze3A_31 = vector.extract %slice3A_30[0] : i32 from vector<1xi32>
    %dma_start3A_32 = arith.constant 0 : i32
    %dma_start3A_33 = arith.constant 0 : i32
    %dma_start3A_34 = tpu.memref_slice %arg4[%squeeze3A_31, %dma_start3A_32, %dma_start3A_33] : memref<768x224x224xf32, #tpu.memory_space<hbm>> -> memref<1x56x224xf32, #tpu.memory_space<hbm>>
    %dma_start3A_35 = arith.constant 0 : i32
    %dma_start3A_36 = arith.constant 0 : i32
    %dma_start3A_37 = tpu.memref_slice %arg4[%squeeze3A_31, %dma_start3A_35, %dma_start3A_36] : memref<768x224x224xf32, #tpu.memory_space<hbm>> -> memref<1x56x224xf32, #tpu.memory_space<hbm>>
    tpu.enqueue_dma source(%arg10 : memref<1x56x224xf32, #tpu.memory_space<vmem>>) target(%dma_start3A_37 : memref<1x56x224xf32, #tpu.memory_space<hbm>>) target_semaphore(%arg15 : memref<!tpu.dma_semaphore, #tpu.memory_space<semaphore_mem>>)
    %slice3A_38 = vector.extract_strided_slice %get3A_10 {offsets = [0], sizes = [1], strides = [1]} : vector<16xi32> to vector<1xi32>
    %squeeze3A_39 = vector.extract %slice3A_38[0] : i32 from vector<1xi32>
    %dma_start3A_40 = arith.constant 56 : i32
    %dma_start3A_41 = arith.constant 0 : i32
    %dma_start3A_42 = tpu.memref_slice %arg4[%squeeze3A_39, %dma_start3A_40, %dma_start3A_41] : memref<768x224x224xf32, #tpu.memory_space<hbm>> -> memref<1x56x224xf32, #tpu.memory_space<hbm>>
    %dma_start3A_43 = arith.constant 56 : i32
    %dma_start3A_44 = arith.constant 0 : i32
    %dma_start3A_45 = tpu.memref_slice %arg4[%squeeze3A_39, %dma_start3A_43, %dma_start3A_44] : memref<768x224x224xf32, #tpu.memory_space<hbm>> -> memref<1x56x224xf32, #tpu.memory_space<hbm>>
    tpu.enqueue_dma source(%arg10 : memref<1x56x224xf32, #tpu.memory_space<vmem>>) target(%dma_start3A_45 : memref<1x56x224xf32, #tpu.memory_space<hbm>>) target_semaphore(%arg15 : memref<!tpu.dma_semaphore, #tpu.memory_space<semaphore_mem>>)
    %slice3A_46 = vector.extract_strided_slice %get3A_10 {offsets = [0], sizes = [1], strides = [1]} : vector<16xi32> to vector<1xi32>
    %squeeze3A_47 = vector.extract %slice3A_46[0] : i32 from vector<1xi32>
    %dma_start3A_48 = arith.constant 112 : i32
    %dma_start3A_49 = arith.constant 0 : i32
    %dma_start3A_50 = tpu.memref_slice %arg4[%squeeze3A_47, %dma_start3A_48, %dma_start3A_49] : memref<768x224x224xf32, #tpu.memory_space<hbm>> -> memref<1x56x224xf32, #tpu.memory_space<hbm>>
    %dma_start3A_51 = arith.constant 112 : i32
    %dma_start3A_52 = arith.constant 0 : i32
    %dma_start3A_53 = tpu.memref_slice %arg4[%squeeze3A_47, %dma_start3A_51, %dma_start3A_52] : memref<768x224x224xf32, #tpu.memory_space<hbm>> -> memref<1x56x224xf32, #tpu.memory_space<hbm>>
    tpu.enqueue_dma source(%arg10 : memref<1x56x224xf32, #tpu.memory_space<vmem>>) target(%dma_start3A_53 : memref<1x56x224xf32, #tpu.memory_space<hbm>>) target_semaphore(%arg15 : memref<!tpu.dma_semaphore, #tpu.memory_space<semaphore_mem>>)
    %slice3A_54 = vector.extract_strided_slice %get3A_10 {offsets = [0], sizes = [1], strides = [1]} : vector<16xi32> to vector<1xi32>
    %squeeze3A_55 = vector.extract %slice3A_54[0] : i32 from vector<1xi32>
    %dma_start3A_56 = arith.constant 168 : i32
    %dma_start3A_57 = arith.constant 0 : i32
    %dma_start3A_58 = tpu.memref_slice %arg4[%squeeze3A_55, %dma_start3A_56, %dma_start3A_57] : memref<768x224x224xf32, #tpu.memory_space<hbm>> -> memref<1x56x224xf32, #tpu.memory_space<hbm>>
    %dma_start3A_59 = arith.constant 168 : i32
    %dma_start3A_60 = arith.constant 0 : i32
    %dma_start3A_61 = tpu.memref_slice %arg4[%squeeze3A_55, %dma_start3A_59, %dma_start3A_60] : memref<768x224x224xf32, #tpu.memory_space<hbm>> -> memref<1x56x224xf32, #tpu.memory_space<hbm>>
    tpu.enqueue_dma source(%arg10 : memref<1x56x224xf32, #tpu.memory_space<vmem>>) target(%dma_start3A_61 : memref<1x56x224xf32, #tpu.memory_space<hbm>>) target_semaphore(%arg15 : memref<!tpu.dma_semaphore, #tpu.memory_space<semaphore_mem>>)
    %slice3A_62 = vector.extract_strided_slice %get3A_4 {offsets = [0], sizes = [1], strides = [1]} : vector<16xi32> to vector<1xi32>
    %squeeze3A_63 = vector.extract %slice3A_62[0] : i32 from vector<1xi32>
    %dma_wait3A = arith.constant 0 : i32
    %dma_wait3A_64 = arith.constant 0 : i32
    %dma_wait3A_65 = tpu.memref_slice %arg2[%squeeze3A_63, %dma_wait3A, %dma_wait3A_64] : memref<384x224x224xf32, #tpu.memory_space<hbm>> -> memref<1x224x224xf32, #tpu.memory_space<hbm>>
    %dma_wait3A_66 = arith.constant 0 : i32
    %dma_wait3A_67 = arith.constant 0 : i32
    %dma_wait3A_68 = tpu.memref_slice %arg2[%squeeze3A_63, %dma_wait3A_66, %dma_wait3A_67] : memref<384x224x224xf32, #tpu.memory_space<hbm>> -> memref<1x224x224xf32, #tpu.memory_space<hbm>>
    tpu.wait_dma2 semaphore(%arg11 : memref<!tpu.dma_semaphore, #tpu.memory_space<semaphore_mem>>) src(%dma_wait3A_68 : memref<1x224x224xf32, #tpu.memory_space<hbm>>) dst(%arg8 : memref<1x224x224xf32, #tpu.memory_space<vmem>>)
    %slice3A_69 = vector.extract_strided_slice %get3A_7 {offsets = [0], sizes = [1], strides = [1]} : vector<16xi32> to vector<1xi32>
    %squeeze3A_70 = vector.extract %slice3A_69[0] : i32 from vector<1xi32>
    %dma_start3A_71 = arith.constant 0 : i32
    %dma_start3A_72 = arith.constant 0 : i32
    %dma_start3A_73 = tpu.memref_slice %arg4[%squeeze3A_70, %dma_start3A_71, %dma_start3A_72] : memref<768x224x224xf32, #tpu.memory_space<hbm>> -> memref<1x224x224xf32, #tpu.memory_space<hbm>>
    %dma_start3A_74 = arith.constant 0 : i32
    %dma_start3A_75 = arith.constant 0 : i32
    %dma_start3A_76 = tpu.memref_slice %arg4[%squeeze3A_70, %dma_start3A_74, %dma_start3A_75] : memref<768x224x224xf32, #tpu.memory_space<hbm>> -> memref<1x224x224xf32, #tpu.memory_space<hbm>>
    tpu.enqueue_dma source(%arg8 : memref<1x224x224xf32, #tpu.memory_space<vmem>>) target(%dma_start3A_76 : memref<1x224x224xf32, #tpu.memory_space<hbm>>) target_semaphore(%arg13 : memref<!tpu.dma_semaphore, #tpu.memory_space<semaphore_mem>>)
    %slice3A_77 = vector.extract_strided_slice %get3A_7 {offsets = [0], sizes = [1], strides = [1]} : vector<16xi32> to vector<1xi32>
    %squeeze3A_78 = vector.extract %slice3A_77[0] : i32 from vector<1xi32>
    %dma_wait3A_79 = arith.constant 0 : i32
    %dma_wait3A_80 = arith.constant 0 : i32
    %dma_wait3A_81 = tpu.memref_slice %arg4[%squeeze3A_78, %dma_wait3A_79, %dma_wait3A_80] : memref<768x224x224xf32, #tpu.memory_space<hbm>> -> memref<1x224x224xf32, #tpu.memory_space<hbm>>
    %dma_wait3A_82 = arith.constant 0 : i32
    %dma_wait3A_83 = arith.constant 0 : i32
    %dma_wait3A_84 = tpu.memref_slice %arg4[%squeeze3A_78, %dma_wait3A_82, %dma_wait3A_83] : memref<768x224x224xf32, #tpu.memory_space<hbm>> -> memref<1x224x224xf32, #tpu.memory_space<hbm>>
    tpu.wait_dma2 semaphore(%arg13 : memref<!tpu.dma_semaphore, #tpu.memory_space<semaphore_mem>>) src(%arg8 : memref<1x224x224xf32, #tpu.memory_space<vmem>>) dst(%dma_wait3A_84 : memref<1x224x224xf32, #tpu.memory_space<hbm>>)
    %slice3A_85 = vector.extract_strided_slice %get3A_4 {offsets = [2], sizes = [1], strides = [1]} : vector<16xi32> to vector<1xi32>
    %squeeze3A_86 = vector.extract %slice3A_85[0] : i32 from vector<1xi32>
    %dma_start3A_87 = arith.constant 0 : i32
    %dma_start3A_88 = arith.constant 0 : i32
    %dma_start3A_89 = tpu.memref_slice %arg2[%squeeze3A_86, %dma_start3A_87, %dma_start3A_88] : memref<384x224x224xf32, #tpu.memory_space<hbm>> -> memref<1x224x224xf32, #tpu.memory_space<hbm>>
    %dma_start3A_90 = arith.constant 0 : i32
    %dma_start3A_91 = arith.constant 0 : i32
    %dma_start3A_92 = tpu.memref_slice %arg2[%squeeze3A_86, %dma_start3A_90, %dma_start3A_91] : memref<384x224x224xf32, #tpu.memory_space<hbm>> -> memref<1x224x224xf32, #tpu.memory_space<hbm>>
    tpu.enqueue_dma source(%dma_start3A_92 : memref<1x224x224xf32, #tpu.memory_space<hbm>>) target(%arg8 : memref<1x224x224xf32, #tpu.memory_space<vmem>>) target_semaphore(%arg11 : memref<!tpu.dma_semaphore, #tpu.memory_space<semaphore_mem>>)
    %slice3A_93 = vector.extract_strided_slice %get3A_10 {offsets = [1], sizes = [1], strides = [1]} : vector<16xi32> to vector<1xi32>
    %squeeze3A_94 = vector.extract %slice3A_93[0] : i32 from vector<1xi32>
    %dma_start3A_95 = arith.constant 0 : i32
    %dma_start3A_96 = arith.constant 0 : i32
    %dma_start3A_97 = tpu.memref_slice %arg4[%squeeze3A_94, %dma_start3A_95, %dma_start3A_96] : memref<768x224x224xf32, #tpu.memory_space<hbm>> -> memref<1x56x224xf32, #tpu.memory_space<hbm>>
    %dma_start3A_98 = arith.constant 0 : i32
    %dma_start3A_99 = arith.constant 0 : i32
    %dma_start3A_100 = tpu.memref_slice %arg4[%squeeze3A_94, %dma_start3A_98, %dma_start3A_99] : memref<768x224x224xf32, #tpu.memory_space<hbm>> -> memref<1x56x224xf32, #tpu.memory_space<hbm>>
    tpu.enqueue_dma source(%arg10 : memref<1x56x224xf32, #tpu.memory_space<vmem>>) target(%dma_start3A_100 : memref<1x56x224xf32, #tpu.memory_space<hbm>>) target_semaphore(%arg15 : memref<!tpu.dma_semaphore, #tpu.memory_space<semaphore_mem>>)
    %slice3A_101 = vector.extract_strided_slice %get3A_10 {offsets = [1], sizes = [1], strides = [1]} : vector<16xi32> to vector<1xi32>
    %squeeze3A_102 = vector.extract %slice3A_101[0] : i32 from vector<1xi32>
    %dma_start3A_103 = arith.constant 56 : i32
    %dma_start3A_104 = arith.constant 0 : i32
    %dma_start3A_105 = tpu.memref_slice %arg4[%squeeze3A_102, %dma_start3A_103, %dma_start3A_104] : memref<768x224x224xf32, #tpu.memory_space<hbm>> -> memref<1x56x224xf32, #tpu.memory_space<hbm>>
    %dma_start3A_106 = arith.constant 56 : i32
    %dma_start3A_107 = arith.constant 0 : i32
    %dma_start3A_108 = tpu.memref_slice %arg4[%squeeze3A_102, %dma_start3A_106, %dma_start3A_107] : memref<768x224x224xf32, #tpu.memory_space<hbm>> -> memref<1x56x224xf32, #tpu.memory_space<hbm>>
    tpu.enqueue_dma source(%arg10 : memref<1x56x224xf32, #tpu.memory_space<vmem>>) target(%dma_start3A_108 : memref<1x56x224xf32, #tpu.memory_space<hbm>>) target_semaphore(%arg15 : memref<!tpu.dma_semaphore, #tpu.memory_space<semaphore_mem>>)
    %slice3A_109 = vector.extract_strided_slice %get3A_10 {offsets = [1], sizes = [1], strides = [1]} : vector<16xi32> to vector<1xi32>
    %squeeze3A_110 = vector.extract %slice3A_109[0] : i32 from vector<1xi32>
    %dma_start3A_111 = arith.constant 112 : i32
    %dma_start3A_112 = arith.constant 0 : i32
    %dma_start3A_113 = tpu.memref_slice %arg4[%squeeze3A_110, %dma_start3A_111, %dma_start3A_112] : memref<768x224x224xf32, #tpu.memory_space<hbm>> -> memref<1x56x224xf32, #tpu.memory_space<hbm>>
    %dma_start3A_114 = arith.constant 112 : i32
    %dma_start3A_115 = arith.constant 0 : i32
    %dma_start3A_116 = tpu.memref_slice %arg4[%squeeze3A_110, %dma_start3A_114, %dma_start3A_115] : memref<768x224x224xf32, #tpu.memory_space<hbm>> -> memref<1x56x224xf32, #tpu.memory_space<hbm>>
    tpu.enqueue_dma source(%arg10 : memref<1x56x224xf32, #tpu.memory_space<vmem>>) target(%dma_start3A_116 : memref<1x56x224xf32, #tpu.memory_space<hbm>>) target_semaphore(%arg15 : memref<!tpu.dma_semaphore, #tpu.memory_space<semaphore_mem>>)
    %slice3A_117 = vector.extract_strided_slice %get3A_10 {offsets = [1], sizes = [1], strides = [1]} : vector<16xi32> to vector<1xi32>
    %squeeze3A_118 = vector.extract %slice3A_117[0] : i32 from vector<1xi32>
    %dma_start3A_119 = arith.constant 168 : i32
    %dma_start3A_120 = arith.constant 0 : i32
    %dma_start3A_121 = tpu.memref_slice %arg4[%squeeze3A_118, %dma_start3A_119, %dma_start3A_120] : memref<768x224x224xf32, #tpu.memory_space<hbm>> -> memref<1x56x224xf32, #tpu.memory_space<hbm>>
    %dma_start3A_122 = arith.constant 168 : i32
    %dma_start3A_123 = arith.constant 0 : i32
    %dma_start3A_124 = tpu.memref_slice %arg4[%squeeze3A_118, %dma_start3A_122, %dma_start3A_123] : memref<768x224x224xf32, #tpu.memory_space<hbm>> -> memref<1x56x224xf32, #tpu.memory_space<hbm>>
    tpu.enqueue_dma source(%arg10 : memref<1x56x224xf32, #tpu.memory_space<vmem>>) target(%dma_start3A_124 : memref<1x56x224xf32, #tpu.memory_space<hbm>>) target_semaphore(%arg15 : memref<!tpu.dma_semaphore, #tpu.memory_space<semaphore_mem>>)
    %slice3A_125 = vector.extract_strided_slice %get3A_4 {offsets = [1], sizes = [1], strides = [1]} : vector<16xi32> to vector<1xi32>
    %squeeze3A_126 = vector.extract %slice3A_125[0] : i32 from vector<1xi32>
    %dma_wait3A_127 = arith.constant 0 : i32
    %dma_wait3A_128 = arith.constant 0 : i32
    %dma_wait3A_129 = tpu.memref_slice %arg2[%squeeze3A_126, %dma_wait3A_127, %dma_wait3A_128] : memref<384x224x224xf32, #tpu.memory_space<hbm>> -> memref<1x224x224xf32, #tpu.memory_space<hbm>>
    %dma_wait3A_130 = arith.constant 0 : i32
    %dma_wait3A_131 = arith.constant 0 : i32
    %dma_wait3A_132 = tpu.memref_slice %arg2[%squeeze3A_126, %dma_wait3A_130, %dma_wait3A_131] : memref<384x224x224xf32, #tpu.memory_space<hbm>> -> memref<1x224x224xf32, #tpu.memory_space<hbm>>
    tpu.wait_dma2 semaphore(%arg12 : memref<!tpu.dma_semaphore, #tpu.memory_space<semaphore_mem>>) src(%dma_wait3A_132 : memref<1x224x224xf32, #tpu.memory_space<hbm>>) dst(%arg9 : memref<1x224x224xf32, #tpu.memory_space<vmem>>)
    %slice3A_133 = vector.extract_strided_slice %get3A_7 {offsets = [1], sizes = [1], strides = [1]} : vector<16xi32> to vector<1xi32>
    %squeeze3A_134 = vector.extract %slice3A_133[0] : i32 from vector<1xi32>
    %dma_start3A_135 = arith.constant 0 : i32
    %dma_start3A_136 = arith.constant 0 : i32
    %dma_start3A_137 = tpu.memref_slice %arg4[%squeeze3A_134, %dma_start3A_135, %dma_start3A_136] : memref<768x224x224xf32, #tpu.memory_space<hbm>> -> memref<1x224x224xf32, #tpu.memory_space<hbm>>
    %dma_start3A_138 = arith.constant 0 : i32
    %dma_start3A_139 = arith.constant 0 : i32
    %dma_start3A_140 = tpu.memref_slice %arg4[%squeeze3A_134, %dma_start3A_138, %dma_start3A_139] : memref<768x224x224xf32, #tpu.memory_space<hbm>> -> memref<1x224x224xf32, #tpu.memory_space<hbm>>
    tpu.enqueue_dma source(%arg9 : memref<1x224x224xf32, #tpu.memory_space<vmem>>) target(%dma_start3A_140 : memref<1x224x224xf32, #tpu.memory_space<hbm>>) target_semaphore(%arg14 : memref<!tpu.dma_semaphore, #tpu.memory_space<semaphore_mem>>)
    %slice3A_141 = vector.extract_strided_slice %get3A_7 {offsets = [1], sizes = [1], strides = [1]} : vector<16xi32> to vector<1xi32>
    %squeeze3A_142 = vector.extract %slice3A_141[0] : i32 from vector<1xi32>
    %dma_wait3A_143 = arith.constant 0 : i32
    %dma_wait3A_144 = arith.constant 0 : i32
    %dma_wait3A_145 = tpu.memref_slice %arg4[%squeeze3A_142, %dma_wait3A_143, %dma_wait3A_144] : memref<768x224x224xf32, #tpu.memory_space<hbm>> -> memref<1x224x224xf32, #tpu.memory_space<hbm>>
    %dma_wait3A_146 = arith.constant 0 : i32
    %dma_wait3A_147 = arith.constant 0 : i32
    %dma_wait3A_148 = tpu.memref_slice %arg4[%squeeze3A_142, %dma_wait3A_146, %dma_wait3A_147] : memref<768x224x224xf32, #tpu.memory_space<hbm>> -> memref<1x224x224xf32, #tpu.memory_space<hbm>>
    tpu.wait_dma2 semaphore(%arg14 : memref<!tpu.dma_semaphore, #tpu.memory_space<semaphore_mem>>) src(%arg9 : memref<1x224x224xf32, #tpu.memory_space<vmem>>) dst(%dma_wait3A_148 : memref<1x224x224xf32, #tpu.memory_space<hbm>>)
    %slice3A_149 = vector.extract_strided_slice %get3A_4 {offsets = [3], sizes = [1], strides = [1]} : vector<16xi32> to vector<1xi32>
    %squeeze3A_150 = vector.extract %slice3A_149[0] : i32 from vector<1xi32>
    %dma_start3A_151 = arith.constant 0 : i32
    %dma_start3A_152 = arith.constant 0 : i32
    %dma_start3A_153 = tpu.memref_slice %arg2[%squeeze3A_150, %dma_start3A_151, %dma_start3A_152] : memref<384x224x224xf32, #tpu.memory_space<hbm>> -> memref<1x224x224xf32, #tpu.memory_space<hbm>>
    %dma_start3A_154 = arith.constant 0 : i32
    %dma_start3A_155 = arith.constant 0 : i32
    %dma_start3A_156 = tpu.memref_slice %arg2[%squeeze3A_150, %dma_start3A_154, %dma_start3A_155] : memref<384x224x224xf32, #tpu.memory_space<hbm>> -> memref<1x224x224xf32, #tpu.memory_space<hbm>>
    tpu.enqueue_dma source(%dma_start3A_156 : memref<1x224x224xf32, #tpu.memory_space<hbm>>) target(%arg9 : memref<1x224x224xf32, #tpu.memory_space<vmem>>) target_semaphore(%arg12 : memref<!tpu.dma_semaphore, #tpu.memory_space<semaphore_mem>>)
    %slice3A_157 = vector.extract_strided_slice %get3A_10 {offsets = [2], sizes = [1], strides = [1]} : vector<16xi32> to vector<1xi32>
    %squeeze3A_158 = vector.extract %slice3A_157[0] : i32 from vector<1xi32>
    %dma_start3A_159 = arith.constant 0 : i32
    %dma_start3A_160 = arith.constant 0 : i32
    %dma_start3A_161 = tpu.memref_slice %arg4[%squeeze3A_158, %dma_start3A_159, %dma_start3A_160] : memref<768x224x224xf32, #tpu.memory_space<hbm>> -> memref<1x56x224xf32, #tpu.memory_space<hbm>>
    %dma_start3A_162 = arith.constant 0 : i32
    %dma_start3A_163 = arith.constant 0 : i32
    %dma_start3A_164 = tpu.memref_slice %arg4[%squeeze3A_158, %dma_start3A_162, %dma_start3A_163] : memref<768x224x224xf32, #tpu.memory_space<hbm>> -> memref<1x56x224xf32, #tpu.memory_space<hbm>>
    tpu.enqueue_dma source(%arg10 : memref<1x56x224xf32, #tpu.memory_space<vmem>>) target(%dma_start3A_164 : memref<1x56x224xf32, #tpu.memory_space<hbm>>) target_semaphore(%arg15 : memref<!tpu.dma_semaphore, #tpu.memory_space<semaphore_mem>>)
    %slice3A_165 = vector.extract_strided_slice %get3A_10 {offsets = [2], sizes = [1], strides = [1]} : vector<16xi32> to vector<1xi32>
    %squeeze3A_166 = vector.extract %slice3A_165[0] : i32 from vector<1xi32>
    %dma_start3A_167 = arith.constant 56 : i32
    %dma_start3A_168 = arith.constant 0 : i32
    %dma_start3A_169 = tpu.memref_slice %arg4[%squeeze3A_166, %dma_start3A_167, %dma_start3A_168] : memref<768x224x224xf32, #tpu.memory_space<hbm>> -> memref<1x56x224xf32, #tpu.memory_space<hbm>>
    %dma_start3A_170 = arith.constant 56 : i32
    %dma_start3A_171 = arith.constant 0 : i32
    %dma_start3A_172 = tpu.memref_slice %arg4[%squeeze3A_166, %dma_start3A_170, %dma_start3A_171] : memref<768x224x224xf32, #tpu.memory_space<hbm>> -> memref<1x56x224xf32, #tpu.memory_space<hbm>>
    tpu.enqueue_dma source(%arg10 : memref<1x56x224xf32, #tpu.memory_space<vmem>>) target(%dma_start3A_172 : memref<1x56x224xf32, #tpu.memory_space<hbm>>) target_semaphore(%arg15 : memref<!tpu.dma_semaphore, #tpu.memory_space<semaphore_mem>>)
    %slice3A_173 = vector.extract_strided_slice %get3A_10 {offsets = [2], sizes = [1], strides = [1]} : vector<16xi32> to vector<1xi32>
    %squeeze3A_174 = vector.extract %slice3A_173[0] : i32 from vector<1xi32>
    %dma_start3A_175 = arith.constant 112 : i32
    %dma_start3A_176 = arith.constant 0 : i32
    %dma_start3A_177 = tpu.memref_slice %arg4[%squeeze3A_174, %dma_start3A_175, %dma_start3A_176] : memref<768x224x224xf32, #tpu.memory_space<hbm>> -> memref<1x56x224xf32, #tpu.memory_space<hbm>>
    %dma_start3A_178 = arith.constant 112 : i32
    %dma_start3A_179 = arith.constant 0 : i32
    %dma_start3A_180 = tpu.memref_slice %arg4[%squeeze3A_174, %dma_start3A_178, %dma_start3A_179] : memref<768x224x224xf32, #tpu.memory_space<hbm>> -> memref<1x56x224xf32, #tpu.memory_space<hbm>>
    tpu.enqueue_dma source(%arg10 : memref<1x56x224xf32, #tpu.memory_space<vmem>>) target(%dma_start3A_180 : memref<1x56x224xf32, #tpu.memory_space<hbm>>) target_semaphore(%arg15 : memref<!tpu.dma_semaphore, #tpu.memory_space<semaphore_mem>>)
    %slice3A_181 = vector.extract_strided_slice %get3A_10 {offsets = [2], sizes = [1], strides = [1]} : vector<16xi32> to vector<1xi32>
    %squeeze3A_182 = vector.extract %slice3A_181[0] : i32 from vector<1xi32>
    %dma_start3A_183 = arith.constant 168 : i32
    %dma_start3A_184 = arith.constant 0 : i32
    %dma_start3A_185 = tpu.memref_slice %arg4[%squeeze3A_182, %dma_start3A_183, %dma_start3A_184] : memref<768x224x224xf32, #tpu.memory_space<hbm>> -> memref<1x56x224xf32, #tpu.memory_space<hbm>>
    %dma_start3A_186 = arith.constant 168 : i32
    %dma_start3A_187 = arith.constant 0 : i32
    %dma_start3A_188 = tpu.memref_slice %arg4[%squeeze3A_182, %dma_start3A_186, %dma_start3A_187] : memref<768x224x224xf32, #tpu.memory_space<hbm>> -> memref<1x56x224xf32, #tpu.memory_space<hbm>>
    tpu.enqueue_dma source(%arg10 : memref<1x56x224xf32, #tpu.memory_space<vmem>>) target(%dma_start3A_188 : memref<1x56x224xf32, #tpu.memory_space<hbm>>) target_semaphore(%arg15 : memref<!tpu.dma_semaphore, #tpu.memory_space<semaphore_mem>>)
    %slice3A_189 = vector.extract_strided_slice %get3A_10 {offsets = [0], sizes = [1], strides = [1]} : vector<16xi32> to vector<1xi32>
    %squeeze3A_190 = vector.extract %slice3A_189[0] : i32 from vector<1xi32>
    %dma_wait3A_191 = arith.constant 0 : i32
    %dma_wait3A_192 = arith.constant 0 : i32
    %dma_wait3A_193 = tpu.memref_slice %arg4[%squeeze3A_190, %dma_wait3A_191, %dma_wait3A_192] : memref<768x224x224xf32, #tpu.memory_space<hbm>> -> memref<1x56x224xf32, #tpu.memory_space<hbm>>
    %dma_wait3A_194 = arith.constant 0 : i32
    %dma_wait3A_195 = arith.constant 0 : i32
    %dma_wait3A_196 = tpu.memref_slice %arg4[%squeeze3A_190, %dma_wait3A_194, %dma_wait3A_195] : memref<768x224x224xf32, #tpu.memory_space<hbm>> -> memref<1x56x224xf32, #tpu.memory_space<hbm>>
    tpu.wait_dma2 semaphore(%arg15 : memref<!tpu.dma_semaphore, #tpu.memory_space<semaphore_mem>>) src(%arg10 : memref<1x56x224xf32, #tpu.memory_space<vmem>>) dst(%dma_wait3A_196 : memref<1x56x224xf32, #tpu.memory_space<hbm>>)
    %slice3A_197 = vector.extract_strided_slice %get3A_10 {offsets = [0], sizes = [1], strides = [1]} : vector<16xi32> to vector<1xi32>
    %squeeze3A_198 = vector.extract %slice3A_197[0] : i32 from vector<1xi32>
    %dma_wait3A_199 = arith.constant 56 : i32
    %dma_wait3A_200 = arith.constant 0 : i32
    %dma_wait3A_201 = tpu.memref_slice %arg4[%squeeze3A_198, %dma_wait3A_199, %dma_wait3A_200] : memref<768x224x224xf32, #tpu.memory_space<hbm>> -> memref<1x56x224xf32, #tpu.memory_space<hbm>>
    %dma_wait3A_202 = arith.constant 56 : i32
    %dma_wait3A_203 = arith.constant 0 : i32
    %dma_wait3A_204 = tpu.memref_slice %arg4[%squeeze3A_198, %dma_wait3A_202, %dma_wait3A_203] : memref<768x224x224xf32, #tpu.memory_space<hbm>> -> memref<1x56x224xf32, #tpu.memory_space<hbm>>
    tpu.wait_dma2 semaphore(%arg15 : memref<!tpu.dma_semaphore, #tpu.memory_space<semaphore_mem>>) src(%arg10 : memref<1x56x224xf32, #tpu.memory_space<vmem>>) dst(%dma_wait3A_204 : memref<1x56x224xf32, #tpu.memory_space<hbm>>)
    %slice3A_205 = vector.extract_strided_slice %get3A_10 {offsets = [0], sizes = [1], strides = [1]} : vector<16xi32> to vector<1xi32>
    %squeeze3A_206 = vector.extract %slice3A_205[0] : i32 from vector<1xi32>
    %dma_wait3A_207 = arith.constant 112 : i32
    %dma_wait3A_208 = arith.constant 0 : i32
    %dma_wait3A_209 = tpu.memref_slice %arg4[%squeeze3A_206, %dma_wait3A_207, %dma_wait3A_208] : memref<768x224x224xf32, #tpu.memory_space<hbm>> -> memref<1x56x224xf32, #tpu.memory_space<hbm>>
    %dma_wait3A_210 = arith.constant 112 : i32
    %dma_wait3A_211 = arith.constant 0 : i32
    %dma_wait3A_212 = tpu.memref_slice %arg4[%squeeze3A_206, %dma_wait3A_210, %dma_wait3A_211] : memref<768x224x224xf32, #tpu.memory_space<hbm>> -> memref<1x56x224xf32, #tpu.memory_space<hbm>>
    tpu.wait_dma2 semaphore(%arg15 : memref<!tpu.dma_semaphore, #tpu.memory_space<semaphore_mem>>) src(%arg10 : memref<1x56x224xf32, #tpu.memory_space<vmem>>) dst(%dma_wait3A_212 : memref<1x56x224xf32, #tpu.memory_space<hbm>>)
    %slice3A_213 = vector.extract_strided_slice %get3A_10 {offsets = [0], sizes = [1], strides = [1]} : vector<16xi32> to vector<1xi32>
    %squeeze3A_214 = vector.extract %slice3A_213[0] : i32 from vector<1xi32>
    %dma_wait3A_215 = arith.constant 168 : i32
    %dma_wait3A_216 = arith.constant 0 : i32
    %dma_wait3A_217 = tpu.memref_slice %arg4[%squeeze3A_214, %dma_wait3A_215, %dma_wait3A_216] : memref<768x224x224xf32, #tpu.memory_space<hbm>> -> memref<1x56x224xf32, #tpu.memory_space<hbm>>
    %dma_wait3A_218 = arith.constant 168 : i32
    %dma_wait3A_219 = arith.constant 0 : i32
    %dma_wait3A_220 = tpu.memref_slice %arg4[%squeeze3A_214, %dma_wait3A_218, %dma_wait3A_219] : memref<768x224x224xf32, #tpu.memory_space<hbm>> -> memref<1x56x224xf32, #tpu.memory_space<hbm>>
    tpu.wait_dma2 semaphore(%arg15 : memref<!tpu.dma_semaphore, #tpu.memory_space<semaphore_mem>>) src(%arg10 : memref<1x56x224xf32, #tpu.memory_space<vmem>>) dst(%dma_wait3A_220 : memref<1x56x224xf32, #tpu.memory_space<hbm>>)
    %slice3A_221 = vector.extract_strided_slice %get3A_4 {offsets = [2], sizes = [1], strides = [1]} : vector<16xi32> to vector<1xi32>
    %squeeze3A_222 = vector.extract %slice3A_221[0] : i32 from vector<1xi32>
    %dma_wait3A_223 = arith.constant 0 : i32
    %dma_wait3A_224 = arith.constant 0 : i32
    %dma_wait3A_225 = tpu.memref_slice %arg2[%squeeze3A_222, %dma_wait3A_223, %dma_wait3A_224] : memref<384x224x224xf32, #tpu.memory_space<hbm>> -> memref<1x224x224xf32, #tpu.memory_space<hbm>>
    %dma_wait3A_226 = arith.constant 0 : i32
    %dma_wait3A_227 = arith.constant 0 : i32
    %dma_wait3A_228 = tpu.memref_slice %arg2[%squeeze3A_222, %dma_wait3A_226, %dma_wait3A_227] : memref<384x224x224xf32, #tpu.memory_space<hbm>> -> memref<1x224x224xf32, #tpu.memory_space<hbm>>
    tpu.wait_dma2 semaphore(%arg11 : memref<!tpu.dma_semaphore, #tpu.memory_space<semaphore_mem>>) src(%dma_wait3A_228 : memref<1x224x224xf32, #tpu.memory_space<hbm>>) dst(%arg8 : memref<1x224x224xf32, #tpu.memory_space<vmem>>)
    %slice3A_229 = vector.extract_strided_slice %get3A_7 {offsets = [2], sizes = [1], strides = [1]} : vector<16xi32> to vector<1xi32>
    %squeeze3A_230 = vector.extract %slice3A_229[0] : i32 from vector<1xi32>
    %dma_start3A_231 = arith.constant 0 : i32
    %dma_start3A_232 = arith.constant 0 : i32
    %dma_start3A_233 = tpu.memref_slice %arg4[%squeeze3A_230, %dma_start3A_231, %dma_start3A_232] : memref<768x224x224xf32, #tpu.memory_space<hbm>> -> memref<1x224x224xf32, #tpu.memory_space<hbm>>
    %dma_start3A_234 = arith.constant 0 : i32
    %dma_start3A_235 = arith.constant 0 : i32
    %dma_start3A_236 = tpu.memref_slice %arg4[%squeeze3A_230, %dma_start3A_234, %dma_start3A_235] : memref<768x224x224xf32, #tpu.memory_space<hbm>> -> memref<1x224x224xf32, #tpu.memory_space<hbm>>
    tpu.enqueue_dma source(%arg8 : memref<1x224x224xf32, #tpu.memory_space<vmem>>) target(%dma_start3A_236 : memref<1x224x224xf32, #tpu.memory_space<hbm>>) target_semaphore(%arg13 : memref<!tpu.dma_semaphore, #tpu.memory_space<semaphore_mem>>)
    %slice3A_237 = vector.extract_strided_slice %get3A_7 {offsets = [2], sizes = [1], strides = [1]} : vector<16xi32> to vector<1xi32>
    %squeeze3A_238 = vector.extract %slice3A_237[0] : i32 from vector<1xi32>
    %dma_wait3A_239 = arith.constant 0 : i32
    %dma_wait3A_240 = arith.constant 0 : i32
    %dma_wait3A_241 = tpu.memref_slice %arg4[%squeeze3A_238, %dma_wait3A_239, %dma_wait3A_240] : memref<768x224x224xf32, #tpu.memory_space<hbm>> -> memref<1x224x224xf32, #tpu.memory_space<hbm>>
    %dma_wait3A_242 = arith.constant 0 : i32
    %dma_wait3A_243 = arith.constant 0 : i32
    %dma_wait3A_244 = tpu.memref_slice %arg4[%squeeze3A_238, %dma_wait3A_242, %dma_wait3A_243] : memref<768x224x224xf32, #tpu.memory_space<hbm>> -> memref<1x224x224xf32, #tpu.memory_space<hbm>>
    tpu.wait_dma2 semaphore(%arg13 : memref<!tpu.dma_semaphore, #tpu.memory_space<semaphore_mem>>) src(%arg8 : memref<1x224x224xf32, #tpu.memory_space<vmem>>) dst(%dma_wait3A_244 : memref<1x224x224xf32, #tpu.memory_space<hbm>>)
    %slice3A_245 = vector.extract_strided_slice %get3A_4 {offsets = [4], sizes = [1], strides = [1]} : vector<16xi32> to vector<1xi32>
    %squeeze3A_246 = vector.extract %slice3A_245[0] : i32 from vector<1xi32>
    %dma_start3A_247 = arith.constant 0 : i32
    %dma_start3A_248 = arith.constant 0 : i32
    %dma_start3A_249 = tpu.memref_slice %arg2[%squeeze3A_246, %dma_start3A_247, %dma_start3A_248] : memref<384x224x224xf32, #tpu.memory_space<hbm>> -> memref<1x224x224xf32, #tpu.memory_space<hbm>>
    %dma_start3A_250 = arith.constant 0 : i32
    %dma_start3A_251 = arith.constant 0 : i32
    %dma_start3A_252 = tpu.memref_slice %arg2[%squeeze3A_246, %dma_start3A_250, %dma_start3A_251] : memref<384x224x224xf32, #tpu.memory_space<hbm>> -> memref<1x224x224xf32, #tpu.memory_space<hbm>>
    tpu.enqueue_dma source(%dma_start3A_252 : memref<1x224x224xf32, #tpu.memory_space<hbm>>) target(%arg8 : memref<1x224x224xf32, #tpu.memory_space<vmem>>) target_semaphore(%arg11 : memref<!tpu.dma_semaphore, #tpu.memory_space<semaphore_mem>>)
    %slice3A_253 = vector.extract_strided_slice %get3A_10 {offsets = [3], sizes = [1], strides = [1]} : vector<16xi32> to vector<1xi32>
    %squeeze3A_254 = vector.extract %slice3A_253[0] : i32 from vector<1xi32>
    %dma_start3A_255 = arith.constant 0 : i32
    %dma_start3A_256 = arith.constant 0 : i32
    %dma_start3A_257 = tpu.memref_slice %arg4[%squeeze3A_254, %dma_start3A_255, %dma_start3A_256] : memref<768x224x224xf32, #tpu.memory_space<hbm>> -> memref<1x56x224xf32, #tpu.memory_space<hbm>>
    %dma_start3A_258 = arith.constant 0 : i32
    %dma_start3A_259 = arith.constant 0 : i32
    %dma_start3A_260 = tpu.memref_slice %arg4[%squeeze3A_254, %dma_start3A_258, %dma_start3A_259] : memref<768x224x224xf32, #tpu.memory_space<hbm>> -> memref<1x56x224xf32, #tpu.memory_space<hbm>>
    tpu.enqueue_dma source(%arg10 : memref<1x56x224xf32, #tpu.memory_space<vmem>>) target(%dma_start3A_260 : memref<1x56x224xf32, #tpu.memory_space<hbm>>) target_semaphore(%arg15 : memref<!tpu.dma_semaphore, #tpu.memory_space<semaphore_mem>>)
    %slice3A_261 = vector.extract_strided_slice %get3A_10 {offsets = [3], sizes = [1], strides = [1]} : vector<16xi32> to vector<1xi32>
    %squeeze3A_262 = vector.extract %slice3A_261[0] : i32 from vector<1xi32>
    %dma_start3A_263 = arith.constant 56 : i32
    %dma_start3A_264 = arith.constant 0 : i32
    %dma_start3A_265 = tpu.memref_slice %arg4[%squeeze3A_262, %dma_start3A_263, %dma_start3A_264] : memref<768x224x224xf32, #tpu.memory_space<hbm>> -> memref<1x56x224xf32, #tpu.memory_space<hbm>>
    %dma_start3A_266 = arith.constant 56 : i32
    %dma_start3A_267 = arith.constant 0 : i32
    %dma_start3A_268 = tpu.memref_slice %arg4[%squeeze3A_262, %dma_start3A_266, %dma_start3A_267] : memref<768x224x224xf32, #tpu.memory_space<hbm>> -> memref<1x56x224xf32, #tpu.memory_space<hbm>>
    tpu.enqueue_dma source(%arg10 : memref<1x56x224xf32, #tpu.memory_space<vmem>>) target(%dma_start3A_268 : memref<1x56x224xf32, #tpu.memory_space<hbm>>) target_semaphore(%arg15 : memref<!tpu.dma_semaphore, #tpu.memory_space<semaphore_mem>>)
    %slice3A_269 = vector.extract_strided_slice %get3A_10 {offsets = [3], sizes = [1], strides = [1]} : vector<16xi32> to vector<1xi32>
    %squeeze3A_270 = vector.extract %slice3A_269[0] : i32 from vector<1xi32>
    %dma_start3A_271 = arith.constant 112 : i32
    %dma_start3A_272 = arith.constant 0 : i32
    %dma_start3A_273 = tpu.memref_slice %arg4[%squeeze3A_270, %dma_start3A_271, %dma_start3A_272] : memref<768x224x224xf32, #tpu.memory_space<hbm>> -> memref<1x56x224xf32, #tpu.memory_space<hbm>>
    %dma_start3A_274 = arith.constant 112 : i32
    %dma_start3A_275 = arith.constant 0 : i32
    %dma_start3A_276 = tpu.memref_slice %arg4[%squeeze3A_270, %dma_start3A_274, %dma_start3A_275] : memref<768x224x224xf32, #tpu.memory_space<hbm>> -> memref<1x56x224xf32, #tpu.memory_space<hbm>>
    tpu.enqueue_dma source(%arg10 : memref<1x56x224xf32, #tpu.memory_space<vmem>>) target(%dma_start3A_276 : memref<1x56x224xf32, #tpu.memory_space<hbm>>) target_semaphore(%arg15 : memref<!tpu.dma_semaphore, #tpu.memory_space<semaphore_mem>>)
    %slice3A_277 = vector.extract_strided_slice %get3A_10 {offsets = [3], sizes = [1], strides = [1]} : vector<16xi32> to vector<1xi32>
    %squeeze3A_278 = vector.extract %slice3A_277[0] : i32 from vector<1xi32>
    %dma_start3A_279 = arith.constant 168 : i32
    %dma_start3A_280 = arith.constant 0 : i32
    %dma_start3A_281 = tpu.memref_slice %arg4[%squeeze3A_278, %dma_start3A_279, %dma_start3A_280] : memref<768x224x224xf32, #tpu.memory_space<hbm>> -> memref<1x56x224xf32, #tpu.memory_space<hbm>>
    %dma_start3A_282 = arith.constant 168 : i32
    %dma_start3A_283 = arith.constant 0 : i32
    %dma_start3A_284 = tpu.memref_slice %arg4[%squeeze3A_278, %dma_start3A_282, %dma_start3A_283] : memref<768x224x224xf32, #tpu.memory_space<hbm>> -> memref<1x56x224xf32, #tpu.memory_space<hbm>>
    tpu.enqueue_dma source(%arg10 : memref<1x56x224xf32, #tpu.memory_space<vmem>>) target(%dma_start3A_284 : memref<1x56x224xf32, #tpu.memory_space<hbm>>) target_semaphore(%arg15 : memref<!tpu.dma_semaphore, #tpu.memory_space<semaphore_mem>>)
    %slice3A_285 = vector.extract_strided_slice %get3A_10 {offsets = [1], sizes = [1], strides = [1]} : vector<16xi32> to vector<1xi32>
    %squeeze3A_286 = vector.extract %slice3A_285[0] : i32 from vector<1xi32>
    %dma_wait3A_287 = arith.constant 0 : i32
    %dma_wait3A_288 = arith.constant 0 : i32
    %dma_wait3A_289 = tpu.memref_slice %arg4[%squeeze3A_286, %dma_wait3A_287, %dma_wait3A_288] : memref<768x224x224xf32, #tpu.memory_space<hbm>> -> memref<1x56x224xf32, #tpu.memory_space<hbm>>
    %dma_wait3A_290 = arith.constant 0 : i32
    %dma_wait3A_291 = arith.constant 0 : i32
    %dma_wait3A_292 = tpu.memref_slice %arg4[%squeeze3A_286, %dma_wait3A_290, %dma_wait3A_291] : memref<768x224x224xf32, #tpu.memory_space<hbm>> -> memref<1x56x224xf32, #tpu.memory_space<hbm>>
    tpu.wait_dma2 semaphore(%arg15 : memref<!tpu.dma_semaphore, #tpu.memory_space<semaphore_mem>>) src(%arg10 : memref<1x56x224xf32, #tpu.memory_space<vmem>>) dst(%dma_wait3A_292 : memref<1x56x224xf32, #tpu.memory_space<hbm>>)
    %slice3A_293 = vector.extract_strided_slice %get3A_10 {offsets = [1], sizes = [1], strides = [1]} : vector<16xi32> to vector<1xi32>
    %squeeze3A_294 = vector.extract %slice3A_293[0] : i32 from vector<1xi32>
    %dma_wait3A_295 = arith.constant 56 : i32
    %dma_wait3A_296 = arith.constant 0 : i32
    %dma_wait3A_297 = tpu.memref_slice %arg4[%squeeze3A_294, %dma_wait3A_295, %dma_wait3A_296] : memref<768x224x224xf32, #tpu.memory_space<hbm>> -> memref<1x56x224xf32, #tpu.memory_space<hbm>>
    %dma_wait3A_298 = arith.constant 56 : i32
    %dma_wait3A_299 = arith.constant 0 : i32
    %dma_wait3A_300 = tpu.memref_slice %arg4[%squeeze3A_294, %dma_wait3A_298, %dma_wait3A_299] : memref<768x224x224xf32, #tpu.memory_space<hbm>> -> memref<1x56x224xf32, #tpu.memory_space<hbm>>
    tpu.wait_dma2 semaphore(%arg15 : memref<!tpu.dma_semaphore, #tpu.memory_space<semaphore_mem>>) src(%arg10 : memref<1x56x224xf32, #tpu.memory_space<vmem>>) dst(%dma_wait3A_300 : memref<1x56x224xf32, #tpu.memory_space<hbm>>)
    %slice3A_301 = vector.extract_strided_slice %get3A_10 {offsets = [1], sizes = [1], strides = [1]} : vector<16xi32> to vector<1xi32>
    %squeeze3A_302 = vector.extract %slice3A_301[0] : i32 from vector<1xi32>
    %dma_wait3A_303 = arith.constant 112 : i32
    %dma_wait3A_304 = arith.constant 0 : i32
    %dma_wait3A_305 = tpu.memref_slice %arg4[%squeeze3A_302, %dma_wait3A_303, %dma_wait3A_304] : memref<768x224x224xf32, #tpu.memory_space<hbm>> -> memref<1x56x224xf32, #tpu.memory_space<hbm>>
    %dma_wait3A_306 = arith.constant 112 : i32
    %dma_wait3A_307 = arith.constant 0 : i32
    %dma_wait3A_308 = tpu.memref_slice %arg4[%squeeze3A_302, %dma_wait3A_306, %dma_wait3A_307] : memref<768x224x224xf32, #tpu.memory_space<hbm>> -> memref<1x56x224xf32, #tpu.memory_space<hbm>>
    tpu.wait_dma2 semaphore(%arg15 : memref<!tpu.dma_semaphore, #tpu.memory_space<semaphore_mem>>) src(%arg10 : memref<1x56x224xf32, #tpu.memory_space<vmem>>) dst(%dma_wait3A_308 : memref<1x56x224xf32, #tpu.memory_space<hbm>>)
    %slice3A_309 = vector.extract_strided_slice %get3A_10 {offsets = [1], sizes = [1], strides = [1]} : vector<16xi32> to vector<1xi32>
    %squeeze3A_310 = vector.extract %slice3A_309[0] : i32 from vector<1xi32>
    %dma_wait3A_311 = arith.constant 168 : i32
    %dma_wait3A_312 = arith.constant 0 : i32
    %dma_wait3A_313 = tpu.memref_slice %arg4[%squeeze3A_310, %dma_wait3A_311, %dma_wait3A_312] : memref<768x224x224xf32, #tpu.memory_space<hbm>> -> memref<1x56x224xf32, #tpu.memory_space<hbm>>
    %dma_wait3A_314 = arith.constant 168 : i32
    %dma_wait3A_315 = arith.constant 0 : i32
    %dma_wait3A_316 = tpu.memref_slice %arg4[%squeeze3A_310, %dma_wait3A_314, %dma_wait3A_315] : memref<768x224x224xf32, #tpu.memory_space<hbm>> -> memref<1x56x224xf32, #tpu.memory_space<hbm>>
    tpu.wait_dma2 semaphore(%arg15 : memref<!tpu.dma_semaphore, #tpu.memory_space<semaphore_mem>>) src(%arg10 : memref<1x56x224xf32, #tpu.memory_space<vmem>>) dst(%dma_wait3A_316 : memref<1x56x224xf32, #tpu.memory_space<hbm>>)
    %slice3A_317 = vector.extract_strided_slice %get3A_4 {offsets = [3], sizes = [1], strides = [1]} : vector<16xi32> to vector<1xi32>
    %squeeze3A_318 = vector.extract %slice3A_317[0] : i32 from vector<1xi32>
    %dma_wait3A_319 = arith.constant 0 : i32
    %dma_wait3A_320 = arith.constant 0 : i32
    %dma_wait3A_321 = tpu.memref_slice %arg2[%squeeze3A_318, %dma_wait3A_319, %dma_wait3A_320] : memref<384x224x224xf32, #tpu.memory_space<hbm>> -> memref<1x224x224xf32, #tpu.memory_space<hbm>>
    %dma_wait3A_322 = arith.constant 0 : i32
    %dma_wait3A_323 = arith.constant 0 : i32
    %dma_wait3A_324 = tpu.memref_slice %arg2[%squeeze3A_318, %dma_wait3A_322, %dma_wait3A_323] : memref<384x224x224xf32, #tpu.memory_space<hbm>> -> memref<1x224x224xf32, #tpu.memory_space<hbm>>
    tpu.wait_dma2 semaphore(%arg12 : memref<!tpu.dma_semaphore, #tpu.memory_space<semaphore_mem>>) src(%dma_wait3A_324 : memref<1x224x224xf32, #tpu.memory_space<hbm>>) dst(%arg9 : memref<1x224x224xf32, #tpu.memory_space<vmem>>)
    %slice3A_325 = vector.extract_strided_slice %get3A_7 {offsets = [3], sizes = [1], strides = [1]} : vector<16xi32> to vector<1xi32>
    %squeeze3A_326 = vector.extract %slice3A_325[0] : i32 from vector<1xi32>
    %dma_start3A_327 = arith.constant 0 : i32
    %dma_start3A_328 = arith.constant 0 : i32
    %dma_start3A_329 = tpu.memref_slice %arg4[%squeeze3A_326, %dma_start3A_327, %dma_start3A_328] : memref<768x224x224xf32, #tpu.memory_space<hbm>> -> memref<1x224x224xf32, #tpu.memory_space<hbm>>
    %dma_start3A_330 = arith.constant 0 : i32
    %dma_start3A_331 = arith.constant 0 : i32
    %dma_start3A_332 = tpu.memref_slice %arg4[%squeeze3A_326, %dma_start3A_330, %dma_start3A_331] : memref<768x224x224xf32, #tpu.memory_space<hbm>> -> memref<1x224x224xf32, #tpu.memory_space<hbm>>
    tpu.enqueue_dma source(%arg9 : memref<1x224x224xf32, #tpu.memory_space<vmem>>) target(%dma_start3A_332 : memref<1x224x224xf32, #tpu.memory_space<hbm>>) target_semaphore(%arg14 : memref<!tpu.dma_semaphore, #tpu.memory_space<semaphore_mem>>)
    %slice3A_333 = vector.extract_strided_slice %get3A_7 {offsets = [3], sizes = [1], strides = [1]} : vector<16xi32> to vector<1xi32>
    %squeeze3A_334 = vector.extract %slice3A_333[0] : i32 from vector<1xi32>
    %dma_wait3A_335 = arith.constant 0 : i32
    %dma_wait3A_336 = arith.constant 0 : i32
    %dma_wait3A_337 = tpu.memref_slice %arg4[%squeeze3A_334, %dma_wait3A_335, %dma_wait3A_336] : memref<768x224x224xf32, #tpu.memory_space<hbm>> -> memref<1x224x224xf32, #tpu.memory_space<hbm>>
    %dma_wait3A_338 = arith.constant 0 : i32
    %dma_wait3A_339 = arith.constant 0 : i32
    %dma_wait3A_340 = tpu.memref_slice %arg4[%squeeze3A_334, %dma_wait3A_338, %dma_wait3A_339] : memref<768x224x224xf32, #tpu.memory_space<hbm>> -> memref<1x224x224xf32, #tpu.memory_space<hbm>>
    tpu.wait_dma2 semaphore(%arg14 : memref<!tpu.dma_semaphore, #tpu.memory_space<semaphore_mem>>) src(%arg9 : memref<1x224x224xf32, #tpu.memory_space<vmem>>) dst(%dma_wait3A_340 : memref<1x224x224xf32, #tpu.memory_space<hbm>>)
    %slice3A_341 = vector.extract_strided_slice %get3A_4 {offsets = [5], sizes = [1], strides = [1]} : vector<16xi32> to vector<1xi32>
    %squeeze3A_342 = vector.extract %slice3A_341[0] : i32 from vector<1xi32>
    %dma_start3A_343 = arith.constant 0 : i32
    %dma_start3A_344 = arith.constant 0 : i32
    %dma_start3A_345 = tpu.memref_slice %arg2[%squeeze3A_342, %dma_start3A_343, %dma_start3A_344] : memref<384x224x224xf32, #tpu.memory_space<hbm>> -> memref<1x224x224xf32, #tpu.memory_space<hbm>>
    %dma_start3A_346 = arith.constant 0 : i32
    %dma_start3A_347 = arith.constant 0 : i32
    %dma_start3A_348 = tpu.memref_slice %arg2[%squeeze3A_342, %dma_start3A_346, %dma_start3A_347] : memref<384x224x224xf32, #tpu.memory_space<hbm>> -> memref<1x224x224xf32, #tpu.memory_space<hbm>>
    tpu.enqueue_dma source(%dma_start3A_348 : memref<1x224x224xf32, #tpu.memory_space<hbm>>) target(%arg9 : memref<1x224x224xf32, #tpu.memory_space<vmem>>) target_semaphore(%arg12 : memref<!tpu.dma_semaphore, #tpu.memory_space<semaphore_mem>>)
    %slice3A_349 = vector.extract_strided_slice %get3A_10 {offsets = [4], sizes = [1], strides = [1]} : vector<16xi32> to vector<1xi32>
    %squeeze3A_350 = vector.extract %slice3A_349[0] : i32 from vector<1xi32>
    %dma_start3A_351 = arith.constant 0 : i32
    %dma_start3A_352 = arith.constant 0 : i32
    %dma_start3A_353 = tpu.memref_slice %arg4[%squeeze3A_350, %dma_start3A_351, %dma_start3A_352] : memref<768x224x224xf32, #tpu.memory_space<hbm>> -> memref<1x56x224xf32, #tpu.memory_space<hbm>>
    %dma_start3A_354 = arith.constant 0 : i32
    %dma_start3A_355 = arith.constant 0 : i32
    %dma_start3A_356 = tpu.memref_slice %arg4[%squeeze3A_350, %dma_start3A_354, %dma_start3A_355] : memref<768x224x224xf32, #tpu.memory_space<hbm>> -> memref<1x56x224xf32, #tpu.memory_space<hbm>>
    tpu.enqueue_dma source(%arg10 : memref<1x56x224xf32, #tpu.memory_space<vmem>>) target(%dma_start3A_356 : memref<1x56x224xf32, #tpu.memory_space<hbm>>) target_semaphore(%arg15 : memref<!tpu.dma_semaphore, #tpu.memory_space<semaphore_mem>>)
    %slice3A_357 = vector.extract_strided_slice %get3A_10 {offsets = [4], sizes = [1], strides = [1]} : vector<16xi32> to vector<1xi32>
    %squeeze3A_358 = vector.extract %slice3A_357[0] : i32 from vector<1xi32>
    %dma_start3A_359 = arith.constant 56 : i32
    %dma_start3A_360 = arith.constant 0 : i32
    %dma_start3A_361 = tpu.memref_slice %arg4[%squeeze3A_358, %dma_start3A_359, %dma_start3A_360] : memref<768x224x224xf32, #tpu.memory_space<hbm>> -> memref<1x56x224xf32, #tpu.memory_space<hbm>>
    %dma_start3A_362 = arith.constant 56 : i32
    %dma_start3A_363 = arith.constant 0 : i32
    %dma_start3A_364 = tpu.memref_slice %arg4[%squeeze3A_358, %dma_start3A_362, %dma_start3A_363] : memref<768x224x224xf32, #tpu.memory_space<hbm>> -> memref<1x56x224xf32, #tpu.memory_space<hbm>>
    tpu.enqueue_dma source(%arg10 : memref<1x56x224xf32, #tpu.memory_space<vmem>>) target(%dma_start3A_364 : memref<1x56x224xf32, #tpu.memory_space<hbm>>) target_semaphore(%arg15 : memref<!tpu.dma_semaphore, #tpu.memory_space<semaphore_mem>>)
    %slice3A_365 = vector.extract_strided_slice %get3A_10 {offsets = [4], sizes = [1], strides = [1]} : vector<16xi32> to vector<1xi32>
    %squeeze3A_366 = vector.extract %slice3A_365[0] : i32 from vector<1xi32>
    %dma_start3A_367 = arith.constant 112 : i32
    %dma_start3A_368 = arith.constant 0 : i32
    %dma_start3A_369 = tpu.memref_slice %arg4[%squeeze3A_366, %dma_start3A_367, %dma_start3A_368] : memref<768x224x224xf32, #tpu.memory_space<hbm>> -> memref<1x56x224xf32, #tpu.memory_space<hbm>>
    %dma_start3A_370 = arith.constant 112 : i32
    %dma_start3A_371 = arith.constant 0 : i32
    %dma_start3A_372 = tpu.memref_slice %arg4[%squeeze3A_366, %dma_start3A_370, %dma_start3A_371] : memref<768x224x224xf32, #tpu.memory_space<hbm>> -> memref<1x56x224xf32, #tpu.memory_space<hbm>>
    tpu.enqueue_dma source(%arg10 : memref<1x56x224xf32, #tpu.memory_space<vmem>>) target(%dma_start3A_372 : memref<1x56x224xf32, #tpu.memory_space<hbm>>) target_semaphore(%arg15 : memref<!tpu.dma_semaphore, #tpu.memory_space<semaphore_mem>>)
    %slice3A_373 = vector.extract_strided_slice %get3A_10 {offsets = [4], sizes = [1], strides = [1]} : vector<16xi32> to vector<1xi32>
    %squeeze3A_374 = vector.extract %slice3A_373[0] : i32 from vector<1xi32>
    %dma_start3A_375 = arith.constant 168 : i32
    %dma_start3A_376 = arith.constant 0 : i32
    %dma_start3A_377 = tpu.memref_slice %arg4[%squeeze3A_374, %dma_start3A_375, %dma_start3A_376] : memref<768x224x224xf32, #tpu.memory_space<hbm>> -> memref<1x56x224xf32, #tpu.memory_space<hbm>>
    %dma_start3A_378 = arith.constant 168 : i32
    %dma_start3A_379 = arith.constant 0 : i32
    %dma_start3A_380 = tpu.memref_slice %arg4[%squeeze3A_374, %dma_start3A_378, %dma_start3A_379] : memref<768x224x224xf32, #tpu.memory_space<hbm>> -> memref<1x56x224xf32, #tpu.memory_space<hbm>>
    tpu.enqueue_dma source(%arg10 : memref<1x56x224xf32, #tpu.memory_space<vmem>>) target(%dma_start3A_380 : memref<1x56x224xf32, #tpu.memory_space<hbm>>) target_semaphore(%arg15 : memref<!tpu.dma_semaphore, #tpu.memory_space<semaphore_mem>>)
    %slice3A_381 = vector.extract_strided_slice %get3A_10 {offsets = [2], sizes = [1], strides = [1]} : vector<16xi32> to vector<1xi32>
    %squeeze3A_382 = vector.extract %slice3A_381[0] : i32 from vector<1xi32>
    %dma_wait3A_383 = arith.constant 0 : i32
    %dma_wait3A_384 = arith.constant 0 : i32
    %dma_wait3A_385 = tpu.memref_slice %arg4[%squeeze3A_382, %dma_wait3A_383, %dma_wait3A_384] : memref<768x224x224xf32, #tpu.memory_space<hbm>> -> memref<1x56x224xf32, #tpu.memory_space<hbm>>
    %dma_wait3A_386 = arith.constant 0 : i32
    %dma_wait3A_387 = arith.constant 0 : i32
    %dma_wait3A_388 = tpu.memref_slice %arg4[%squeeze3A_382, %dma_wait3A_386, %dma_wait3A_387] : memref<768x224x224xf32, #tpu.memory_space<hbm>> -> memref<1x56x224xf32, #tpu.memory_space<hbm>>
    tpu.wait_dma2 semaphore(%arg15 : memref<!tpu.dma_semaphore, #tpu.memory_space<semaphore_mem>>) src(%arg10 : memref<1x56x224xf32, #tpu.memory_space<vmem>>) dst(%dma_wait3A_388 : memref<1x56x224xf32, #tpu.memory_space<hbm>>)
    %slice3A_389 = vector.extract_strided_slice %get3A_10 {offsets = [2], sizes = [1], strides = [1]} : vector<16xi32> to vector<1xi32>
    %squeeze3A_390 = vector.extract %slice3A_389[0] : i32 from vector<1xi32>
    %dma_wait3A_391 = arith.constant 56 : i32
    %dma_wait3A_392 = arith.constant 0 : i32
    %dma_wait3A_393 = tpu.memref_slice %arg4[%squeeze3A_390, %dma_wait3A_391, %dma_wait3A_392] : memref<768x224x224xf32, #tpu.memory_space<hbm>> -> memref<1x56x224xf32, #tpu.memory_space<hbm>>
    %dma_wait3A_394 = arith.constant 56 : i32
    %dma_wait3A_395 = arith.constant 0 : i32
    %dma_wait3A_396 = tpu.memref_slice %arg4[%squeeze3A_390, %dma_wait3A_394, %dma_wait3A_395] : memref<768x224x224xf32, #tpu.memory_space<hbm>> -> memref<1x56x224xf32, #tpu.memory_space<hbm>>
    tpu.wait_dma2 semaphore(%arg15 : memref<!tpu.dma_semaphore, #tpu.memory_space<semaphore_mem>>) src(%arg10 : memref<1x56x224xf32, #tpu.memory_space<vmem>>) dst(%dma_wait3A_396 : memref<1x56x224xf32, #tpu.memory_space<hbm>>)
    %slice3A_397 = vector.extract_strided_slice %get3A_10 {offsets = [2], sizes = [1], strides = [1]} : vector<16xi32> to vector<1xi32>
    %squeeze3A_398 = vector.extract %slice3A_397[0] : i32 from vector<1xi32>
    %dma_wait3A_399 = arith.constant 112 : i32
    %dma_wait3A_400 = arith.constant 0 : i32
    %dma_wait3A_401 = tpu.memref_slice %arg4[%squeeze3A_398, %dma_wait3A_399, %dma_wait3A_400] : memref<768x224x224xf32, #tpu.memory_space<hbm>> -> memref<1x56x224xf32, #tpu.memory_space<hbm>>
    %dma_wait3A_402 = arith.constant 112 : i32
    %dma_wait3A_403 = arith.constant 0 : i32
    %dma_wait3A_404 = tpu.memref_slice %arg4[%squeeze3A_398, %dma_wait3A_402, %dma_wait3A_403] : memref<768x224x224xf32, #tpu.memory_space<hbm>> -> memref<1x56x224xf32, #tpu.memory_space<hbm>>
    tpu.wait_dma2 semaphore(%arg15 : memref<!tpu.dma_semaphore, #tpu.memory_space<semaphore_mem>>) src(%arg10 : memref<1x56x224xf32, #tpu.memory_space<vmem>>) dst(%dma_wait3A_404 : memref<1x56x224xf32, #tpu.memory_space<hbm>>)
    %slice3A_405 = vector.extract_strided_slice %get3A_10 {offsets = [2], sizes = [1], strides = [1]} : vector<16xi32> to vector<1xi32>
    %squeeze3A_406 = vector.extract %slice3A_405[0] : i32 from vector<1xi32>
    %dma_wait3A_407 = arith.constant 168 : i32
    %dma_wait3A_408 = arith.constant 0 : i32
    %dma_wait3A_409 = tpu.memref_slice %arg4[%squeeze3A_406, %dma_wait3A_407, %dma_wait3A_408] : memref<768x224x224xf32, #tpu.memory_space<hbm>> -> memref<1x56x224xf32, #tpu.memory_space<hbm>>
    %dma_wait3A_410 = arith.constant 168 : i32
    %dma_wait3A_411 = arith.constant 0 : i32
    %dma_wait3A_412 = tpu.memref_slice %arg4[%squeeze3A_406, %dma_wait3A_410, %dma_wait3A_411] : memref<768x224x224xf32, #tpu.memory_space<hbm>> -> memref<1x56x224xf32, #tpu.memory_space<hbm>>
    tpu.wait_dma2 semaphore(%arg15 : memref<!tpu.dma_semaphore, #tpu.memory_space<semaphore_mem>>) src(%arg10 : memref<1x56x224xf32, #tpu.memory_space<vmem>>) dst(%dma_wait3A_412 : memref<1x56x224xf32, #tpu.memory_space<hbm>>)
    %slice3A_413 = vector.extract_strided_slice %get3A_4 {offsets = [4], sizes = [1], strides = [1]} : vector<16xi32> to vector<1xi32>
    %squeeze3A_414 = vector.extract %slice3A_413[0] : i32 from vector<1xi32>
    %dma_wait3A_415 = arith.constant 0 : i32
    %dma_wait3A_416 = arith.constant 0 : i32
    %dma_wait3A_417 = tpu.memref_slice %arg2[%squeeze3A_414, %dma_wait3A_415, %dma_wait3A_416] : memref<384x224x224xf32, #tpu.memory_space<hbm>> -> memref<1x224x224xf32, #tpu.memory_space<hbm>>
    %dma_wait3A_418 = arith.constant 0 : i32
    %dma_wait3A_419 = arith.constant 0 : i32
    %dma_wait3A_420 = tpu.memref_slice %arg2[%squeeze3A_414, %dma_wait3A_418, %dma_wait3A_419] : memref<384x224x224xf32, #tpu.memory_space<hbm>> -> memref<1x224x224xf32, #tpu.memory_space<hbm>>
    tpu.wait_dma2 semaphore(%arg11 : memref<!tpu.dma_semaphore, #tpu.memory_space<semaphore_mem>>) src(%dma_wait3A_420 : memref<1x224x224xf32, #tpu.memory_space<hbm>>) dst(%arg8 : memref<1x224x224xf32, #tpu.memory_space<vmem>>)
    %slice3A_421 = vector.extract_strided_slice %get3A_7 {offsets = [4], sizes = [1], strides = [1]} : vector<16xi32> to vector<1xi32>
    %squeeze3A_422 = vector.extract %slice3A_421[0] : i32 from vector<1xi32>
    %dma_start3A_423 = arith.constant 0 : i32
    %dma_start3A_424 = arith.constant 0 : i32
    %dma_start3A_425 = tpu.memref_slice %arg4[%squeeze3A_422, %dma_start3A_423, %dma_start3A_424] : memref<768x224x224xf32, #tpu.memory_space<hbm>> -> memref<1x224x224xf32, #tpu.memory_space<hbm>>
    %dma_start3A_426 = arith.constant 0 : i32
    %dma_start3A_427 = arith.constant 0 : i32
    %dma_start3A_428 = tpu.memref_slice %arg4[%squeeze3A_422, %dma_start3A_426, %dma_start3A_427] : memref<768x224x224xf32, #tpu.memory_space<hbm>> -> memref<1x224x224xf32, #tpu.memory_space<hbm>>
    tpu.enqueue_dma source(%arg8 : memref<1x224x224xf32, #tpu.memory_space<vmem>>) target(%dma_start3A_428 : memref<1x224x224xf32, #tpu.memory_space<hbm>>) target_semaphore(%arg13 : memref<!tpu.dma_semaphore, #tpu.memory_space<semaphore_mem>>)
    %slice3A_429 = vector.extract_strided_slice %get3A_7 {offsets = [4], sizes = [1], strides = [1]} : vector<16xi32> to vector<1xi32>
    %squeeze3A_430 = vector.extract %slice3A_429[0] : i32 from vector<1xi32>
    %dma_wait3A_431 = arith.constant 0 : i32
    %dma_wait3A_432 = arith.constant 0 : i32
    %dma_wait3A_433 = tpu.memref_slice %arg4[%squeeze3A_430, %dma_wait3A_431, %dma_wait3A_432] : memref<768x224x224xf32, #tpu.memory_space<hbm>> -> memref<1x224x224xf32, #tpu.memory_space<hbm>>
    %dma_wait3A_434 = arith.constant 0 : i32
    %dma_wait3A_435 = arith.constant 0 : i32
    %dma_wait3A_436 = tpu.memref_slice %arg4[%squeeze3A_430, %dma_wait3A_434, %dma_wait3A_435] : memref<768x224x224xf32, #tpu.memory_space<hbm>> -> memref<1x224x224xf32, #tpu.memory_space<hbm>>
    tpu.wait_dma2 semaphore(%arg13 : memref<!tpu.dma_semaphore, #tpu.memory_space<semaphore_mem>>) src(%arg8 : memref<1x224x224xf32, #tpu.memory_space<vmem>>) dst(%dma_wait3A_436 : memref<1x224x224xf32, #tpu.memory_space<hbm>>)
    %slice3A_437 = vector.extract_strided_slice %get3A_4 {offsets = [6], sizes = [1], strides = [1]} : vector<16xi32> to vector<1xi32>
    %squeeze3A_438 = vector.extract %slice3A_437[0] : i32 from vector<1xi32>
    %dma_start3A_439 = arith.constant 0 : i32
    %dma_start3A_440 = arith.constant 0 : i32
    %dma_start3A_441 = tpu.memref_slice %arg2[%squeeze3A_438, %dma_start3A_439, %dma_start3A_440] : memref<384x224x224xf32, #tpu.memory_space<hbm>> -> memref<1x224x224xf32, #tpu.memory_space<hbm>>
    %dma_start3A_442 = arith.constant 0 : i32
    %dma_start3A_443 = arith.constant 0 : i32
    %dma_start3A_444 = tpu.memref_slice %arg2[%squeeze3A_438, %dma_start3A_442, %dma_start3A_443] : memref<384x224x224xf32, #tpu.memory_space<hbm>> -> memref<1x224x224xf32, #tpu.memory_space<hbm>>
    tpu.enqueue_dma source(%dma_start3A_444 : memref<1x224x224xf32, #tpu.memory_space<hbm>>) target(%arg8 : memref<1x224x224xf32, #tpu.memory_space<vmem>>) target_semaphore(%arg11 : memref<!tpu.dma_semaphore, #tpu.memory_space<semaphore_mem>>)
    %slice3A_445 = vector.extract_strided_slice %get3A_10 {offsets = [5], sizes = [1], strides = [1]} : vector<16xi32> to vector<1xi32>
    %squeeze3A_446 = vector.extract %slice3A_445[0] : i32 from vector<1xi32>
    %dma_start3A_447 = arith.constant 0 : i32
    %dma_start3A_448 = arith.constant 0 : i32
    %dma_start3A_449 = tpu.memref_slice %arg4[%squeeze3A_446, %dma_start3A_447, %dma_start3A_448] : memref<768x224x224xf32, #tpu.memory_space<hbm>> -> memref<1x56x224xf32, #tpu.memory_space<hbm>>
    %dma_start3A_450 = arith.constant 0 : i32
    %dma_start3A_451 = arith.constant 0 : i32
    %dma_start3A_452 = tpu.memref_slice %arg4[%squeeze3A_446, %dma_start3A_450, %dma_start3A_451] : memref<768x224x224xf32, #tpu.memory_space<hbm>> -> memref<1x56x224xf32, #tpu.memory_space<hbm>>
    tpu.enqueue_dma source(%arg10 : memref<1x56x224xf32, #tpu.memory_space<vmem>>) target(%dma_start3A_452 : memref<1x56x224xf32, #tpu.memory_space<hbm>>) target_semaphore(%arg15 : memref<!tpu.dma_semaphore, #tpu.memory_space<semaphore_mem>>)
    %slice3A_453 = vector.extract_strided_slice %get3A_10 {offsets = [5], sizes = [1], strides = [1]} : vector<16xi32> to vector<1xi32>
    %squeeze3A_454 = vector.extract %slice3A_453[0] : i32 from vector<1xi32>
    %dma_start3A_455 = arith.constant 56 : i32
    %dma_start3A_456 = arith.constant 0 : i32
    %dma_start3A_457 = tpu.memref_slice %arg4[%squeeze3A_454, %dma_start3A_455, %dma_start3A_456] : memref<768x224x224xf32, #tpu.memory_space<hbm>> -> memref<1x56x224xf32, #tpu.memory_space<hbm>>
    %dma_start3A_458 = arith.constant 56 : i32
    %dma_start3A_459 = arith.constant 0 : i32
    %dma_start3A_460 = tpu.memref_slice %arg4[%squeeze3A_454, %dma_start3A_458, %dma_start3A_459] : memref<768x224x224xf32, #tpu.memory_space<hbm>> -> memref<1x56x224xf32, #tpu.memory_space<hbm>>
    tpu.enqueue_dma source(%arg10 : memref<1x56x224xf32, #tpu.memory_space<vmem>>) target(%dma_start3A_460 : memref<1x56x224xf32, #tpu.memory_space<hbm>>) target_semaphore(%arg15 : memref<!tpu.dma_semaphore, #tpu.memory_space<semaphore_mem>>)
    %slice3A_461 = vector.extract_strided_slice %get3A_10 {offsets = [5], sizes = [1], strides = [1]} : vector<16xi32> to vector<1xi32>
    %squeeze3A_462 = vector.extract %slice3A_461[0] : i32 from vector<1xi32>
    %dma_start3A_463 = arith.constant 112 : i32
    %dma_start3A_464 = arith.constant 0 : i32
    %dma_start3A_465 = tpu.memref_slice %arg4[%squeeze3A_462, %dma_start3A_463, %dma_start3A_464] : memref<768x224x224xf32, #tpu.memory_space<hbm>> -> memref<1x56x224xf32, #tpu.memory_space<hbm>>
    %dma_start3A_466 = arith.constant 112 : i32
    %dma_start3A_467 = arith.constant 0 : i32
    %dma_start3A_468 = tpu.memref_slice %arg4[%squeeze3A_462, %dma_start3A_466, %dma_start3A_467] : memref<768x224x224xf32, #tpu.memory_space<hbm>> -> memref<1x56x224xf32, #tpu.memory_space<hbm>>
    tpu.enqueue_dma source(%arg10 : memref<1x56x224xf32, #tpu.memory_space<vmem>>) target(%dma_start3A_468 : memref<1x56x224xf32, #tpu.memory_space<hbm>>) target_semaphore(%arg15 : memref<!tpu.dma_semaphore, #tpu.memory_space<semaphore_mem>>)
    %slice3A_469 = vector.extract_strided_slice %get3A_10 {offsets = [5], sizes = [1], strides = [1]} : vector<16xi32> to vector<1xi32>
    %squeeze3A_470 = vector.extract %slice3A_469[0] : i32 from vector<1xi32>
    %dma_start3A_471 = arith.constant 168 : i32
    %dma_start3A_472 = arith.constant 0 : i32
    %dma_start3A_473 = tpu.memref_slice %arg4[%squeeze3A_470, %dma_start3A_471, %dma_start3A_472] : memref<768x224x224xf32, #tpu.memory_space<hbm>> -> memref<1x56x224xf32, #tpu.memory_space<hbm>>
    %dma_start3A_474 = arith.constant 168 : i32
    %dma_start3A_475 = arith.constant 0 : i32
    %dma_start3A_476 = tpu.memref_slice %arg4[%squeeze3A_470, %dma_start3A_474, %dma_start3A_475] : memref<768x224x224xf32, #tpu.memory_space<hbm>> -> memref<1x56x224xf32, #tpu.memory_space<hbm>>
    tpu.enqueue_dma source(%arg10 : memref<1x56x224xf32, #tpu.memory_space<vmem>>) target(%dma_start3A_476 : memref<1x56x224xf32, #tpu.memory_space<hbm>>) target_semaphore(%arg15 : memref<!tpu.dma_semaphore, #tpu.memory_space<semaphore_mem>>)
    %slice3A_477 = vector.extract_strided_slice %get3A_10 {offsets = [3], sizes = [1], strides = [1]} : vector<16xi32> to vector<1xi32>
    %squeeze3A_478 = vector.extract %slice3A_477[0] : i32 from vector<1xi32>
    %dma_wait3A_479 = arith.constant 0 : i32
    %dma_wait3A_480 = arith.constant 0 : i32
    %dma_wait3A_481 = tpu.memref_slice %arg4[%squeeze3A_478, %dma_wait3A_479, %dma_wait3A_480] : memref<768x224x224xf32, #tpu.memory_space<hbm>> -> memref<1x56x224xf32, #tpu.memory_space<hbm>>
    %dma_wait3A_482 = arith.constant 0 : i32
    %dma_wait3A_483 = arith.constant 0 : i32
    %dma_wait3A_484 = tpu.memref_slice %arg4[%squeeze3A_478, %dma_wait3A_482, %dma_wait3A_483] : memref<768x224x224xf32, #tpu.memory_space<hbm>> -> memref<1x56x224xf32, #tpu.memory_space<hbm>>
    tpu.wait_dma2 semaphore(%arg15 : memref<!tpu.dma_semaphore, #tpu.memory_space<semaphore_mem>>) src(%arg10 : memref<1x56x224xf32, #tpu.memory_space<vmem>>) dst(%dma_wait3A_484 : memref<1x56x224xf32, #tpu.memory_space<hbm>>)
    %slice3A_485 = vector.extract_strided_slice %get3A_10 {offsets = [3], sizes = [1], strides = [1]} : vector<16xi32> to vector<1xi32>
    %squeeze3A_486 = vector.extract %slice3A_485[0] : i32 from vector<1xi32>
    %dma_wait3A_487 = arith.constant 56 : i32
    %dma_wait3A_488 = arith.constant 0 : i32
    %dma_wait3A_489 = tpu.memref_slice %arg4[%squeeze3A_486, %dma_wait3A_487, %dma_wait3A_488] : memref<768x224x224xf32, #tpu.memory_space<hbm>> -> memref<1x56x224xf32, #tpu.memory_space<hbm>>
    %dma_wait3A_490 = arith.constant 56 : i32
    %dma_wait3A_491 = arith.constant 0 : i32
    %dma_wait3A_492 = tpu.memref_slice %arg4[%squeeze3A_486, %dma_wait3A_490, %dma_wait3A_491] : memref<768x224x224xf32, #tpu.memory_space<hbm>> -> memref<1x56x224xf32, #tpu.memory_space<hbm>>
    tpu.wait_dma2 semaphore(%arg15 : memref<!tpu.dma_semaphore, #tpu.memory_space<semaphore_mem>>) src(%arg10 : memref<1x56x224xf32, #tpu.memory_space<vmem>>) dst(%dma_wait3A_492 : memref<1x56x224xf32, #tpu.memory_space<hbm>>)
    %slice3A_493 = vector.extract_strided_slice %get3A_10 {offsets = [3], sizes = [1], strides = [1]} : vector<16xi32> to vector<1xi32>
    %squeeze3A_494 = vector.extract %slice3A_493[0] : i32 from vector<1xi32>
    %dma_wait3A_495 = arith.constant 112 : i32
    %dma_wait3A_496 = arith.constant 0 : i32
    %dma_wait3A_497 = tpu.memref_slice %arg4[%squeeze3A_494, %dma_wait3A_495, %dma_wait3A_496] : memref<768x224x224xf32, #tpu.memory_space<hbm>> -> memref<1x56x224xf32, #tpu.memory_space<hbm>>
    %dma_wait3A_498 = arith.constant 112 : i32
    %dma_wait3A_499 = arith.constant 0 : i32
    %dma_wait3A_500 = tpu.memref_slice %arg4[%squeeze3A_494, %dma_wait3A_498, %dma_wait3A_499] : memref<768x224x224xf32, #tpu.memory_space<hbm>> -> memref<1x56x224xf32, #tpu.memory_space<hbm>>
    tpu.wait_dma2 semaphore(%arg15 : memref<!tpu.dma_semaphore, #tpu.memory_space<semaphore_mem>>) src(%arg10 : memref<1x56x224xf32, #tpu.memory_space<vmem>>) dst(%dma_wait3A_500 : memref<1x56x224xf32, #tpu.memory_space<hbm>>)
    %slice3A_501 = vector.extract_strided_slice %get3A_10 {offsets = [3], sizes = [1], strides = [1]} : vector<16xi32> to vector<1xi32>
    %squeeze3A_502 = vector.extract %slice3A_501[0] : i32 from vector<1xi32>
    %dma_wait3A_503 = arith.constant 168 : i32
    %dma_wait3A_504 = arith.constant 0 : i32
    %dma_wait3A_505 = tpu.memref_slice %arg4[%squeeze3A_502, %dma_wait3A_503, %dma_wait3A_504] : memref<768x224x224xf32, #tpu.memory_space<hbm>> -> memref<1x56x224xf32, #tpu.memory_space<hbm>>
    %dma_wait3A_506 = arith.constant 168 : i32
    %dma_wait3A_507 = arith.constant 0 : i32
    %dma_wait3A_508 = tpu.memref_slice %arg4[%squeeze3A_502, %dma_wait3A_506, %dma_wait3A_507] : memref<768x224x224xf32, #tpu.memory_space<hbm>> -> memref<1x56x224xf32, #tpu.memory_space<hbm>>
    tpu.wait_dma2 semaphore(%arg15 : memref<!tpu.dma_semaphore, #tpu.memory_space<semaphore_mem>>) src(%arg10 : memref<1x56x224xf32, #tpu.memory_space<vmem>>) dst(%dma_wait3A_508 : memref<1x56x224xf32, #tpu.memory_space<hbm>>)
    %slice3A_509 = vector.extract_strided_slice %get3A_4 {offsets = [5], sizes = [1], strides = [1]} : vector<16xi32> to vector<1xi32>
    %squeeze3A_510 = vector.extract %slice3A_509[0] : i32 from vector<1xi32>
    %dma_wait3A_511 = arith.constant 0 : i32
    %dma_wait3A_512 = arith.constant 0 : i32
    %dma_wait3A_513 = tpu.memref_slice %arg2[%squeeze3A_510, %dma_wait3A_511, %dma_wait3A_512] : memref<384x224x224xf32, #tpu.memory_space<hbm>> -> memref<1x224x224xf32, #tpu.memory_space<hbm>>
    %dma_wait3A_514 = arith.constant 0 : i32
    %dma_wait3A_515 = arith.constant 0 : i32
    %dma_wait3A_516 = tpu.memref_slice %arg2[%squeeze3A_510, %dma_wait3A_514, %dma_wait3A_515] : memref<384x224x224xf32, #tpu.memory_space<hbm>> -> memref<1x224x224xf32, #tpu.memory_space<hbm>>
    tpu.wait_dma2 semaphore(%arg12 : memref<!tpu.dma_semaphore, #tpu.memory_space<semaphore_mem>>) src(%dma_wait3A_516 : memref<1x224x224xf32, #tpu.memory_space<hbm>>) dst(%arg9 : memref<1x224x224xf32, #tpu.memory_space<vmem>>)
    %slice3A_517 = vector.extract_strided_slice %get3A_7 {offsets = [5], sizes = [1], strides = [1]} : vector<16xi32> to vector<1xi32>
    %squeeze3A_518 = vector.extract %slice3A_517[0] : i32 from vector<1xi32>
    %dma_start3A_519 = arith.constant 0 : i32
    %dma_start3A_520 = arith.constant 0 : i32
    %dma_start3A_521 = tpu.memref_slice %arg4[%squeeze3A_518, %dma_start3A_519, %dma_start3A_520] : memref<768x224x224xf32, #tpu.memory_space<hbm>> -> memref<1x224x224xf32, #tpu.memory_space<hbm>>
    %dma_start3A_522 = arith.constant 0 : i32
    %dma_start3A_523 = arith.constant 0 : i32
    %dma_start3A_524 = tpu.memref_slice %arg4[%squeeze3A_518, %dma_start3A_522, %dma_start3A_523] : memref<768x224x224xf32, #tpu.memory_space<hbm>> -> memref<1x224x224xf32, #tpu.memory_space<hbm>>
    tpu.enqueue_dma source(%arg9 : memref<1x224x224xf32, #tpu.memory_space<vmem>>) target(%dma_start3A_524 : memref<1x224x224xf32, #tpu.memory_space<hbm>>) target_semaphore(%arg14 : memref<!tpu.dma_semaphore, #tpu.memory_space<semaphore_mem>>)
    %slice3A_525 = vector.extract_strided_slice %get3A_7 {offsets = [5], sizes = [1], strides = [1]} : vector<16xi32> to vector<1xi32>
    %squeeze3A_526 = vector.extract %slice3A_525[0] : i32 from vector<1xi32>
    %dma_wait3A_527 = arith.constant 0 : i32
    %dma_wait3A_528 = arith.constant 0 : i32
    %dma_wait3A_529 = tpu.memref_slice %arg4[%squeeze3A_526, %dma_wait3A_527, %dma_wait3A_528] : memref<768x224x224xf32, #tpu.memory_space<hbm>> -> memref<1x224x224xf32, #tpu.memory_space<hbm>>
    %dma_wait3A_530 = arith.constant 0 : i32
    %dma_wait3A_531 = arith.constant 0 : i32
    %dma_wait3A_532 = tpu.memref_slice %arg4[%squeeze3A_526, %dma_wait3A_530, %dma_wait3A_531] : memref<768x224x224xf32, #tpu.memory_space<hbm>> -> memref<1x224x224xf32, #tpu.memory_space<hbm>>
    tpu.wait_dma2 semaphore(%arg14 : memref<!tpu.dma_semaphore, #tpu.memory_space<semaphore_mem>>) src(%arg9 : memref<1x224x224xf32, #tpu.memory_space<vmem>>) dst(%dma_wait3A_532 : memref<1x224x224xf32, #tpu.memory_space<hbm>>)
    %slice3A_533 = vector.extract_strided_slice %get3A_4 {offsets = [7], sizes = [1], strides = [1]} : vector<16xi32> to vector<1xi32>
    %squeeze3A_534 = vector.extract %slice3A_533[0] : i32 from vector<1xi32>
    %dma_start3A_535 = arith.constant 0 : i32
    %dma_start3A_536 = arith.constant 0 : i32
    %dma_start3A_537 = tpu.memref_slice %arg2[%squeeze3A_534, %dma_start3A_535, %dma_start3A_536] : memref<384x224x224xf32, #tpu.memory_space<hbm>> -> memref<1x224x224xf32, #tpu.memory_space<hbm>>
    %dma_start3A_538 = arith.constant 0 : i32
    %dma_start3A_539 = arith.constant 0 : i32
    %dma_start3A_540 = tpu.memref_slice %arg2[%squeeze3A_534, %dma_start3A_538, %dma_start3A_539] : memref<384x224x224xf32, #tpu.memory_space<hbm>> -> memref<1x224x224xf32, #tpu.memory_space<hbm>>
    tpu.enqueue_dma source(%dma_start3A_540 : memref<1x224x224xf32, #tpu.memory_space<hbm>>) target(%arg9 : memref<1x224x224xf32, #tpu.memory_space<vmem>>) target_semaphore(%arg12 : memref<!tpu.dma_semaphore, #tpu.memory_space<semaphore_mem>>)
    %slice3A_541 = vector.extract_strided_slice %get3A_10 {offsets = [6], sizes = [1], strides = [1]} : vector<16xi32> to vector<1xi32>
    %squeeze3A_542 = vector.extract %slice3A_541[0] : i32 from vector<1xi32>
    %dma_start3A_543 = arith.constant 0 : i32
    %dma_start3A_544 = arith.constant 0 : i32
    %dma_start3A_545 = tpu.memref_slice %arg4[%squeeze3A_542, %dma_start3A_543, %dma_start3A_544] : memref<768x224x224xf32, #tpu.memory_space<hbm>> -> memref<1x56x224xf32, #tpu.memory_space<hbm>>
    %dma_start3A_546 = arith.constant 0 : i32
    %dma_start3A_547 = arith.constant 0 : i32
    %dma_start3A_548 = tpu.memref_slice %arg4[%squeeze3A_542, %dma_start3A_546, %dma_start3A_547] : memref<768x224x224xf32, #tpu.memory_space<hbm>> -> memref<1x56x224xf32, #tpu.memory_space<hbm>>
    tpu.enqueue_dma source(%arg10 : memref<1x56x224xf32, #tpu.memory_space<vmem>>) target(%dma_start3A_548 : memref<1x56x224xf32, #tpu.memory_space<hbm>>) target_semaphore(%arg15 : memref<!tpu.dma_semaphore, #tpu.memory_space<semaphore_mem>>)
    %slice3A_549 = vector.extract_strided_slice %get3A_10 {offsets = [6], sizes = [1], strides = [1]} : vector<16xi32> to vector<1xi32>
    %squeeze3A_550 = vector.extract %slice3A_549[0] : i32 from vector<1xi32>
    %dma_start3A_551 = arith.constant 56 : i32
    %dma_start3A_552 = arith.constant 0 : i32
    %dma_start3A_553 = tpu.memref_slice %arg4[%squeeze3A_550, %dma_start3A_551, %dma_start3A_552] : memref<768x224x224xf32, #tpu.memory_space<hbm>> -> memref<1x56x224xf32, #tpu.memory_space<hbm>>
    %dma_start3A_554 = arith.constant 56 : i32
    %dma_start3A_555 = arith.constant 0 : i32
    %dma_start3A_556 = tpu.memref_slice %arg4[%squeeze3A_550, %dma_start3A_554, %dma_start3A_555] : memref<768x224x224xf32, #tpu.memory_space<hbm>> -> memref<1x56x224xf32, #tpu.memory_space<hbm>>
    tpu.enqueue_dma source(%arg10 : memref<1x56x224xf32, #tpu.memory_space<vmem>>) target(%dma_start3A_556 : memref<1x56x224xf32, #tpu.memory_space<hbm>>) target_semaphore(%arg15 : memref<!tpu.dma_semaphore, #tpu.memory_space<semaphore_mem>>)
    %slice3A_557 = vector.extract_strided_slice %get3A_10 {offsets = [6], sizes = [1], strides = [1]} : vector<16xi32> to vector<1xi32>
    %squeeze3A_558 = vector.extract %slice3A_557[0] : i32 from vector<1xi32>
    %dma_start3A_559 = arith.constant 112 : i32
    %dma_start3A_560 = arith.constant 0 : i32
    %dma_start3A_561 = tpu.memref_slice %arg4[%squeeze3A_558, %dma_start3A_559, %dma_start3A_560] : memref<768x224x224xf32, #tpu.memory_space<hbm>> -> memref<1x56x224xf32, #tpu.memory_space<hbm>>
    %dma_start3A_562 = arith.constant 112 : i32
    %dma_start3A_563 = arith.constant 0 : i32
    %dma_start3A_564 = tpu.memref_slice %arg4[%squeeze3A_558, %dma_start3A_562, %dma_start3A_563] : memref<768x224x224xf32, #tpu.memory_space<hbm>> -> memref<1x56x224xf32, #tpu.memory_space<hbm>>
    tpu.enqueue_dma source(%arg10 : memref<1x56x224xf32, #tpu.memory_space<vmem>>) target(%dma_start3A_564 : memref<1x56x224xf32, #tpu.memory_space<hbm>>) target_semaphore(%arg15 : memref<!tpu.dma_semaphore, #tpu.memory_space<semaphore_mem>>)
    %slice3A_565 = vector.extract_strided_slice %get3A_10 {offsets = [6], sizes = [1], strides = [1]} : vector<16xi32> to vector<1xi32>
    %squeeze3A_566 = vector.extract %slice3A_565[0] : i32 from vector<1xi32>
    %dma_start3A_567 = arith.constant 168 : i32
    %dma_start3A_568 = arith.constant 0 : i32
    %dma_start3A_569 = tpu.memref_slice %arg4[%squeeze3A_566, %dma_start3A_567, %dma_start3A_568] : memref<768x224x224xf32, #tpu.memory_space<hbm>> -> memref<1x56x224xf32, #tpu.memory_space<hbm>>
    %dma_start3A_570 = arith.constant 168 : i32
    %dma_start3A_571 = arith.constant 0 : i32
    %dma_start3A_572 = tpu.memref_slice %arg4[%squeeze3A_566, %dma_start3A_570, %dma_start3A_571] : memref<768x224x224xf32, #tpu.memory_space<hbm>> -> memref<1x56x224xf32, #tpu.memory_space<hbm>>
    tpu.enqueue_dma source(%arg10 : memref<1x56x224xf32, #tpu.memory_space<vmem>>) target(%dma_start3A_572 : memref<1x56x224xf32, #tpu.memory_space<hbm>>) target_semaphore(%arg15 : memref<!tpu.dma_semaphore, #tpu.memory_space<semaphore_mem>>)
    %slice3A_573 = vector.extract_strided_slice %get3A_10 {offsets = [4], sizes = [1], strides = [1]} : vector<16xi32> to vector<1xi32>
    %squeeze3A_574 = vector.extract %slice3A_573[0] : i32 from vector<1xi32>
    %dma_wait3A_575 = arith.constant 0 : i32
    %dma_wait3A_576 = arith.constant 0 : i32
    %dma_wait3A_577 = tpu.memref_slice %arg4[%squeeze3A_574, %dma_wait3A_575, %dma_wait3A_576] : memref<768x224x224xf32, #tpu.memory_space<hbm>> -> memref<1x56x224xf32, #tpu.memory_space<hbm>>
    %dma_wait3A_578 = arith.constant 0 : i32
    %dma_wait3A_579 = arith.constant 0 : i32
    %dma_wait3A_580 = tpu.memref_slice %arg4[%squeeze3A_574, %dma_wait3A_578, %dma_wait3A_579] : memref<768x224x224xf32, #tpu.memory_space<hbm>> -> memref<1x56x224xf32, #tpu.memory_space<hbm>>
    tpu.wait_dma2 semaphore(%arg15 : memref<!tpu.dma_semaphore, #tpu.memory_space<semaphore_mem>>) src(%arg10 : memref<1x56x224xf32, #tpu.memory_space<vmem>>) dst(%dma_wait3A_580 : memref<1x56x224xf32, #tpu.memory_space<hbm>>)
    %slice3A_581 = vector.extract_strided_slice %get3A_10 {offsets = [4], sizes = [1], strides = [1]} : vector<16xi32> to vector<1xi32>
    %squeeze3A_582 = vector.extract %slice3A_581[0] : i32 from vector<1xi32>
    %dma_wait3A_583 = arith.constant 56 : i32
    %dma_wait3A_584 = arith.constant 0 : i32
    %dma_wait3A_585 = tpu.memref_slice %arg4[%squeeze3A_582, %dma_wait3A_583, %dma_wait3A_584] : memref<768x224x224xf32, #tpu.memory_space<hbm>> -> memref<1x56x224xf32, #tpu.memory_space<hbm>>
    %dma_wait3A_586 = arith.constant 56 : i32
    %dma_wait3A_587 = arith.constant 0 : i32
    %dma_wait3A_588 = tpu.memref_slice %arg4[%squeeze3A_582, %dma_wait3A_586, %dma_wait3A_587] : memref<768x224x224xf32, #tpu.memory_space<hbm>> -> memref<1x56x224xf32, #tpu.memory_space<hbm>>
    tpu.wait_dma2 semaphore(%arg15 : memref<!tpu.dma_semaphore, #tpu.memory_space<semaphore_mem>>) src(%arg10 : memref<1x56x224xf32, #tpu.memory_space<vmem>>) dst(%dma_wait3A_588 : memref<1x56x224xf32, #tpu.memory_space<hbm>>)
    %slice3A_589 = vector.extract_strided_slice %get3A_10 {offsets = [4], sizes = [1], strides = [1]} : vector<16xi32> to vector<1xi32>
    %squeeze3A_590 = vector.extract %slice3A_589[0] : i32 from vector<1xi32>
    %dma_wait3A_591 = arith.constant 112 : i32
    %dma_wait3A_592 = arith.constant 0 : i32
    %dma_wait3A_593 = tpu.memref_slice %arg4[%squeeze3A_590, %dma_wait3A_591, %dma_wait3A_592] : memref<768x224x224xf32, #tpu.memory_space<hbm>> -> memref<1x56x224xf32, #tpu.memory_space<hbm>>
    %dma_wait3A_594 = arith.constant 112 : i32
    %dma_wait3A_595 = arith.constant 0 : i32
    %dma_wait3A_596 = tpu.memref_slice %arg4[%squeeze3A_590, %dma_wait3A_594, %dma_wait3A_595] : memref<768x224x224xf32, #tpu.memory_space<hbm>> -> memref<1x56x224xf32, #tpu.memory_space<hbm>>
    tpu.wait_dma2 semaphore(%arg15 : memref<!tpu.dma_semaphore, #tpu.memory_space<semaphore_mem>>) src(%arg10 : memref<1x56x224xf32, #tpu.memory_space<vmem>>) dst(%dma_wait3A_596 : memref<1x56x224xf32, #tpu.memory_space<hbm>>)
    %slice3A_597 = vector.extract_strided_slice %get3A_10 {offsets = [4], sizes = [1], strides = [1]} : vector<16xi32> to vector<1xi32>
    %squeeze3A_598 = vector.extract %slice3A_597[0] : i32 from vector<1xi32>
    %dma_wait3A_599 = arith.constant 168 : i32
    %dma_wait3A_600 = arith.constant 0 : i32
    %dma_wait3A_601 = tpu.memref_slice %arg4[%squeeze3A_598, %dma_wait3A_599, %dma_wait3A_600] : memref<768x224x224xf32, #tpu.memory_space<hbm>> -> memref<1x56x224xf32, #tpu.memory_space<hbm>>
    %dma_wait3A_602 = arith.constant 168 : i32
    %dma_wait3A_603 = arith.constant 0 : i32
    %dma_wait3A_604 = tpu.memref_slice %arg4[%squeeze3A_598, %dma_wait3A_602, %dma_wait3A_603] : memref<768x224x224xf32, #tpu.memory_space<hbm>> -> memref<1x56x224xf32, #tpu.memory_space<hbm>>
    tpu.wait_dma2 semaphore(%arg15 : memref<!tpu.dma_semaphore, #tpu.memory_space<semaphore_mem>>) src(%arg10 : memref<1x56x224xf32, #tpu.memory_space<vmem>>) dst(%dma_wait3A_604 : memref<1x56x224xf32, #tpu.memory_space<hbm>>)
    %slice3A_605 = vector.extract_strided_slice %get3A_4 {offsets = [6], sizes = [1], strides = [1]} : vector<16xi32> to vector<1xi32>
    %squeeze3A_606 = vector.extract %slice3A_605[0] : i32 from vector<1xi32>
    %dma_wait3A_607 = arith.constant 0 : i32
    %dma_wait3A_608 = arith.constant 0 : i32
    %dma_wait3A_609 = tpu.memref_slice %arg2[%squeeze3A_606, %dma_wait3A_607, %dma_wait3A_608] : memref<384x224x224xf32, #tpu.memory_space<hbm>> -> memref<1x224x224xf32, #tpu.memory_space<hbm>>
    %dma_wait3A_610 = arith.constant 0 : i32
    %dma_wait3A_611 = arith.constant 0 : i32
    %dma_wait3A_612 = tpu.memref_slice %arg2[%squeeze3A_606, %dma_wait3A_610, %dma_wait3A_611] : memref<384x224x224xf32, #tpu.memory_space<hbm>> -> memref<1x224x224xf32, #tpu.memory_space<hbm>>
    tpu.wait_dma2 semaphore(%arg11 : memref<!tpu.dma_semaphore, #tpu.memory_space<semaphore_mem>>) src(%dma_wait3A_612 : memref<1x224x224xf32, #tpu.memory_space<hbm>>) dst(%arg8 : memref<1x224x224xf32, #tpu.memory_space<vmem>>)
    %slice3A_613 = vector.extract_strided_slice %get3A_7 {offsets = [6], sizes = [1], strides = [1]} : vector<16xi32> to vector<1xi32>
    %squeeze3A_614 = vector.extract %slice3A_613[0] : i32 from vector<1xi32>
    %dma_start3A_615 = arith.constant 0 : i32
    %dma_start3A_616 = arith.constant 0 : i32
    %dma_start3A_617 = tpu.memref_slice %arg4[%squeeze3A_614, %dma_start3A_615, %dma_start3A_616] : memref<768x224x224xf32, #tpu.memory_space<hbm>> -> memref<1x224x224xf32, #tpu.memory_space<hbm>>
    %dma_start3A_618 = arith.constant 0 : i32
    %dma_start3A_619 = arith.constant 0 : i32
    %dma_start3A_620 = tpu.memref_slice %arg4[%squeeze3A_614, %dma_start3A_618, %dma_start3A_619] : memref<768x224x224xf32, #tpu.memory_space<hbm>> -> memref<1x224x224xf32, #tpu.memory_space<hbm>>
    tpu.enqueue_dma source(%arg8 : memref<1x224x224xf32, #tpu.memory_space<vmem>>) target(%dma_start3A_620 : memref<1x224x224xf32, #tpu.memory_space<hbm>>) target_semaphore(%arg13 : memref<!tpu.dma_semaphore, #tpu.memory_space<semaphore_mem>>)
    %slice3A_621 = vector.extract_strided_slice %get3A_7 {offsets = [6], sizes = [1], strides = [1]} : vector<16xi32> to vector<1xi32>
    %squeeze3A_622 = vector.extract %slice3A_621[0] : i32 from vector<1xi32>
    %dma_wait3A_623 = arith.constant 0 : i32
    %dma_wait3A_624 = arith.constant 0 : i32
    %dma_wait3A_625 = tpu.memref_slice %arg4[%squeeze3A_622, %dma_wait3A_623, %dma_wait3A_624] : memref<768x224x224xf32, #tpu.memory_space<hbm>> -> memref<1x224x224xf32, #tpu.memory_space<hbm>>
    %dma_wait3A_626 = arith.constant 0 : i32
    %dma_wait3A_627 = arith.constant 0 : i32
    %dma_wait3A_628 = tpu.memref_slice %arg4[%squeeze3A_622, %dma_wait3A_626, %dma_wait3A_627] : memref<768x224x224xf32, #tpu.memory_space<hbm>> -> memref<1x224x224xf32, #tpu.memory_space<hbm>>
    tpu.wait_dma2 semaphore(%arg13 : memref<!tpu.dma_semaphore, #tpu.memory_space<semaphore_mem>>) src(%arg8 : memref<1x224x224xf32, #tpu.memory_space<vmem>>) dst(%dma_wait3A_628 : memref<1x224x224xf32, #tpu.memory_space<hbm>>)
    %slice3A_629 = vector.extract_strided_slice %get3A_4 {offsets = [8], sizes = [1], strides = [1]} : vector<16xi32> to vector<1xi32>
    %squeeze3A_630 = vector.extract %slice3A_629[0] : i32 from vector<1xi32>
    %dma_start3A_631 = arith.constant 0 : i32
    %dma_start3A_632 = arith.constant 0 : i32
    %dma_start3A_633 = tpu.memref_slice %arg2[%squeeze3A_630, %dma_start3A_631, %dma_start3A_632] : memref<384x224x224xf32, #tpu.memory_space<hbm>> -> memref<1x224x224xf32, #tpu.memory_space<hbm>>
    %dma_start3A_634 = arith.constant 0 : i32
    %dma_start3A_635 = arith.constant 0 : i32
    %dma_start3A_636 = tpu.memref_slice %arg2[%squeeze3A_630, %dma_start3A_634, %dma_start3A_635] : memref<384x224x224xf32, #tpu.memory_space<hbm>> -> memref<1x224x224xf32, #tpu.memory_space<hbm>>
    tpu.enqueue_dma source(%dma_start3A_636 : memref<1x224x224xf32, #tpu.memory_space<hbm>>) target(%arg8 : memref<1x224x224xf32, #tpu.memory_space<vmem>>) target_semaphore(%arg11 : memref<!tpu.dma_semaphore, #tpu.memory_space<semaphore_mem>>)
    %slice3A_637 = vector.extract_strided_slice %get3A_10 {offsets = [7], sizes = [1], strides = [1]} : vector<16xi32> to vector<1xi32>
    %squeeze3A_638 = vector.extract %slice3A_637[0] : i32 from vector<1xi32>
    %dma_start3A_639 = arith.constant 0 : i32
    %dma_start3A_640 = arith.constant 0 : i32
    %dma_start3A_641 = tpu.memref_slice %arg4[%squeeze3A_638, %dma_start3A_639, %dma_start3A_640] : memref<768x224x224xf32, #tpu.memory_space<hbm>> -> memref<1x56x224xf32, #tpu.memory_space<hbm>>
    %dma_start3A_642 = arith.constant 0 : i32
    %dma_start3A_643 = arith.constant 0 : i32
    %dma_start3A_644 = tpu.memref_slice %arg4[%squeeze3A_638, %dma_start3A_642, %dma_start3A_643] : memref<768x224x224xf32, #tpu.memory_space<hbm>> -> memref<1x56x224xf32, #tpu.memory_space<hbm>>
    tpu.enqueue_dma source(%arg10 : memref<1x56x224xf32, #tpu.memory_space<vmem>>) target(%dma_start3A_644 : memref<1x56x224xf32, #tpu.memory_space<hbm>>) target_semaphore(%arg15 : memref<!tpu.dma_semaphore, #tpu.memory_space<semaphore_mem>>)
    %slice3A_645 = vector.extract_strided_slice %get3A_10 {offsets = [7], sizes = [1], strides = [1]} : vector<16xi32> to vector<1xi32>
    %squeeze3A_646 = vector.extract %slice3A_645[0] : i32 from vector<1xi32>
    %dma_start3A_647 = arith.constant 56 : i32
    %dma_start3A_648 = arith.constant 0 : i32
    %dma_start3A_649 = tpu.memref_slice %arg4[%squeeze3A_646, %dma_start3A_647, %dma_start3A_648] : memref<768x224x224xf32, #tpu.memory_space<hbm>> -> memref<1x56x224xf32, #tpu.memory_space<hbm>>
    %dma_start3A_650 = arith.constant 56 : i32
    %dma_start3A_651 = arith.constant 0 : i32
    %dma_start3A_652 = tpu.memref_slice %arg4[%squeeze3A_646, %dma_start3A_650, %dma_start3A_651] : memref<768x224x224xf32, #tpu.memory_space<hbm>> -> memref<1x56x224xf32, #tpu.memory_space<hbm>>
    tpu.enqueue_dma source(%arg10 : memref<1x56x224xf32, #tpu.memory_space<vmem>>) target(%dma_start3A_652 : memref<1x56x224xf32, #tpu.memory_space<hbm>>) target_semaphore(%arg15 : memref<!tpu.dma_semaphore, #tpu.memory_space<semaphore_mem>>)
    %slice3A_653 = vector.extract_strided_slice %get3A_10 {offsets = [7], sizes = [1], strides = [1]} : vector<16xi32> to vector<1xi32>
    %squeeze3A_654 = vector.extract %slice3A_653[0] : i32 from vector<1xi32>
    %dma_start3A_655 = arith.constant 112 : i32
    %dma_start3A_656 = arith.constant 0 : i32
    %dma_start3A_657 = tpu.memref_slice %arg4[%squeeze3A_654, %dma_start3A_655, %dma_start3A_656] : memref<768x224x224xf32, #tpu.memory_space<hbm>> -> memref<1x56x224xf32, #tpu.memory_space<hbm>>
    %dma_start3A_658 = arith.constant 112 : i32
    %dma_start3A_659 = arith.constant 0 : i32
    %dma_start3A_660 = tpu.memref_slice %arg4[%squeeze3A_654, %dma_start3A_658, %dma_start3A_659] : memref<768x224x224xf32, #tpu.memory_space<hbm>> -> memref<1x56x224xf32, #tpu.memory_space<hbm>>
    tpu.enqueue_dma source(%arg10 : memref<1x56x224xf32, #tpu.memory_space<vmem>>) target(%dma_start3A_660 : memref<1x56x224xf32, #tpu.memory_space<hbm>>) target_semaphore(%arg15 : memref<!tpu.dma_semaphore, #tpu.memory_space<semaphore_mem>>)
    %slice3A_661 = vector.extract_strided_slice %get3A_10 {offsets = [7], sizes = [1], strides = [1]} : vector<16xi32> to vector<1xi32>
    %squeeze3A_662 = vector.extract %slice3A_661[0] : i32 from vector<1xi32>
    %dma_start3A_663 = arith.constant 168 : i32
    %dma_start3A_664 = arith.constant 0 : i32
    %dma_start3A_665 = tpu.memref_slice %arg4[%squeeze3A_662, %dma_start3A_663, %dma_start3A_664] : memref<768x224x224xf32, #tpu.memory_space<hbm>> -> memref<1x56x224xf32, #tpu.memory_space<hbm>>
    %dma_start3A_666 = arith.constant 168 : i32
    %dma_start3A_667 = arith.constant 0 : i32
    %dma_start3A_668 = tpu.memref_slice %arg4[%squeeze3A_662, %dma_start3A_666, %dma_start3A_667] : memref<768x224x224xf32, #tpu.memory_space<hbm>> -> memref<1x56x224xf32, #tpu.memory_space<hbm>>
    tpu.enqueue_dma source(%arg10 : memref<1x56x224xf32, #tpu.memory_space<vmem>>) target(%dma_start3A_668 : memref<1x56x224xf32, #tpu.memory_space<hbm>>) target_semaphore(%arg15 : memref<!tpu.dma_semaphore, #tpu.memory_space<semaphore_mem>>)
    %slice3A_669 = vector.extract_strided_slice %get3A_10 {offsets = [5], sizes = [1], strides = [1]} : vector<16xi32> to vector<1xi32>
    %squeeze3A_670 = vector.extract %slice3A_669[0] : i32 from vector<1xi32>
    %dma_wait3A_671 = arith.constant 0 : i32
    %dma_wait3A_672 = arith.constant 0 : i32
    %dma_wait3A_673 = tpu.memref_slice %arg4[%squeeze3A_670, %dma_wait3A_671, %dma_wait3A_672] : memref<768x224x224xf32, #tpu.memory_space<hbm>> -> memref<1x56x224xf32, #tpu.memory_space<hbm>>
    %dma_wait3A_674 = arith.constant 0 : i32
    %dma_wait3A_675 = arith.constant 0 : i32
    %dma_wait3A_676 = tpu.memref_slice %arg4[%squeeze3A_670, %dma_wait3A_674, %dma_wait3A_675] : memref<768x224x224xf32, #tpu.memory_space<hbm>> -> memref<1x56x224xf32, #tpu.memory_space<hbm>>
    tpu.wait_dma2 semaphore(%arg15 : memref<!tpu.dma_semaphore, #tpu.memory_space<semaphore_mem>>) src(%arg10 : memref<1x56x224xf32, #tpu.memory_space<vmem>>) dst(%dma_wait3A_676 : memref<1x56x224xf32, #tpu.memory_space<hbm>>)
    %slice3A_677 = vector.extract_strided_slice %get3A_10 {offsets = [5], sizes = [1], strides = [1]} : vector<16xi32> to vector<1xi32>
    %squeeze3A_678 = vector.extract %slice3A_677[0] : i32 from vector<1xi32>
    %dma_wait3A_679 = arith.constant 56 : i32
    %dma_wait3A_680 = arith.constant 0 : i32
    %dma_wait3A_681 = tpu.memref_slice %arg4[%squeeze3A_678, %dma_wait3A_679, %dma_wait3A_680] : memref<768x224x224xf32, #tpu.memory_space<hbm>> -> memref<1x56x224xf32, #tpu.memory_space<hbm>>
    %dma_wait3A_682 = arith.constant 56 : i32
    %dma_wait3A_683 = arith.constant 0 : i32
    %dma_wait3A_684 = tpu.memref_slice %arg4[%squeeze3A_678, %dma_wait3A_682, %dma_wait3A_683] : memref<768x224x224xf32, #tpu.memory_space<hbm>> -> memref<1x56x224xf32, #tpu.memory_space<hbm>>
    tpu.wait_dma2 semaphore(%arg15 : memref<!tpu.dma_semaphore, #tpu.memory_space<semaphore_mem>>) src(%arg10 : memref<1x56x224xf32, #tpu.memory_space<vmem>>) dst(%dma_wait3A_684 : memref<1x56x224xf32, #tpu.memory_space<hbm>>)
    %slice3A_685 = vector.extract_strided_slice %get3A_10 {offsets = [5], sizes = [1], strides = [1]} : vector<16xi32> to vector<1xi32>
    %squeeze3A_686 = vector.extract %slice3A_685[0] : i32 from vector<1xi32>
    %dma_wait3A_687 = arith.constant 112 : i32
    %dma_wait3A_688 = arith.constant 0 : i32
    %dma_wait3A_689 = tpu.memref_slice %arg4[%squeeze3A_686, %dma_wait3A_687, %dma_wait3A_688] : memref<768x224x224xf32, #tpu.memory_space<hbm>> -> memref<1x56x224xf32, #tpu.memory_space<hbm>>
    %dma_wait3A_690 = arith.constant 112 : i32
    %dma_wait3A_691 = arith.constant 0 : i32
    %dma_wait3A_692 = tpu.memref_slice %arg4[%squeeze3A_686, %dma_wait3A_690, %dma_wait3A_691] : memref<768x224x224xf32, #tpu.memory_space<hbm>> -> memref<1x56x224xf32, #tpu.memory_space<hbm>>
    tpu.wait_dma2 semaphore(%arg15 : memref<!tpu.dma_semaphore, #tpu.memory_space<semaphore_mem>>) src(%arg10 : memref<1x56x224xf32, #tpu.memory_space<vmem>>) dst(%dma_wait3A_692 : memref<1x56x224xf32, #tpu.memory_space<hbm>>)
    %slice3A_693 = vector.extract_strided_slice %get3A_10 {offsets = [5], sizes = [1], strides = [1]} : vector<16xi32> to vector<1xi32>
    %squeeze3A_694 = vector.extract %slice3A_693[0] : i32 from vector<1xi32>
    %dma_wait3A_695 = arith.constant 168 : i32
    %dma_wait3A_696 = arith.constant 0 : i32
    %dma_wait3A_697 = tpu.memref_slice %arg4[%squeeze3A_694, %dma_wait3A_695, %dma_wait3A_696] : memref<768x224x224xf32, #tpu.memory_space<hbm>> -> memref<1x56x224xf32, #tpu.memory_space<hbm>>
    %dma_wait3A_698 = arith.constant 168 : i32
    %dma_wait3A_699 = arith.constant 0 : i32
    %dma_wait3A_700 = tpu.memref_slice %arg4[%squeeze3A_694, %dma_wait3A_698, %dma_wait3A_699] : memref<768x224x224xf32, #tpu.memory_space<hbm>> -> memref<1x56x224xf32, #tpu.memory_space<hbm>>
    tpu.wait_dma2 semaphore(%arg15 : memref<!tpu.dma_semaphore, #tpu.memory_space<semaphore_mem>>) src(%arg10 : memref<1x56x224xf32, #tpu.memory_space<vmem>>) dst(%dma_wait3A_700 : memref<1x56x224xf32, #tpu.memory_space<hbm>>)
    %slice3A_701 = vector.extract_strided_slice %get3A_4 {offsets = [7], sizes = [1], strides = [1]} : vector<16xi32> to vector<1xi32>
    %squeeze3A_702 = vector.extract %slice3A_701[0] : i32 from vector<1xi32>
    %dma_wait3A_703 = arith.constant 0 : i32
    %dma_wait3A_704 = arith.constant 0 : i32
    %dma_wait3A_705 = tpu.memref_slice %arg2[%squeeze3A_702, %dma_wait3A_703, %dma_wait3A_704] : memref<384x224x224xf32, #tpu.memory_space<hbm>> -> memref<1x224x224xf32, #tpu.memory_space<hbm>>
    %dma_wait3A_706 = arith.constant 0 : i32
    %dma_wait3A_707 = arith.constant 0 : i32
    %dma_wait3A_708 = tpu.memref_slice %arg2[%squeeze3A_702, %dma_wait3A_706, %dma_wait3A_707] : memref<384x224x224xf32, #tpu.memory_space<hbm>> -> memref<1x224x224xf32, #tpu.memory_space<hbm>>
    tpu.wait_dma2 semaphore(%arg12 : memref<!tpu.dma_semaphore, #tpu.memory_space<semaphore_mem>>) src(%dma_wait3A_708 : memref<1x224x224xf32, #tpu.memory_space<hbm>>) dst(%arg9 : memref<1x224x224xf32, #tpu.memory_space<vmem>>)
    %slice3A_709 = vector.extract_strided_slice %get3A_7 {offsets = [7], sizes = [1], strides = [1]} : vector<16xi32> to vector<1xi32>
    %squeeze3A_710 = vector.extract %slice3A_709[0] : i32 from vector<1xi32>
    %dma_start3A_711 = arith.constant 0 : i32
    %dma_start3A_712 = arith.constant 0 : i32
    %dma_start3A_713 = tpu.memref_slice %arg4[%squeeze3A_710, %dma_start3A_711, %dma_start3A_712] : memref<768x224x224xf32, #tpu.memory_space<hbm>> -> memref<1x224x224xf32, #tpu.memory_space<hbm>>
    %dma_start3A_714 = arith.constant 0 : i32
    %dma_start3A_715 = arith.constant 0 : i32
    %dma_start3A_716 = tpu.memref_slice %arg4[%squeeze3A_710, %dma_start3A_714, %dma_start3A_715] : memref<768x224x224xf32, #tpu.memory_space<hbm>> -> memref<1x224x224xf32, #tpu.memory_space<hbm>>
    tpu.enqueue_dma source(%arg9 : memref<1x224x224xf32, #tpu.memory_space<vmem>>) target(%dma_start3A_716 : memref<1x224x224xf32, #tpu.memory_space<hbm>>) target_semaphore(%arg14 : memref<!tpu.dma_semaphore, #tpu.memory_space<semaphore_mem>>)
    %slice3A_717 = vector.extract_strided_slice %get3A_7 {offsets = [7], sizes = [1], strides = [1]} : vector<16xi32> to vector<1xi32>
    %squeeze3A_718 = vector.extract %slice3A_717[0] : i32 from vector<1xi32>
    %dma_wait3A_719 = arith.constant 0 : i32
    %dma_wait3A_720 = arith.constant 0 : i32
    %dma_wait3A_721 = tpu.memref_slice %arg4[%squeeze3A_718, %dma_wait3A_719, %dma_wait3A_720] : memref<768x224x224xf32, #tpu.memory_space<hbm>> -> memref<1x224x224xf32, #tpu.memory_space<hbm>>
    %dma_wait3A_722 = arith.constant 0 : i32
    %dma_wait3A_723 = arith.constant 0 : i32
    %dma_wait3A_724 = tpu.memref_slice %arg4[%squeeze3A_718, %dma_wait3A_722, %dma_wait3A_723] : memref<768x224x224xf32, #tpu.memory_space<hbm>> -> memref<1x224x224xf32, #tpu.memory_space<hbm>>
    tpu.wait_dma2 semaphore(%arg14 : memref<!tpu.dma_semaphore, #tpu.memory_space<semaphore_mem>>) src(%arg9 : memref<1x224x224xf32, #tpu.memory_space<vmem>>) dst(%dma_wait3A_724 : memref<1x224x224xf32, #tpu.memory_space<hbm>>)
    %slice3A_725 = vector.extract_strided_slice %get3A_4 {offsets = [9], sizes = [1], strides = [1]} : vector<16xi32> to vector<1xi32>
    %squeeze3A_726 = vector.extract %slice3A_725[0] : i32 from vector<1xi32>
    %dma_start3A_727 = arith.constant 0 : i32
    %dma_start3A_728 = arith.constant 0 : i32
    %dma_start3A_729 = tpu.memref_slice %arg2[%squeeze3A_726, %dma_start3A_727, %dma_start3A_728] : memref<384x224x224xf32, #tpu.memory_space<hbm>> -> memref<1x224x224xf32, #tpu.memory_space<hbm>>
    %dma_start3A_730 = arith.constant 0 : i32
    %dma_start3A_731 = arith.constant 0 : i32
    %dma_start3A_732 = tpu.memref_slice %arg2[%squeeze3A_726, %dma_start3A_730, %dma_start3A_731] : memref<384x224x224xf32, #tpu.memory_space<hbm>> -> memref<1x224x224xf32, #tpu.memory_space<hbm>>
    tpu.enqueue_dma source(%dma_start3A_732 : memref<1x224x224xf32, #tpu.memory_space<hbm>>) target(%arg9 : memref<1x224x224xf32, #tpu.memory_space<vmem>>) target_semaphore(%arg12 : memref<!tpu.dma_semaphore, #tpu.memory_space<semaphore_mem>>)
    %slice3A_733 = vector.extract_strided_slice %get3A_10 {offsets = [8], sizes = [1], strides = [1]} : vector<16xi32> to vector<1xi32>
    %squeeze3A_734 = vector.extract %slice3A_733[0] : i32 from vector<1xi32>
    %dma_start3A_735 = arith.constant 0 : i32
    %dma_start3A_736 = arith.constant 0 : i32
    %dma_start3A_737 = tpu.memref_slice %arg4[%squeeze3A_734, %dma_start3A_735, %dma_start3A_736] : memref<768x224x224xf32, #tpu.memory_space<hbm>> -> memref<1x56x224xf32, #tpu.memory_space<hbm>>
    %dma_start3A_738 = arith.constant 0 : i32
    %dma_start3A_739 = arith.constant 0 : i32
    %dma_start3A_740 = tpu.memref_slice %arg4[%squeeze3A_734, %dma_start3A_738, %dma_start3A_739] : memref<768x224x224xf32, #tpu.memory_space<hbm>> -> memref<1x56x224xf32, #tpu.memory_space<hbm>>
    tpu.enqueue_dma source(%arg10 : memref<1x56x224xf32, #tpu.memory_space<vmem>>) target(%dma_start3A_740 : memref<1x56x224xf32, #tpu.memory_space<hbm>>) target_semaphore(%arg15 : memref<!tpu.dma_semaphore, #tpu.memory_space<semaphore_mem>>)
    %slice3A_741 = vector.extract_strided_slice %get3A_10 {offsets = [8], sizes = [1], strides = [1]} : vector<16xi32> to vector<1xi32>
    %squeeze3A_742 = vector.extract %slice3A_741[0] : i32 from vector<1xi32>
    %dma_start3A_743 = arith.constant 56 : i32
    %dma_start3A_744 = arith.constant 0 : i32
    %dma_start3A_745 = tpu.memref_slice %arg4[%squeeze3A_742, %dma_start3A_743, %dma_start3A_744] : memref<768x224x224xf32, #tpu.memory_space<hbm>> -> memref<1x56x224xf32, #tpu.memory_space<hbm>>
    %dma_start3A_746 = arith.constant 56 : i32
    %dma_start3A_747 = arith.constant 0 : i32
    %dma_start3A_748 = tpu.memref_slice %arg4[%squeeze3A_742, %dma_start3A_746, %dma_start3A_747] : memref<768x224x224xf32, #tpu.memory_space<hbm>> -> memref<1x56x224xf32, #tpu.memory_space<hbm>>
    tpu.enqueue_dma source(%arg10 : memref<1x56x224xf32, #tpu.memory_space<vmem>>) target(%dma_start3A_748 : memref<1x56x224xf32, #tpu.memory_space<hbm>>) target_semaphore(%arg15 : memref<!tpu.dma_semaphore, #tpu.memory_space<semaphore_mem>>)
    %slice3A_749 = vector.extract_strided_slice %get3A_10 {offsets = [8], sizes = [1], strides = [1]} : vector<16xi32> to vector<1xi32>
    %squeeze3A_750 = vector.extract %slice3A_749[0] : i32 from vector<1xi32>
    %dma_start3A_751 = arith.constant 112 : i32
    %dma_start3A_752 = arith.constant 0 : i32
    %dma_start3A_753 = tpu.memref_slice %arg4[%squeeze3A_750, %dma_start3A_751, %dma_start3A_752] : memref<768x224x224xf32, #tpu.memory_space<hbm>> -> memref<1x56x224xf32, #tpu.memory_space<hbm>>
    %dma_start3A_754 = arith.constant 112 : i32
    %dma_start3A_755 = arith.constant 0 : i32
    %dma_start3A_756 = tpu.memref_slice %arg4[%squeeze3A_750, %dma_start3A_754, %dma_start3A_755] : memref<768x224x224xf32, #tpu.memory_space<hbm>> -> memref<1x56x224xf32, #tpu.memory_space<hbm>>
    tpu.enqueue_dma source(%arg10 : memref<1x56x224xf32, #tpu.memory_space<vmem>>) target(%dma_start3A_756 : memref<1x56x224xf32, #tpu.memory_space<hbm>>) target_semaphore(%arg15 : memref<!tpu.dma_semaphore, #tpu.memory_space<semaphore_mem>>)
    %slice3A_757 = vector.extract_strided_slice %get3A_10 {offsets = [8], sizes = [1], strides = [1]} : vector<16xi32> to vector<1xi32>
    %squeeze3A_758 = vector.extract %slice3A_757[0] : i32 from vector<1xi32>
    %dma_start3A_759 = arith.constant 168 : i32
    %dma_start3A_760 = arith.constant 0 : i32
    %dma_start3A_761 = tpu.memref_slice %arg4[%squeeze3A_758, %dma_start3A_759, %dma_start3A_760] : memref<768x224x224xf32, #tpu.memory_space<hbm>> -> memref<1x56x224xf32, #tpu.memory_space<hbm>>
    %dma_start3A_762 = arith.constant 168 : i32
    %dma_start3A_763 = arith.constant 0 : i32
    %dma_start3A_764 = tpu.memref_slice %arg4[%squeeze3A_758, %dma_start3A_762, %dma_start3A_763] : memref<768x224x224xf32, #tpu.memory_space<hbm>> -> memref<1x56x224xf32, #tpu.memory_space<hbm>>
    tpu.enqueue_dma source(%arg10 : memref<1x56x224xf32, #tpu.memory_space<vmem>>) target(%dma_start3A_764 : memref<1x56x224xf32, #tpu.memory_space<hbm>>) target_semaphore(%arg15 : memref<!tpu.dma_semaphore, #tpu.memory_space<semaphore_mem>>)
    %slice3A_765 = vector.extract_strided_slice %get3A_10 {offsets = [6], sizes = [1], strides = [1]} : vector<16xi32> to vector<1xi32>
    %squeeze3A_766 = vector.extract %slice3A_765[0] : i32 from vector<1xi32>
    %dma_wait3A_767 = arith.constant 0 : i32
    %dma_wait3A_768 = arith.constant 0 : i32
    %dma_wait3A_769 = tpu.memref_slice %arg4[%squeeze3A_766, %dma_wait3A_767, %dma_wait3A_768] : memref<768x224x224xf32, #tpu.memory_space<hbm>> -> memref<1x56x224xf32, #tpu.memory_space<hbm>>
    %dma_wait3A_770 = arith.constant 0 : i32
    %dma_wait3A_771 = arith.constant 0 : i32
    %dma_wait3A_772 = tpu.memref_slice %arg4[%squeeze3A_766, %dma_wait3A_770, %dma_wait3A_771] : memref<768x224x224xf32, #tpu.memory_space<hbm>> -> memref<1x56x224xf32, #tpu.memory_space<hbm>>
    tpu.wait_dma2 semaphore(%arg15 : memref<!tpu.dma_semaphore, #tpu.memory_space<semaphore_mem>>) src(%arg10 : memref<1x56x224xf32, #tpu.memory_space<vmem>>) dst(%dma_wait3A_772 : memref<1x56x224xf32, #tpu.memory_space<hbm>>)
    %slice3A_773 = vector.extract_strided_slice %get3A_10 {offsets = [6], sizes = [1], strides = [1]} : vector<16xi32> to vector<1xi32>
    %squeeze3A_774 = vector.extract %slice3A_773[0] : i32 from vector<1xi32>
    %dma_wait3A_775 = arith.constant 56 : i32
    %dma_wait3A_776 = arith.constant 0 : i32
    %dma_wait3A_777 = tpu.memref_slice %arg4[%squeeze3A_774, %dma_wait3A_775, %dma_wait3A_776] : memref<768x224x224xf32, #tpu.memory_space<hbm>> -> memref<1x56x224xf32, #tpu.memory_space<hbm>>
    %dma_wait3A_778 = arith.constant 56 : i32
    %dma_wait3A_779 = arith.constant 0 : i32
    %dma_wait3A_780 = tpu.memref_slice %arg4[%squeeze3A_774, %dma_wait3A_778, %dma_wait3A_779] : memref<768x224x224xf32, #tpu.memory_space<hbm>> -> memref<1x56x224xf32, #tpu.memory_space<hbm>>
    tpu.wait_dma2 semaphore(%arg15 : memref<!tpu.dma_semaphore, #tpu.memory_space<semaphore_mem>>) src(%arg10 : memref<1x56x224xf32, #tpu.memory_space<vmem>>) dst(%dma_wait3A_780 : memref<1x56x224xf32, #tpu.memory_space<hbm>>)
    %slice3A_781 = vector.extract_strided_slice %get3A_10 {offsets = [6], sizes = [1], strides = [1]} : vector<16xi32> to vector<1xi32>
    %squeeze3A_782 = vector.extract %slice3A_781[0] : i32 from vector<1xi32>
    %dma_wait3A_783 = arith.constant 112 : i32
    %dma_wait3A_784 = arith.constant 0 : i32
    %dma_wait3A_785 = tpu.memref_slice %arg4[%squeeze3A_782, %dma_wait3A_783, %dma_wait3A_784] : memref<768x224x224xf32, #tpu.memory_space<hbm>> -> memref<1x56x224xf32, #tpu.memory_space<hbm>>
    %dma_wait3A_786 = arith.constant 112 : i32
    %dma_wait3A_787 = arith.constant 0 : i32
    %dma_wait3A_788 = tpu.memref_slice %arg4[%squeeze3A_782, %dma_wait3A_786, %dma_wait3A_787] : memref<768x224x224xf32, #tpu.memory_space<hbm>> -> memref<1x56x224xf32, #tpu.memory_space<hbm>>
    tpu.wait_dma2 semaphore(%arg15 : memref<!tpu.dma_semaphore, #tpu.memory_space<semaphore_mem>>) src(%arg10 : memref<1x56x224xf32, #tpu.memory_space<vmem>>) dst(%dma_wait3A_788 : memref<1x56x224xf32, #tpu.memory_space<hbm>>)
    %slice3A_789 = vector.extract_strided_slice %get3A_10 {offsets = [6], sizes = [1], strides = [1]} : vector<16xi32> to vector<1xi32>
    %squeeze3A_790 = vector.extract %slice3A_789[0] : i32 from vector<1xi32>
    %dma_wait3A_791 = arith.constant 168 : i32
    %dma_wait3A_792 = arith.constant 0 : i32
    %dma_wait3A_793 = tpu.memref_slice %arg4[%squeeze3A_790, %dma_wait3A_791, %dma_wait3A_792] : memref<768x224x224xf32, #tpu.memory_space<hbm>> -> memref<1x56x224xf32, #tpu.memory_space<hbm>>
    %dma_wait3A_794 = arith.constant 168 : i32
    %dma_wait3A_795 = arith.constant 0 : i32
    %dma_wait3A_796 = tpu.memref_slice %arg4[%squeeze3A_790, %dma_wait3A_794, %dma_wait3A_795] : memref<768x224x224xf32, #tpu.memory_space<hbm>> -> memref<1x56x224xf32, #tpu.memory_space<hbm>>
    tpu.wait_dma2 semaphore(%arg15 : memref<!tpu.dma_semaphore, #tpu.memory_space<semaphore_mem>>) src(%arg10 : memref<1x56x224xf32, #tpu.memory_space<vmem>>) dst(%dma_wait3A_796 : memref<1x56x224xf32, #tpu.memory_space<hbm>>)
    %slice3A_797 = vector.extract_strided_slice %get3A_4 {offsets = [8], sizes = [1], strides = [1]} : vector<16xi32> to vector<1xi32>
    %squeeze3A_798 = vector.extract %slice3A_797[0] : i32 from vector<1xi32>
    %dma_wait3A_799 = arith.constant 0 : i32
    %dma_wait3A_800 = arith.constant 0 : i32
    %dma_wait3A_801 = tpu.memref_slice %arg2[%squeeze3A_798, %dma_wait3A_799, %dma_wait3A_800] : memref<384x224x224xf32, #tpu.memory_space<hbm>> -> memref<1x224x224xf32, #tpu.memory_space<hbm>>
    %dma_wait3A_802 = arith.constant 0 : i32
    %dma_wait3A_803 = arith.constant 0 : i32
    %dma_wait3A_804 = tpu.memref_slice %arg2[%squeeze3A_798, %dma_wait3A_802, %dma_wait3A_803] : memref<384x224x224xf32, #tpu.memory_space<hbm>> -> memref<1x224x224xf32, #tpu.memory_space<hbm>>
    tpu.wait_dma2 semaphore(%arg11 : memref<!tpu.dma_semaphore, #tpu.memory_space<semaphore_mem>>) src(%dma_wait3A_804 : memref<1x224x224xf32, #tpu.memory_space<hbm>>) dst(%arg8 : memref<1x224x224xf32, #tpu.memory_space<vmem>>)
    %slice3A_805 = vector.extract_strided_slice %get3A_7 {offsets = [8], sizes = [1], strides = [1]} : vector<16xi32> to vector<1xi32>
    %squeeze3A_806 = vector.extract %slice3A_805[0] : i32 from vector<1xi32>
    %dma_start3A_807 = arith.constant 0 : i32
    %dma_start3A_808 = arith.constant 0 : i32
    %dma_start3A_809 = tpu.memref_slice %arg4[%squeeze3A_806, %dma_start3A_807, %dma_start3A_808] : memref<768x224x224xf32, #tpu.memory_space<hbm>> -> memref<1x224x224xf32, #tpu.memory_space<hbm>>
    %dma_start3A_810 = arith.constant 0 : i32
    %dma_start3A_811 = arith.constant 0 : i32
    %dma_start3A_812 = tpu.memref_slice %arg4[%squeeze3A_806, %dma_start3A_810, %dma_start3A_811] : memref<768x224x224xf32, #tpu.memory_space<hbm>> -> memref<1x224x224xf32, #tpu.memory_space<hbm>>
    tpu.enqueue_dma source(%arg8 : memref<1x224x224xf32, #tpu.memory_space<vmem>>) target(%dma_start3A_812 : memref<1x224x224xf32, #tpu.memory_space<hbm>>) target_semaphore(%arg13 : memref<!tpu.dma_semaphore, #tpu.memory_space<semaphore_mem>>)
    %slice3A_813 = vector.extract_strided_slice %get3A_7 {offsets = [8], sizes = [1], strides = [1]} : vector<16xi32> to vector<1xi32>
    %squeeze3A_814 = vector.extract %slice3A_813[0] : i32 from vector<1xi32>
    %dma_wait3A_815 = arith.constant 0 : i32
    %dma_wait3A_816 = arith.constant 0 : i32
    %dma_wait3A_817 = tpu.memref_slice %arg4[%squeeze3A_814, %dma_wait3A_815, %dma_wait3A_816] : memref<768x224x224xf32, #tpu.memory_space<hbm>> -> memref<1x224x224xf32, #tpu.memory_space<hbm>>
    %dma_wait3A_818 = arith.constant 0 : i32
    %dma_wait3A_819 = arith.constant 0 : i32
    %dma_wait3A_820 = tpu.memref_slice %arg4[%squeeze3A_814, %dma_wait3A_818, %dma_wait3A_819] : memref<768x224x224xf32, #tpu.memory_space<hbm>> -> memref<1x224x224xf32, #tpu.memory_space<hbm>>
    tpu.wait_dma2 semaphore(%arg13 : memref<!tpu.dma_semaphore, #tpu.memory_space<semaphore_mem>>) src(%arg8 : memref<1x224x224xf32, #tpu.memory_space<vmem>>) dst(%dma_wait3A_820 : memref<1x224x224xf32, #tpu.memory_space<hbm>>)
    %slice3A_821 = vector.extract_strided_slice %get3A_4 {offsets = [10], sizes = [1], strides = [1]} : vector<16xi32> to vector<1xi32>
    %squeeze3A_822 = vector.extract %slice3A_821[0] : i32 from vector<1xi32>
    %dma_start3A_823 = arith.constant 0 : i32
    %dma_start3A_824 = arith.constant 0 : i32
    %dma_start3A_825 = tpu.memref_slice %arg2[%squeeze3A_822, %dma_start3A_823, %dma_start3A_824] : memref<384x224x224xf32, #tpu.memory_space<hbm>> -> memref<1x224x224xf32, #tpu.memory_space<hbm>>
    %dma_start3A_826 = arith.constant 0 : i32
    %dma_start3A_827 = arith.constant 0 : i32
    %dma_start3A_828 = tpu.memref_slice %arg2[%squeeze3A_822, %dma_start3A_826, %dma_start3A_827] : memref<384x224x224xf32, #tpu.memory_space<hbm>> -> memref<1x224x224xf32, #tpu.memory_space<hbm>>
    tpu.enqueue_dma source(%dma_start3A_828 : memref<1x224x224xf32, #tpu.memory_space<hbm>>) target(%arg8 : memref<1x224x224xf32, #tpu.memory_space<vmem>>) target_semaphore(%arg11 : memref<!tpu.dma_semaphore, #tpu.memory_space<semaphore_mem>>)
    %slice3A_829 = vector.extract_strided_slice %get3A_10 {offsets = [9], sizes = [1], strides = [1]} : vector<16xi32> to vector<1xi32>
    %squeeze3A_830 = vector.extract %slice3A_829[0] : i32 from vector<1xi32>
    %dma_start3A_831 = arith.constant 0 : i32
    %dma_start3A_832 = arith.constant 0 : i32
    %dma_start3A_833 = tpu.memref_slice %arg4[%squeeze3A_830, %dma_start3A_831, %dma_start3A_832] : memref<768x224x224xf32, #tpu.memory_space<hbm>> -> memref<1x56x224xf32, #tpu.memory_space<hbm>>
    %dma_start3A_834 = arith.constant 0 : i32
    %dma_start3A_835 = arith.constant 0 : i32
    %dma_start3A_836 = tpu.memref_slice %arg4[%squeeze3A_830, %dma_start3A_834, %dma_start3A_835] : memref<768x224x224xf32, #tpu.memory_space<hbm>> -> memref<1x56x224xf32, #tpu.memory_space<hbm>>
    tpu.enqueue_dma source(%arg10 : memref<1x56x224xf32, #tpu.memory_space<vmem>>) target(%dma_start3A_836 : memref<1x56x224xf32, #tpu.memory_space<hbm>>) target_semaphore(%arg15 : memref<!tpu.dma_semaphore, #tpu.memory_space<semaphore_mem>>)
    %slice3A_837 = vector.extract_strided_slice %get3A_10 {offsets = [9], sizes = [1], strides = [1]} : vector<16xi32> to vector<1xi32>
    %squeeze3A_838 = vector.extract %slice3A_837[0] : i32 from vector<1xi32>
    %dma_start3A_839 = arith.constant 56 : i32
    %dma_start3A_840 = arith.constant 0 : i32
    %dma_start3A_841 = tpu.memref_slice %arg4[%squeeze3A_838, %dma_start3A_839, %dma_start3A_840] : memref<768x224x224xf32, #tpu.memory_space<hbm>> -> memref<1x56x224xf32, #tpu.memory_space<hbm>>
    %dma_start3A_842 = arith.constant 56 : i32
    %dma_start3A_843 = arith.constant 0 : i32
    %dma_start3A_844 = tpu.memref_slice %arg4[%squeeze3A_838, %dma_start3A_842, %dma_start3A_843] : memref<768x224x224xf32, #tpu.memory_space<hbm>> -> memref<1x56x224xf32, #tpu.memory_space<hbm>>
    tpu.enqueue_dma source(%arg10 : memref<1x56x224xf32, #tpu.memory_space<vmem>>) target(%dma_start3A_844 : memref<1x56x224xf32, #tpu.memory_space<hbm>>) target_semaphore(%arg15 : memref<!tpu.dma_semaphore, #tpu.memory_space<semaphore_mem>>)
    %slice3A_845 = vector.extract_strided_slice %get3A_10 {offsets = [9], sizes = [1], strides = [1]} : vector<16xi32> to vector<1xi32>
    %squeeze3A_846 = vector.extract %slice3A_845[0] : i32 from vector<1xi32>
    %dma_start3A_847 = arith.constant 112 : i32
    %dma_start3A_848 = arith.constant 0 : i32
    %dma_start3A_849 = tpu.memref_slice %arg4[%squeeze3A_846, %dma_start3A_847, %dma_start3A_848] : memref<768x224x224xf32, #tpu.memory_space<hbm>> -> memref<1x56x224xf32, #tpu.memory_space<hbm>>
    %dma_start3A_850 = arith.constant 112 : i32
    %dma_start3A_851 = arith.constant 0 : i32
    %dma_start3A_852 = tpu.memref_slice %arg4[%squeeze3A_846, %dma_start3A_850, %dma_start3A_851] : memref<768x224x224xf32, #tpu.memory_space<hbm>> -> memref<1x56x224xf32, #tpu.memory_space<hbm>>
    tpu.enqueue_dma source(%arg10 : memref<1x56x224xf32, #tpu.memory_space<vmem>>) target(%dma_start3A_852 : memref<1x56x224xf32, #tpu.memory_space<hbm>>) target_semaphore(%arg15 : memref<!tpu.dma_semaphore, #tpu.memory_space<semaphore_mem>>)
    %slice3A_853 = vector.extract_strided_slice %get3A_10 {offsets = [9], sizes = [1], strides = [1]} : vector<16xi32> to vector<1xi32>
    %squeeze3A_854 = vector.extract %slice3A_853[0] : i32 from vector<1xi32>
    %dma_start3A_855 = arith.constant 168 : i32
    %dma_start3A_856 = arith.constant 0 : i32
    %dma_start3A_857 = tpu.memref_slice %arg4[%squeeze3A_854, %dma_start3A_855, %dma_start3A_856] : memref<768x224x224xf32, #tpu.memory_space<hbm>> -> memref<1x56x224xf32, #tpu.memory_space<hbm>>
    %dma_start3A_858 = arith.constant 168 : i32
    %dma_start3A_859 = arith.constant 0 : i32
    %dma_start3A_860 = tpu.memref_slice %arg4[%squeeze3A_854, %dma_start3A_858, %dma_start3A_859] : memref<768x224x224xf32, #tpu.memory_space<hbm>> -> memref<1x56x224xf32, #tpu.memory_space<hbm>>
    tpu.enqueue_dma source(%arg10 : memref<1x56x224xf32, #tpu.memory_space<vmem>>) target(%dma_start3A_860 : memref<1x56x224xf32, #tpu.memory_space<hbm>>) target_semaphore(%arg15 : memref<!tpu.dma_semaphore, #tpu.memory_space<semaphore_mem>>)
    %slice3A_861 = vector.extract_strided_slice %get3A_10 {offsets = [7], sizes = [1], strides = [1]} : vector<16xi32> to vector<1xi32>
    %squeeze3A_862 = vector.extract %slice3A_861[0] : i32 from vector<1xi32>
    %dma_wait3A_863 = arith.constant 0 : i32
    %dma_wait3A_864 = arith.constant 0 : i32
    %dma_wait3A_865 = tpu.memref_slice %arg4[%squeeze3A_862, %dma_wait3A_863, %dma_wait3A_864] : memref<768x224x224xf32, #tpu.memory_space<hbm>> -> memref<1x56x224xf32, #tpu.memory_space<hbm>>
    %dma_wait3A_866 = arith.constant 0 : i32
    %dma_wait3A_867 = arith.constant 0 : i32
    %dma_wait3A_868 = tpu.memref_slice %arg4[%squeeze3A_862, %dma_wait3A_866, %dma_wait3A_867] : memref<768x224x224xf32, #tpu.memory_space<hbm>> -> memref<1x56x224xf32, #tpu.memory_space<hbm>>
    tpu.wait_dma2 semaphore(%arg15 : memref<!tpu.dma_semaphore, #tpu.memory_space<semaphore_mem>>) src(%arg10 : memref<1x56x224xf32, #tpu.memory_space<vmem>>) dst(%dma_wait3A_868 : memref<1x56x224xf32, #tpu.memory_space<hbm>>)
    %slice3A_869 = vector.extract_strided_slice %get3A_10 {offsets = [7], sizes = [1], strides = [1]} : vector<16xi32> to vector<1xi32>
    %squeeze3A_870 = vector.extract %slice3A_869[0] : i32 from vector<1xi32>
    %dma_wait3A_871 = arith.constant 56 : i32
    %dma_wait3A_872 = arith.constant 0 : i32
    %dma_wait3A_873 = tpu.memref_slice %arg4[%squeeze3A_870, %dma_wait3A_871, %dma_wait3A_872] : memref<768x224x224xf32, #tpu.memory_space<hbm>> -> memref<1x56x224xf32, #tpu.memory_space<hbm>>
    %dma_wait3A_874 = arith.constant 56 : i32
    %dma_wait3A_875 = arith.constant 0 : i32
    %dma_wait3A_876 = tpu.memref_slice %arg4[%squeeze3A_870, %dma_wait3A_874, %dma_wait3A_875] : memref<768x224x224xf32, #tpu.memory_space<hbm>> -> memref<1x56x224xf32, #tpu.memory_space<hbm>>
    tpu.wait_dma2 semaphore(%arg15 : memref<!tpu.dma_semaphore, #tpu.memory_space<semaphore_mem>>) src(%arg10 : memref<1x56x224xf32, #tpu.memory_space<vmem>>) dst(%dma_wait3A_876 : memref<1x56x224xf32, #tpu.memory_space<hbm>>)
    %slice3A_877 = vector.extract_strided_slice %get3A_10 {offsets = [7], sizes = [1], strides = [1]} : vector<16xi32> to vector<1xi32>
    %squeeze3A_878 = vector.extract %slice3A_877[0] : i32 from vector<1xi32>
    %dma_wait3A_879 = arith.constant 112 : i32
    %dma_wait3A_880 = arith.constant 0 : i32
    %dma_wait3A_881 = tpu.memref_slice %arg4[%squeeze3A_878, %dma_wait3A_879, %dma_wait3A_880] : memref<768x224x224xf32, #tpu.memory_space<hbm>> -> memref<1x56x224xf32, #tpu.memory_space<hbm>>
    %dma_wait3A_882 = arith.constant 112 : i32
    %dma_wait3A_883 = arith.constant 0 : i32
    %dma_wait3A_884 = tpu.memref_slice %arg4[%squeeze3A_878, %dma_wait3A_882, %dma_wait3A_883] : memref<768x224x224xf32, #tpu.memory_space<hbm>> -> memref<1x56x224xf32, #tpu.memory_space<hbm>>
    tpu.wait_dma2 semaphore(%arg15 : memref<!tpu.dma_semaphore, #tpu.memory_space<semaphore_mem>>) src(%arg10 : memref<1x56x224xf32, #tpu.memory_space<vmem>>) dst(%dma_wait3A_884 : memref<1x56x224xf32, #tpu.memory_space<hbm>>)
    %slice3A_885 = vector.extract_strided_slice %get3A_10 {offsets = [7], sizes = [1], strides = [1]} : vector<16xi32> to vector<1xi32>
    %squeeze3A_886 = vector.extract %slice3A_885[0] : i32 from vector<1xi32>
    %dma_wait3A_887 = arith.constant 168 : i32
    %dma_wait3A_888 = arith.constant 0 : i32
    %dma_wait3A_889 = tpu.memref_slice %arg4[%squeeze3A_886, %dma_wait3A_887, %dma_wait3A_888] : memref<768x224x224xf32, #tpu.memory_space<hbm>> -> memref<1x56x224xf32, #tpu.memory_space<hbm>>
    %dma_wait3A_890 = arith.constant 168 : i32
    %dma_wait3A_891 = arith.constant 0 : i32
    %dma_wait3A_892 = tpu.memref_slice %arg4[%squeeze3A_886, %dma_wait3A_890, %dma_wait3A_891] : memref<768x224x224xf32, #tpu.memory_space<hbm>> -> memref<1x56x224xf32, #tpu.memory_space<hbm>>
    tpu.wait_dma2 semaphore(%arg15 : memref<!tpu.dma_semaphore, #tpu.memory_space<semaphore_mem>>) src(%arg10 : memref<1x56x224xf32, #tpu.memory_space<vmem>>) dst(%dma_wait3A_892 : memref<1x56x224xf32, #tpu.memory_space<hbm>>)
    %slice3A_893 = vector.extract_strided_slice %get3A_4 {offsets = [9], sizes = [1], strides = [1]} : vector<16xi32> to vector<1xi32>
    %squeeze3A_894 = vector.extract %slice3A_893[0] : i32 from vector<1xi32>
    %dma_wait3A_895 = arith.constant 0 : i32
    %dma_wait3A_896 = arith.constant 0 : i32
    %dma_wait3A_897 = tpu.memref_slice %arg2[%squeeze3A_894, %dma_wait3A_895, %dma_wait3A_896] : memref<384x224x224xf32, #tpu.memory_space<hbm>> -> memref<1x224x224xf32, #tpu.memory_space<hbm>>
    %dma_wait3A_898 = arith.constant 0 : i32
    %dma_wait3A_899 = arith.constant 0 : i32
    %dma_wait3A_900 = tpu.memref_slice %arg2[%squeeze3A_894, %dma_wait3A_898, %dma_wait3A_899] : memref<384x224x224xf32, #tpu.memory_space<hbm>> -> memref<1x224x224xf32, #tpu.memory_space<hbm>>
    tpu.wait_dma2 semaphore(%arg12 : memref<!tpu.dma_semaphore, #tpu.memory_space<semaphore_mem>>) src(%dma_wait3A_900 : memref<1x224x224xf32, #tpu.memory_space<hbm>>) dst(%arg9 : memref<1x224x224xf32, #tpu.memory_space<vmem>>)
    %slice3A_901 = vector.extract_strided_slice %get3A_7 {offsets = [9], sizes = [1], strides = [1]} : vector<16xi32> to vector<1xi32>
    %squeeze3A_902 = vector.extract %slice3A_901[0] : i32 from vector<1xi32>
    %dma_start3A_903 = arith.constant 0 : i32
    %dma_start3A_904 = arith.constant 0 : i32
    %dma_start3A_905 = tpu.memref_slice %arg4[%squeeze3A_902, %dma_start3A_903, %dma_start3A_904] : memref<768x224x224xf32, #tpu.memory_space<hbm>> -> memref<1x224x224xf32, #tpu.memory_space<hbm>>
    %dma_start3A_906 = arith.constant 0 : i32
    %dma_start3A_907 = arith.constant 0 : i32
    %dma_start3A_908 = tpu.memref_slice %arg4[%squeeze3A_902, %dma_start3A_906, %dma_start3A_907] : memref<768x224x224xf32, #tpu.memory_space<hbm>> -> memref<1x224x224xf32, #tpu.memory_space<hbm>>
    tpu.enqueue_dma source(%arg9 : memref<1x224x224xf32, #tpu.memory_space<vmem>>) target(%dma_start3A_908 : memref<1x224x224xf32, #tpu.memory_space<hbm>>) target_semaphore(%arg14 : memref<!tpu.dma_semaphore, #tpu.memory_space<semaphore_mem>>)
    %slice3A_909 = vector.extract_strided_slice %get3A_7 {offsets = [9], sizes = [1], strides = [1]} : vector<16xi32> to vector<1xi32>
    %squeeze3A_910 = vector.extract %slice3A_909[0] : i32 from vector<1xi32>
    %dma_wait3A_911 = arith.constant 0 : i32
    %dma_wait3A_912 = arith.constant 0 : i32
    %dma_wait3A_913 = tpu.memref_slice %arg4[%squeeze3A_910, %dma_wait3A_911, %dma_wait3A_912] : memref<768x224x224xf32, #tpu.memory_space<hbm>> -> memref<1x224x224xf32, #tpu.memory_space<hbm>>
    %dma_wait3A_914 = arith.constant 0 : i32
    %dma_wait3A_915 = arith.constant 0 : i32
    %dma_wait3A_916 = tpu.memref_slice %arg4[%squeeze3A_910, %dma_wait3A_914, %dma_wait3A_915] : memref<768x224x224xf32, #tpu.memory_space<hbm>> -> memref<1x224x224xf32, #tpu.memory_space<hbm>>
    tpu.wait_dma2 semaphore(%arg14 : memref<!tpu.dma_semaphore, #tpu.memory_space<semaphore_mem>>) src(%arg9 : memref<1x224x224xf32, #tpu.memory_space<vmem>>) dst(%dma_wait3A_916 : memref<1x224x224xf32, #tpu.memory_space<hbm>>)
    %slice3A_917 = vector.extract_strided_slice %get3A_4 {offsets = [11], sizes = [1], strides = [1]} : vector<16xi32> to vector<1xi32>
    %squeeze3A_918 = vector.extract %slice3A_917[0] : i32 from vector<1xi32>
    %dma_start3A_919 = arith.constant 0 : i32
    %dma_start3A_920 = arith.constant 0 : i32
    %dma_start3A_921 = tpu.memref_slice %arg2[%squeeze3A_918, %dma_start3A_919, %dma_start3A_920] : memref<384x224x224xf32, #tpu.memory_space<hbm>> -> memref<1x224x224xf32, #tpu.memory_space<hbm>>
    %dma_start3A_922 = arith.constant 0 : i32
    %dma_start3A_923 = arith.constant 0 : i32
    %dma_start3A_924 = tpu.memref_slice %arg2[%squeeze3A_918, %dma_start3A_922, %dma_start3A_923] : memref<384x224x224xf32, #tpu.memory_space<hbm>> -> memref<1x224x224xf32, #tpu.memory_space<hbm>>
    tpu.enqueue_dma source(%dma_start3A_924 : memref<1x224x224xf32, #tpu.memory_space<hbm>>) target(%arg9 : memref<1x224x224xf32, #tpu.memory_space<vmem>>) target_semaphore(%arg12 : memref<!tpu.dma_semaphore, #tpu.memory_space<semaphore_mem>>)
    %slice3A_925 = vector.extract_strided_slice %get3A_10 {offsets = [10], sizes = [1], strides = [1]} : vector<16xi32> to vector<1xi32>
    %squeeze3A_926 = vector.extract %slice3A_925[0] : i32 from vector<1xi32>
    %dma_start3A_927 = arith.constant 0 : i32
    %dma_start3A_928 = arith.constant 0 : i32
    %dma_start3A_929 = tpu.memref_slice %arg4[%squeeze3A_926, %dma_start3A_927, %dma_start3A_928] : memref<768x224x224xf32, #tpu.memory_space<hbm>> -> memref<1x56x224xf32, #tpu.memory_space<hbm>>
    %dma_start3A_930 = arith.constant 0 : i32
    %dma_start3A_931 = arith.constant 0 : i32
    %dma_start3A_932 = tpu.memref_slice %arg4[%squeeze3A_926, %dma_start3A_930, %dma_start3A_931] : memref<768x224x224xf32, #tpu.memory_space<hbm>> -> memref<1x56x224xf32, #tpu.memory_space<hbm>>
    tpu.enqueue_dma source(%arg10 : memref<1x56x224xf32, #tpu.memory_space<vmem>>) target(%dma_start3A_932 : memref<1x56x224xf32, #tpu.memory_space<hbm>>) target_semaphore(%arg15 : memref<!tpu.dma_semaphore, #tpu.memory_space<semaphore_mem>>)
    %slice3A_933 = vector.extract_strided_slice %get3A_10 {offsets = [10], sizes = [1], strides = [1]} : vector<16xi32> to vector<1xi32>
    %squeeze3A_934 = vector.extract %slice3A_933[0] : i32 from vector<1xi32>
    %dma_start3A_935 = arith.constant 56 : i32
    %dma_start3A_936 = arith.constant 0 : i32
    %dma_start3A_937 = tpu.memref_slice %arg4[%squeeze3A_934, %dma_start3A_935, %dma_start3A_936] : memref<768x224x224xf32, #tpu.memory_space<hbm>> -> memref<1x56x224xf32, #tpu.memory_space<hbm>>
    %dma_start3A_938 = arith.constant 56 : i32
    %dma_start3A_939 = arith.constant 0 : i32
    %dma_start3A_940 = tpu.memref_slice %arg4[%squeeze3A_934, %dma_start3A_938, %dma_start3A_939] : memref<768x224x224xf32, #tpu.memory_space<hbm>> -> memref<1x56x224xf32, #tpu.memory_space<hbm>>
    tpu.enqueue_dma source(%arg10 : memref<1x56x224xf32, #tpu.memory_space<vmem>>) target(%dma_start3A_940 : memref<1x56x224xf32, #tpu.memory_space<hbm>>) target_semaphore(%arg15 : memref<!tpu.dma_semaphore, #tpu.memory_space<semaphore_mem>>)
    %slice3A_941 = vector.extract_strided_slice %get3A_10 {offsets = [10], sizes = [1], strides = [1]} : vector<16xi32> to vector<1xi32>
    %squeeze3A_942 = vector.extract %slice3A_941[0] : i32 from vector<1xi32>
    %dma_start3A_943 = arith.constant 112 : i32
    %dma_start3A_944 = arith.constant 0 : i32
    %dma_start3A_945 = tpu.memref_slice %arg4[%squeeze3A_942, %dma_start3A_943, %dma_start3A_944] : memref<768x224x224xf32, #tpu.memory_space<hbm>> -> memref<1x56x224xf32, #tpu.memory_space<hbm>>
    %dma_start3A_946 = arith.constant 112 : i32
    %dma_start3A_947 = arith.constant 0 : i32
    %dma_start3A_948 = tpu.memref_slice %arg4[%squeeze3A_942, %dma_start3A_946, %dma_start3A_947] : memref<768x224x224xf32, #tpu.memory_space<hbm>> -> memref<1x56x224xf32, #tpu.memory_space<hbm>>
    tpu.enqueue_dma source(%arg10 : memref<1x56x224xf32, #tpu.memory_space<vmem>>) target(%dma_start3A_948 : memref<1x56x224xf32, #tpu.memory_space<hbm>>) target_semaphore(%arg15 : memref<!tpu.dma_semaphore, #tpu.memory_space<semaphore_mem>>)
    %slice3A_949 = vector.extract_strided_slice %get3A_10 {offsets = [10], sizes = [1], strides = [1]} : vector<16xi32> to vector<1xi32>
    %squeeze3A_950 = vector.extract %slice3A_949[0] : i32 from vector<1xi32>
    %dma_start3A_951 = arith.constant 168 : i32
    %dma_start3A_952 = arith.constant 0 : i32
    %dma_start3A_953 = tpu.memref_slice %arg4[%squeeze3A_950, %dma_start3A_951, %dma_start3A_952] : memref<768x224x224xf32, #tpu.memory_space<hbm>> -> memref<1x56x224xf32, #tpu.memory_space<hbm>>
    %dma_start3A_954 = arith.constant 168 : i32
    %dma_start3A_955 = arith.constant 0 : i32
    %dma_start3A_956 = tpu.memref_slice %arg4[%squeeze3A_950, %dma_start3A_954, %dma_start3A_955] : memref<768x224x224xf32, #tpu.memory_space<hbm>> -> memref<1x56x224xf32, #tpu.memory_space<hbm>>
    tpu.enqueue_dma source(%arg10 : memref<1x56x224xf32, #tpu.memory_space<vmem>>) target(%dma_start3A_956 : memref<1x56x224xf32, #tpu.memory_space<hbm>>) target_semaphore(%arg15 : memref<!tpu.dma_semaphore, #tpu.memory_space<semaphore_mem>>)
    %slice3A_957 = vector.extract_strided_slice %get3A_10 {offsets = [8], sizes = [1], strides = [1]} : vector<16xi32> to vector<1xi32>
    %squeeze3A_958 = vector.extract %slice3A_957[0] : i32 from vector<1xi32>
    %dma_wait3A_959 = arith.constant 0 : i32
    %dma_wait3A_960 = arith.constant 0 : i32
    %dma_wait3A_961 = tpu.memref_slice %arg4[%squeeze3A_958, %dma_wait3A_959, %dma_wait3A_960] : memref<768x224x224xf32, #tpu.memory_space<hbm>> -> memref<1x56x224xf32, #tpu.memory_space<hbm>>
    %dma_wait3A_962 = arith.constant 0 : i32
    %dma_wait3A_963 = arith.constant 0 : i32
    %dma_wait3A_964 = tpu.memref_slice %arg4[%squeeze3A_958, %dma_wait3A_962, %dma_wait3A_963] : memref<768x224x224xf32, #tpu.memory_space<hbm>> -> memref<1x56x224xf32, #tpu.memory_space<hbm>>
    tpu.wait_dma2 semaphore(%arg15 : memref<!tpu.dma_semaphore, #tpu.memory_space<semaphore_mem>>) src(%arg10 : memref<1x56x224xf32, #tpu.memory_space<vmem>>) dst(%dma_wait3A_964 : memref<1x56x224xf32, #tpu.memory_space<hbm>>)
    %slice3A_965 = vector.extract_strided_slice %get3A_10 {offsets = [8], sizes = [1], strides = [1]} : vector<16xi32> to vector<1xi32>
    %squeeze3A_966 = vector.extract %slice3A_965[0] : i32 from vector<1xi32>
    %dma_wait3A_967 = arith.constant 56 : i32
    %dma_wait3A_968 = arith.constant 0 : i32
    %dma_wait3A_969 = tpu.memref_slice %arg4[%squeeze3A_966, %dma_wait3A_967, %dma_wait3A_968] : memref<768x224x224xf32, #tpu.memory_space<hbm>> -> memref<1x56x224xf32, #tpu.memory_space<hbm>>
    %dma_wait3A_970 = arith.constant 56 : i32
    %dma_wait3A_971 = arith.constant 0 : i32
    %dma_wait3A_972 = tpu.memref_slice %arg4[%squeeze3A_966, %dma_wait3A_970, %dma_wait3A_971] : memref<768x224x224xf32, #tpu.memory_space<hbm>> -> memref<1x56x224xf32, #tpu.memory_space<hbm>>
    tpu.wait_dma2 semaphore(%arg15 : memref<!tpu.dma_semaphore, #tpu.memory_space<semaphore_mem>>) src(%arg10 : memref<1x56x224xf32, #tpu.memory_space<vmem>>) dst(%dma_wait3A_972 : memref<1x56x224xf32, #tpu.memory_space<hbm>>)
    %slice3A_973 = vector.extract_strided_slice %get3A_10 {offsets = [8], sizes = [1], strides = [1]} : vector<16xi32> to vector<1xi32>
    %squeeze3A_974 = vector.extract %slice3A_973[0] : i32 from vector<1xi32>
    %dma_wait3A_975 = arith.constant 112 : i32
    %dma_wait3A_976 = arith.constant 0 : i32
    %dma_wait3A_977 = tpu.memref_slice %arg4[%squeeze3A_974, %dma_wait3A_975, %dma_wait3A_976] : memref<768x224x224xf32, #tpu.memory_space<hbm>> -> memref<1x56x224xf32, #tpu.memory_space<hbm>>
    %dma_wait3A_978 = arith.constant 112 : i32
    %dma_wait3A_979 = arith.constant 0 : i32
    %dma_wait3A_980 = tpu.memref_slice %arg4[%squeeze3A_974, %dma_wait3A_978, %dma_wait3A_979] : memref<768x224x224xf32, #tpu.memory_space<hbm>> -> memref<1x56x224xf32, #tpu.memory_space<hbm>>
    tpu.wait_dma2 semaphore(%arg15 : memref<!tpu.dma_semaphore, #tpu.memory_space<semaphore_mem>>) src(%arg10 : memref<1x56x224xf32, #tpu.memory_space<vmem>>) dst(%dma_wait3A_980 : memref<1x56x224xf32, #tpu.memory_space<hbm>>)
    %slice3A_981 = vector.extract_strided_slice %get3A_10 {offsets = [8], sizes = [1], strides = [1]} : vector<16xi32> to vector<1xi32>
    %squeeze3A_982 = vector.extract %slice3A_981[0] : i32 from vector<1xi32>
    %dma_wait3A_983 = arith.constant 168 : i32
    %dma_wait3A_984 = arith.constant 0 : i32
    %dma_wait3A_985 = tpu.memref_slice %arg4[%squeeze3A_982, %dma_wait3A_983, %dma_wait3A_984] : memref<768x224x224xf32, #tpu.memory_space<hbm>> -> memref<1x56x224xf32, #tpu.memory_space<hbm>>
    %dma_wait3A_986 = arith.constant 168 : i32
    %dma_wait3A_987 = arith.constant 0 : i32
    %dma_wait3A_988 = tpu.memref_slice %arg4[%squeeze3A_982, %dma_wait3A_986, %dma_wait3A_987] : memref<768x224x224xf32, #tpu.memory_space<hbm>> -> memref<1x56x224xf32, #tpu.memory_space<hbm>>
    tpu.wait_dma2 semaphore(%arg15 : memref<!tpu.dma_semaphore, #tpu.memory_space<semaphore_mem>>) src(%arg10 : memref<1x56x224xf32, #tpu.memory_space<vmem>>) dst(%dma_wait3A_988 : memref<1x56x224xf32, #tpu.memory_space<hbm>>)
    %slice3A_989 = vector.extract_strided_slice %get3A_4 {offsets = [10], sizes = [1], strides = [1]} : vector<16xi32> to vector<1xi32>
    %squeeze3A_990 = vector.extract %slice3A_989[0] : i32 from vector<1xi32>
    %dma_wait3A_991 = arith.constant 0 : i32
    %dma_wait3A_992 = arith.constant 0 : i32
    %dma_wait3A_993 = tpu.memref_slice %arg2[%squeeze3A_990, %dma_wait3A_991, %dma_wait3A_992] : memref<384x224x224xf32, #tpu.memory_space<hbm>> -> memref<1x224x224xf32, #tpu.memory_space<hbm>>
    %dma_wait3A_994 = arith.constant 0 : i32
    %dma_wait3A_995 = arith.constant 0 : i32
    %dma_wait3A_996 = tpu.memref_slice %arg2[%squeeze3A_990, %dma_wait3A_994, %dma_wait3A_995] : memref<384x224x224xf32, #tpu.memory_space<hbm>> -> memref<1x224x224xf32, #tpu.memory_space<hbm>>
    tpu.wait_dma2 semaphore(%arg11 : memref<!tpu.dma_semaphore, #tpu.memory_space<semaphore_mem>>) src(%dma_wait3A_996 : memref<1x224x224xf32, #tpu.memory_space<hbm>>) dst(%arg8 : memref<1x224x224xf32, #tpu.memory_space<vmem>>)
    %slice3A_997 = vector.extract_strided_slice %get3A_7 {offsets = [10], sizes = [1], strides = [1]} : vector<16xi32> to vector<1xi32>
    %squeeze3A_998 = vector.extract %slice3A_997[0] : i32 from vector<1xi32>
    %dma_start3A_999 = arith.constant 0 : i32
    %dma_start3A_1000 = arith.constant 0 : i32
    %dma_start3A_1001 = tpu.memref_slice %arg4[%squeeze3A_998, %dma_start3A_999, %dma_start3A_1000] : memref<768x224x224xf32, #tpu.memory_space<hbm>> -> memref<1x224x224xf32, #tpu.memory_space<hbm>>
    %dma_start3A_1002 = arith.constant 0 : i32
    %dma_start3A_1003 = arith.constant 0 : i32
    %dma_start3A_1004 = tpu.memref_slice %arg4[%squeeze3A_998, %dma_start3A_1002, %dma_start3A_1003] : memref<768x224x224xf32, #tpu.memory_space<hbm>> -> memref<1x224x224xf32, #tpu.memory_space<hbm>>
    tpu.enqueue_dma source(%arg8 : memref<1x224x224xf32, #tpu.memory_space<vmem>>) target(%dma_start3A_1004 : memref<1x224x224xf32, #tpu.memory_space<hbm>>) target_semaphore(%arg13 : memref<!tpu.dma_semaphore, #tpu.memory_space<semaphore_mem>>)
    %slice3A_1005 = vector.extract_strided_slice %get3A_7 {offsets = [10], sizes = [1], strides = [1]} : vector<16xi32> to vector<1xi32>
    %squeeze3A_1006 = vector.extract %slice3A_1005[0] : i32 from vector<1xi32>
    %dma_wait3A_1007 = arith.constant 0 : i32
    %dma_wait3A_1008 = arith.constant 0 : i32
    %dma_wait3A_1009 = tpu.memref_slice %arg4[%squeeze3A_1006, %dma_wait3A_1007, %dma_wait3A_1008] : memref<768x224x224xf32, #tpu.memory_space<hbm>> -> memref<1x224x224xf32, #tpu.memory_space<hbm>>
    %dma_wait3A_1010 = arith.constant 0 : i32
    %dma_wait3A_1011 = arith.constant 0 : i32
    %dma_wait3A_1012 = tpu.memref_slice %arg4[%squeeze3A_1006, %dma_wait3A_1010, %dma_wait3A_1011] : memref<768x224x224xf32, #tpu.memory_space<hbm>> -> memref<1x224x224xf32, #tpu.memory_space<hbm>>
    tpu.wait_dma2 semaphore(%arg13 : memref<!tpu.dma_semaphore, #tpu.memory_space<semaphore_mem>>) src(%arg8 : memref<1x224x224xf32, #tpu.memory_space<vmem>>) dst(%dma_wait3A_1012 : memref<1x224x224xf32, #tpu.memory_space<hbm>>)
    %slice3A_1013 = vector.extract_strided_slice %get3A_10 {offsets = [11], sizes = [1], strides = [1]} : vector<16xi32> to vector<1xi32>
    %squeeze3A_1014 = vector.extract %slice3A_1013[0] : i32 from vector<1xi32>
    %dma_start3A_1015 = arith.constant 0 : i32
    %dma_start3A_1016 = arith.constant 0 : i32
    %dma_start3A_1017 = tpu.memref_slice %arg4[%squeeze3A_1014, %dma_start3A_1015, %dma_start3A_1016] : memref<768x224x224xf32, #tpu.memory_space<hbm>> -> memref<1x56x224xf32, #tpu.memory_space<hbm>>
    %dma_start3A_1018 = arith.constant 0 : i32
    %dma_start3A_1019 = arith.constant 0 : i32
    %dma_start3A_1020 = tpu.memref_slice %arg4[%squeeze3A_1014, %dma_start3A_1018, %dma_start3A_1019] : memref<768x224x224xf32, #tpu.memory_space<hbm>> -> memref<1x56x224xf32, #tpu.memory_space<hbm>>
    tpu.enqueue_dma source(%arg10 : memref<1x56x224xf32, #tpu.memory_space<vmem>>) target(%dma_start3A_1020 : memref<1x56x224xf32, #tpu.memory_space<hbm>>) target_semaphore(%arg15 : memref<!tpu.dma_semaphore, #tpu.memory_space<semaphore_mem>>)
    %slice3A_1021 = vector.extract_strided_slice %get3A_10 {offsets = [11], sizes = [1], strides = [1]} : vector<16xi32> to vector<1xi32>
    %squeeze3A_1022 = vector.extract %slice3A_1021[0] : i32 from vector<1xi32>
    %dma_start3A_1023 = arith.constant 56 : i32
    %dma_start3A_1024 = arith.constant 0 : i32
    %dma_start3A_1025 = tpu.memref_slice %arg4[%squeeze3A_1022, %dma_start3A_1023, %dma_start3A_1024] : memref<768x224x224xf32, #tpu.memory_space<hbm>> -> memref<1x56x224xf32, #tpu.memory_space<hbm>>
    %dma_start3A_1026 = arith.constant 56 : i32
    %dma_start3A_1027 = arith.constant 0 : i32
    %dma_start3A_1028 = tpu.memref_slice %arg4[%squeeze3A_1022, %dma_start3A_1026, %dma_start3A_1027] : memref<768x224x224xf32, #tpu.memory_space<hbm>> -> memref<1x56x224xf32, #tpu.memory_space<hbm>>
    tpu.enqueue_dma source(%arg10 : memref<1x56x224xf32, #tpu.memory_space<vmem>>) target(%dma_start3A_1028 : memref<1x56x224xf32, #tpu.memory_space<hbm>>) target_semaphore(%arg15 : memref<!tpu.dma_semaphore, #tpu.memory_space<semaphore_mem>>)
    %slice3A_1029 = vector.extract_strided_slice %get3A_10 {offsets = [11], sizes = [1], strides = [1]} : vector<16xi32> to vector<1xi32>
    %squeeze3A_1030 = vector.extract %slice3A_1029[0] : i32 from vector<1xi32>
    %dma_start3A_1031 = arith.constant 112 : i32
    %dma_start3A_1032 = arith.constant 0 : i32
    %dma_start3A_1033 = tpu.memref_slice %arg4[%squeeze3A_1030, %dma_start3A_1031, %dma_start3A_1032] : memref<768x224x224xf32, #tpu.memory_space<hbm>> -> memref<1x56x224xf32, #tpu.memory_space<hbm>>
    %dma_start3A_1034 = arith.constant 112 : i32
    %dma_start3A_1035 = arith.constant 0 : i32
    %dma_start3A_1036 = tpu.memref_slice %arg4[%squeeze3A_1030, %dma_start3A_1034, %dma_start3A_1035] : memref<768x224x224xf32, #tpu.memory_space<hbm>> -> memref<1x56x224xf32, #tpu.memory_space<hbm>>
    tpu.enqueue_dma source(%arg10 : memref<1x56x224xf32, #tpu.memory_space<vmem>>) target(%dma_start3A_1036 : memref<1x56x224xf32, #tpu.memory_space<hbm>>) target_semaphore(%arg15 : memref<!tpu.dma_semaphore, #tpu.memory_space<semaphore_mem>>)
    %slice3A_1037 = vector.extract_strided_slice %get3A_10 {offsets = [11], sizes = [1], strides = [1]} : vector<16xi32> to vector<1xi32>
    %squeeze3A_1038 = vector.extract %slice3A_1037[0] : i32 from vector<1xi32>
    %dma_start3A_1039 = arith.constant 168 : i32
    %dma_start3A_1040 = arith.constant 0 : i32
    %dma_start3A_1041 = tpu.memref_slice %arg4[%squeeze3A_1038, %dma_start3A_1039, %dma_start3A_1040] : memref<768x224x224xf32, #tpu.memory_space<hbm>> -> memref<1x56x224xf32, #tpu.memory_space<hbm>>
    %dma_start3A_1042 = arith.constant 168 : i32
    %dma_start3A_1043 = arith.constant 0 : i32
    %dma_start3A_1044 = tpu.memref_slice %arg4[%squeeze3A_1038, %dma_start3A_1042, %dma_start3A_1043] : memref<768x224x224xf32, #tpu.memory_space<hbm>> -> memref<1x56x224xf32, #tpu.memory_space<hbm>>
    tpu.enqueue_dma source(%arg10 : memref<1x56x224xf32, #tpu.memory_space<vmem>>) target(%dma_start3A_1044 : memref<1x56x224xf32, #tpu.memory_space<hbm>>) target_semaphore(%arg15 : memref<!tpu.dma_semaphore, #tpu.memory_space<semaphore_mem>>)
    %slice3A_1045 = vector.extract_strided_slice %get3A_10 {offsets = [9], sizes = [1], strides = [1]} : vector<16xi32> to vector<1xi32>
    %squeeze3A_1046 = vector.extract %slice3A_1045[0] : i32 from vector<1xi32>
    %dma_wait3A_1047 = arith.constant 0 : i32
    %dma_wait3A_1048 = arith.constant 0 : i32
    %dma_wait3A_1049 = tpu.memref_slice %arg4[%squeeze3A_1046, %dma_wait3A_1047, %dma_wait3A_1048] : memref<768x224x224xf32, #tpu.memory_space<hbm>> -> memref<1x56x224xf32, #tpu.memory_space<hbm>>
    %dma_wait3A_1050 = arith.constant 0 : i32
    %dma_wait3A_1051 = arith.constant 0 : i32
    %dma_wait3A_1052 = tpu.memref_slice %arg4[%squeeze3A_1046, %dma_wait3A_1050, %dma_wait3A_1051] : memref<768x224x224xf32, #tpu.memory_space<hbm>> -> memref<1x56x224xf32, #tpu.memory_space<hbm>>
    tpu.wait_dma2 semaphore(%arg15 : memref<!tpu.dma_semaphore, #tpu.memory_space<semaphore_mem>>) src(%arg10 : memref<1x56x224xf32, #tpu.memory_space<vmem>>) dst(%dma_wait3A_1052 : memref<1x56x224xf32, #tpu.memory_space<hbm>>)
    %slice3A_1053 = vector.extract_strided_slice %get3A_10 {offsets = [9], sizes = [1], strides = [1]} : vector<16xi32> to vector<1xi32>
    %squeeze3A_1054 = vector.extract %slice3A_1053[0] : i32 from vector<1xi32>
    %dma_wait3A_1055 = arith.constant 56 : i32
    %dma_wait3A_1056 = arith.constant 0 : i32
    %dma_wait3A_1057 = tpu.memref_slice %arg4[%squeeze3A_1054, %dma_wait3A_1055, %dma_wait3A_1056] : memref<768x224x224xf32, #tpu.memory_space<hbm>> -> memref<1x56x224xf32, #tpu.memory_space<hbm>>
    %dma_wait3A_1058 = arith.constant 56 : i32
    %dma_wait3A_1059 = arith.constant 0 : i32
    %dma_wait3A_1060 = tpu.memref_slice %arg4[%squeeze3A_1054, %dma_wait3A_1058, %dma_wait3A_1059] : memref<768x224x224xf32, #tpu.memory_space<hbm>> -> memref<1x56x224xf32, #tpu.memory_space<hbm>>
    tpu.wait_dma2 semaphore(%arg15 : memref<!tpu.dma_semaphore, #tpu.memory_space<semaphore_mem>>) src(%arg10 : memref<1x56x224xf32, #tpu.memory_space<vmem>>) dst(%dma_wait3A_1060 : memref<1x56x224xf32, #tpu.memory_space<hbm>>)
    %slice3A_1061 = vector.extract_strided_slice %get3A_10 {offsets = [9], sizes = [1], strides = [1]} : vector<16xi32> to vector<1xi32>
    %squeeze3A_1062 = vector.extract %slice3A_1061[0] : i32 from vector<1xi32>
    %dma_wait3A_1063 = arith.constant 112 : i32
    %dma_wait3A_1064 = arith.constant 0 : i32
    %dma_wait3A_1065 = tpu.memref_slice %arg4[%squeeze3A_1062, %dma_wait3A_1063, %dma_wait3A_1064] : memref<768x224x224xf32, #tpu.memory_space<hbm>> -> memref<1x56x224xf32, #tpu.memory_space<hbm>>
    %dma_wait3A_1066 = arith.constant 112 : i32
    %dma_wait3A_1067 = arith.constant 0 : i32
    %dma_wait3A_1068 = tpu.memref_slice %arg4[%squeeze3A_1062, %dma_wait3A_1066, %dma_wait3A_1067] : memref<768x224x224xf32, #tpu.memory_space<hbm>> -> memref<1x56x224xf32, #tpu.memory_space<hbm>>
    tpu.wait_dma2 semaphore(%arg15 : memref<!tpu.dma_semaphore, #tpu.memory_space<semaphore_mem>>) src(%arg10 : memref<1x56x224xf32, #tpu.memory_space<vmem>>) dst(%dma_wait3A_1068 : memref<1x56x224xf32, #tpu.memory_space<hbm>>)
    %slice3A_1069 = vector.extract_strided_slice %get3A_10 {offsets = [9], sizes = [1], strides = [1]} : vector<16xi32> to vector<1xi32>
    %squeeze3A_1070 = vector.extract %slice3A_1069[0] : i32 from vector<1xi32>
    %dma_wait3A_1071 = arith.constant 168 : i32
    %dma_wait3A_1072 = arith.constant 0 : i32
    %dma_wait3A_1073 = tpu.memref_slice %arg4[%squeeze3A_1070, %dma_wait3A_1071, %dma_wait3A_1072] : memref<768x224x224xf32, #tpu.memory_space<hbm>> -> memref<1x56x224xf32, #tpu.memory_space<hbm>>
    %dma_wait3A_1074 = arith.constant 168 : i32
    %dma_wait3A_1075 = arith.constant 0 : i32
    %dma_wait3A_1076 = tpu.memref_slice %arg4[%squeeze3A_1070, %dma_wait3A_1074, %dma_wait3A_1075] : memref<768x224x224xf32, #tpu.memory_space<hbm>> -> memref<1x56x224xf32, #tpu.memory_space<hbm>>
    tpu.wait_dma2 semaphore(%arg15 : memref<!tpu.dma_semaphore, #tpu.memory_space<semaphore_mem>>) src(%arg10 : memref<1x56x224xf32, #tpu.memory_space<vmem>>) dst(%dma_wait3A_1076 : memref<1x56x224xf32, #tpu.memory_space<hbm>>)
    %slice3A_1077 = vector.extract_strided_slice %get3A_4 {offsets = [11], sizes = [1], strides = [1]} : vector<16xi32> to vector<1xi32>
    %squeeze3A_1078 = vector.extract %slice3A_1077[0] : i32 from vector<1xi32>
    %dma_wait3A_1079 = arith.constant 0 : i32
    %dma_wait3A_1080 = arith.constant 0 : i32
    %dma_wait3A_1081 = tpu.memref_slice %arg2[%squeeze3A_1078, %dma_wait3A_1079, %dma_wait3A_1080] : memref<384x224x224xf32, #tpu.memory_space<hbm>> -> memref<1x224x224xf32, #tpu.memory_space<hbm>>
    %dma_wait3A_1082 = arith.constant 0 : i32
    %dma_wait3A_1083 = arith.constant 0 : i32
    %dma_wait3A_1084 = tpu.memref_slice %arg2[%squeeze3A_1078, %dma_wait3A_1082, %dma_wait3A_1083] : memref<384x224x224xf32, #tpu.memory_space<hbm>> -> memref<1x224x224xf32, #tpu.memory_space<hbm>>
    tpu.wait_dma2 semaphore(%arg12 : memref<!tpu.dma_semaphore, #tpu.memory_space<semaphore_mem>>) src(%dma_wait3A_1084 : memref<1x224x224xf32, #tpu.memory_space<hbm>>) dst(%arg9 : memref<1x224x224xf32, #tpu.memory_space<vmem>>)
    %slice3A_1085 = vector.extract_strided_slice %get3A_7 {offsets = [11], sizes = [1], strides = [1]} : vector<16xi32> to vector<1xi32>
    %squeeze3A_1086 = vector.extract %slice3A_1085[0] : i32 from vector<1xi32>
    %dma_start3A_1087 = arith.constant 0 : i32
    %dma_start3A_1088 = arith.constant 0 : i32
    %dma_start3A_1089 = tpu.memref_slice %arg4[%squeeze3A_1086, %dma_start3A_1087, %dma_start3A_1088] : memref<768x224x224xf32, #tpu.memory_space<hbm>> -> memref<1x224x224xf32, #tpu.memory_space<hbm>>
    %dma_start3A_1090 = arith.constant 0 : i32
    %dma_start3A_1091 = arith.constant 0 : i32
    %dma_start3A_1092 = tpu.memref_slice %arg4[%squeeze3A_1086, %dma_start3A_1090, %dma_start3A_1091] : memref<768x224x224xf32, #tpu.memory_space<hbm>> -> memref<1x224x224xf32, #tpu.memory_space<hbm>>
    tpu.enqueue_dma source(%arg9 : memref<1x224x224xf32, #tpu.memory_space<vmem>>) target(%dma_start3A_1092 : memref<1x224x224xf32, #tpu.memory_space<hbm>>) target_semaphore(%arg14 : memref<!tpu.dma_semaphore, #tpu.memory_space<semaphore_mem>>)
    %slice3A_1093 = vector.extract_strided_slice %get3A_7 {offsets = [11], sizes = [1], strides = [1]} : vector<16xi32> to vector<1xi32>
    %squeeze3A_1094 = vector.extract %slice3A_1093[0] : i32 from vector<1xi32>
    %dma_wait3A_1095 = arith.constant 0 : i32
    %dma_wait3A_1096 = arith.constant 0 : i32
    %dma_wait3A_1097 = tpu.memref_slice %arg4[%squeeze3A_1094, %dma_wait3A_1095, %dma_wait3A_1096] : memref<768x224x224xf32, #tpu.memory_space<hbm>> -> memref<1x224x224xf32, #tpu.memory_space<hbm>>
    %dma_wait3A_1098 = arith.constant 0 : i32
    %dma_wait3A_1099 = arith.constant 0 : i32
    %dma_wait3A_1100 = tpu.memref_slice %arg4[%squeeze3A_1094, %dma_wait3A_1098, %dma_wait3A_1099] : memref<768x224x224xf32, #tpu.memory_space<hbm>> -> memref<1x224x224xf32, #tpu.memory_space<hbm>>
    tpu.wait_dma2 semaphore(%arg14 : memref<!tpu.dma_semaphore, #tpu.memory_space<semaphore_mem>>) src(%arg9 : memref<1x224x224xf32, #tpu.memory_space<vmem>>) dst(%dma_wait3A_1100 : memref<1x224x224xf32, #tpu.memory_space<hbm>>)
    %slice3A_1101 = vector.extract_strided_slice %get3A_10 {offsets = [10], sizes = [1], strides = [1]} : vector<16xi32> to vector<1xi32>
    %squeeze3A_1102 = vector.extract %slice3A_1101[0] : i32 from vector<1xi32>
    %dma_wait3A_1103 = arith.constant 0 : i32
    %dma_wait3A_1104 = arith.constant 0 : i32
    %dma_wait3A_1105 = tpu.memref_slice %arg4[%squeeze3A_1102, %dma_wait3A_1103, %dma_wait3A_1104] : memref<768x224x224xf32, #tpu.memory_space<hbm>> -> memref<1x56x224xf32, #tpu.memory_space<hbm>>
    %dma_wait3A_1106 = arith.constant 0 : i32
    %dma_wait3A_1107 = arith.constant 0 : i32
    %dma_wait3A_1108 = tpu.memref_slice %arg4[%squeeze3A_1102, %dma_wait3A_1106, %dma_wait3A_1107] : memref<768x224x224xf32, #tpu.memory_space<hbm>> -> memref<1x56x224xf32, #tpu.memory_space<hbm>>
    tpu.wait_dma2 semaphore(%arg15 : memref<!tpu.dma_semaphore, #tpu.memory_space<semaphore_mem>>) src(%arg10 : memref<1x56x224xf32, #tpu.memory_space<vmem>>) dst(%dma_wait3A_1108 : memref<1x56x224xf32, #tpu.memory_space<hbm>>)
    %slice3A_1109 = vector.extract_strided_slice %get3A_10 {offsets = [10], sizes = [1], strides = [1]} : vector<16xi32> to vector<1xi32>
    %squeeze3A_1110 = vector.extract %slice3A_1109[0] : i32 from vector<1xi32>
    %dma_wait3A_1111 = arith.constant 56 : i32
    %dma_wait3A_1112 = arith.constant 0 : i32
    %dma_wait3A_1113 = tpu.memref_slice %arg4[%squeeze3A_1110, %dma_wait3A_1111, %dma_wait3A_1112] : memref<768x224x224xf32, #tpu.memory_space<hbm>> -> memref<1x56x224xf32, #tpu.memory_space<hbm>>
    %dma_wait3A_1114 = arith.constant 56 : i32
    %dma_wait3A_1115 = arith.constant 0 : i32
    %dma_wait3A_1116 = tpu.memref_slice %arg4[%squeeze3A_1110, %dma_wait3A_1114, %dma_wait3A_1115] : memref<768x224x224xf32, #tpu.memory_space<hbm>> -> memref<1x56x224xf32, #tpu.memory_space<hbm>>
    tpu.wait_dma2 semaphore(%arg15 : memref<!tpu.dma_semaphore, #tpu.memory_space<semaphore_mem>>) src(%arg10 : memref<1x56x224xf32, #tpu.memory_space<vmem>>) dst(%dma_wait3A_1116 : memref<1x56x224xf32, #tpu.memory_space<hbm>>)
    %slice3A_1117 = vector.extract_strided_slice %get3A_10 {offsets = [10], sizes = [1], strides = [1]} : vector<16xi32> to vector<1xi32>
    %squeeze3A_1118 = vector.extract %slice3A_1117[0] : i32 from vector<1xi32>
    %dma_wait3A_1119 = arith.constant 112 : i32
    %dma_wait3A_1120 = arith.constant 0 : i32
    %dma_wait3A_1121 = tpu.memref_slice %arg4[%squeeze3A_1118, %dma_wait3A_1119, %dma_wait3A_1120] : memref<768x224x224xf32, #tpu.memory_space<hbm>> -> memref<1x56x224xf32, #tpu.memory_space<hbm>>
    %dma_wait3A_1122 = arith.constant 112 : i32
    %dma_wait3A_1123 = arith.constant 0 : i32
    %dma_wait3A_1124 = tpu.memref_slice %arg4[%squeeze3A_1118, %dma_wait3A_1122, %dma_wait3A_1123] : memref<768x224x224xf32, #tpu.memory_space<hbm>> -> memref<1x56x224xf32, #tpu.memory_space<hbm>>
    tpu.wait_dma2 semaphore(%arg15 : memref<!tpu.dma_semaphore, #tpu.memory_space<semaphore_mem>>) src(%arg10 : memref<1x56x224xf32, #tpu.memory_space<vmem>>) dst(%dma_wait3A_1124 : memref<1x56x224xf32, #tpu.memory_space<hbm>>)
    %slice3A_1125 = vector.extract_strided_slice %get3A_10 {offsets = [10], sizes = [1], strides = [1]} : vector<16xi32> to vector<1xi32>
    %squeeze3A_1126 = vector.extract %slice3A_1125[0] : i32 from vector<1xi32>
    %dma_wait3A_1127 = arith.constant 168 : i32
    %dma_wait3A_1128 = arith.constant 0 : i32
    %dma_wait3A_1129 = tpu.memref_slice %arg4[%squeeze3A_1126, %dma_wait3A_1127, %dma_wait3A_1128] : memref<768x224x224xf32, #tpu.memory_space<hbm>> -> memref<1x56x224xf32, #tpu.memory_space<hbm>>
    %dma_wait3A_1130 = arith.constant 168 : i32
    %dma_wait3A_1131 = arith.constant 0 : i32
    %dma_wait3A_1132 = tpu.memref_slice %arg4[%squeeze3A_1126, %dma_wait3A_1130, %dma_wait3A_1131] : memref<768x224x224xf32, #tpu.memory_space<hbm>> -> memref<1x56x224xf32, #tpu.memory_space<hbm>>
    tpu.wait_dma2 semaphore(%arg15 : memref<!tpu.dma_semaphore, #tpu.memory_space<semaphore_mem>>) src(%arg10 : memref<1x56x224xf32, #tpu.memory_space<vmem>>) dst(%dma_wait3A_1132 : memref<1x56x224xf32, #tpu.memory_space<hbm>>)
    %slice3A_1133 = vector.extract_strided_slice %get3A_10 {offsets = [11], sizes = [1], strides = [1]} : vector<16xi32> to vector<1xi32>
    %squeeze3A_1134 = vector.extract %slice3A_1133[0] : i32 from vector<1xi32>
    %dma_wait3A_1135 = arith.constant 0 : i32
    %dma_wait3A_1136 = arith.constant 0 : i32
    %dma_wait3A_1137 = tpu.memref_slice %arg4[%squeeze3A_1134, %dma_wait3A_1135, %dma_wait3A_1136] : memref<768x224x224xf32, #tpu.memory_space<hbm>> -> memref<1x56x224xf32, #tpu.memory_space<hbm>>
    %dma_wait3A_1138 = arith.constant 0 : i32
    %dma_wait3A_1139 = arith.constant 0 : i32
    %dma_wait3A_1140 = tpu.memref_slice %arg4[%squeeze3A_1134, %dma_wait3A_1138, %dma_wait3A_1139] : memref<768x224x224xf32, #tpu.memory_space<hbm>> -> memref<1x56x224xf32, #tpu.memory_space<hbm>>
    tpu.wait_dma2 semaphore(%arg15 : memref<!tpu.dma_semaphore, #tpu.memory_space<semaphore_mem>>) src(%arg10 : memref<1x56x224xf32, #tpu.memory_space<vmem>>) dst(%dma_wait3A_1140 : memref<1x56x224xf32, #tpu.memory_space<hbm>>)
    %slice3A_1141 = vector.extract_strided_slice %get3A_10 {offsets = [11], sizes = [1], strides = [1]} : vector<16xi32> to vector<1xi32>
    %squeeze3A_1142 = vector.extract %slice3A_1141[0] : i32 from vector<1xi32>
    %dma_wait3A_1143 = arith.constant 56 : i32
    %dma_wait3A_1144 = arith.constant 0 : i32
    %dma_wait3A_1145 = tpu.memref_slice %arg4[%squeeze3A_1142, %dma_wait3A_1143, %dma_wait3A_1144] : memref<768x224x224xf32, #tpu.memory_space<hbm>> -> memref<1x56x224xf32, #tpu.memory_space<hbm>>
    %dma_wait3A_1146 = arith.constant 56 : i32
    %dma_wait3A_1147 = arith.constant 0 : i32
    %dma_wait3A_1148 = tpu.memref_slice %arg4[%squeeze3A_1142, %dma_wait3A_1146, %dma_wait3A_1147] : memref<768x224x224xf32, #tpu.memory_space<hbm>> -> memref<1x56x224xf32, #tpu.memory_space<hbm>>
    tpu.wait_dma2 semaphore(%arg15 : memref<!tpu.dma_semaphore, #tpu.memory_space<semaphore_mem>>) src(%arg10 : memref<1x56x224xf32, #tpu.memory_space<vmem>>) dst(%dma_wait3A_1148 : memref<1x56x224xf32, #tpu.memory_space<hbm>>)
    %slice3A_1149 = vector.extract_strided_slice %get3A_10 {offsets = [11], sizes = [1], strides = [1]} : vector<16xi32> to vector<1xi32>
    %squeeze3A_1150 = vector.extract %slice3A_1149[0] : i32 from vector<1xi32>
    %dma_wait3A_1151 = arith.constant 112 : i32
    %dma_wait3A_1152 = arith.constant 0 : i32
    %dma_wait3A_1153 = tpu.memref_slice %arg4[%squeeze3A_1150, %dma_wait3A_1151, %dma_wait3A_1152] : memref<768x224x224xf32, #tpu.memory_space<hbm>> -> memref<1x56x224xf32, #tpu.memory_space<hbm>>
    %dma_wait3A_1154 = arith.constant 112 : i32
    %dma_wait3A_1155 = arith.constant 0 : i32
    %dma_wait3A_1156 = tpu.memref_slice %arg4[%squeeze3A_1150, %dma_wait3A_1154, %dma_wait3A_1155] : memref<768x224x224xf32, #tpu.memory_space<hbm>> -> memref<1x56x224xf32, #tpu.memory_space<hbm>>
    tpu.wait_dma2 semaphore(%arg15 : memref<!tpu.dma_semaphore, #tpu.memory_space<semaphore_mem>>) src(%arg10 : memref<1x56x224xf32, #tpu.memory_space<vmem>>) dst(%dma_wait3A_1156 : memref<1x56x224xf32, #tpu.memory_space<hbm>>)
    %slice3A_1157 = vector.extract_strided_slice %get3A_10 {offsets = [11], sizes = [1], strides = [1]} : vector<16xi32> to vector<1xi32>
    %squeeze3A_1158 = vector.extract %slice3A_1157[0] : i32 from vector<1xi32>
    %dma_wait3A_1159 = arith.constant 168 : i32
    %dma_wait3A_1160 = arith.constant 0 : i32
    %dma_wait3A_1161 = tpu.memref_slice %arg4[%squeeze3A_1158, %dma_wait3A_1159, %dma_wait3A_1160] : memref<768x224x224xf32, #tpu.memory_space<hbm>> -> memref<1x56x224xf32, #tpu.memory_space<hbm>>
    %dma_wait3A_1162 = arith.constant 168 : i32
    %dma_wait3A_1163 = arith.constant 0 : i32
    %dma_wait3A_1164 = tpu.memref_slice %arg4[%squeeze3A_1158, %dma_wait3A_1162, %dma_wait3A_1163] : memref<768x224x224xf32, #tpu.memory_space<hbm>> -> memref<1x56x224xf32, #tpu.memory_space<hbm>>
    tpu.wait_dma2 semaphore(%arg15 : memref<!tpu.dma_semaphore, #tpu.memory_space<semaphore_mem>>) src(%arg10 : memref<1x56x224xf32, #tpu.memory_space<vmem>>) dst(%dma_wait3A_1164 : memref<1x56x224xf32, #tpu.memory_space<hbm>>)
    return
  }
}

</mosaic_0001>

<sc_bundles>
// kernel: kernel.3.cloned.1.call-start
scs
__scs_entry_jumppad:
0x0: {  	(pc) =	sbr.rel $0x88, $3  }
0x1: {  	(tag) =	ssettag $0x0;
	lr =	simm.s32 $0x1  }
0x2: {  	[smem:$0x3F9E] =	sst lr;
	_ =	strace $0xD0000000  }
0x3: {  	_ = 	snop  }
0x4: {  	_ = 	snop  }
0x5: {  	_ = 	snop  }
0x6: {  	_ = 	snop  }
0x7: {  	_ = 	snop  }
__scs_overlays_trampoline_lowered:
0x8: {  	[smem:$0x3FAD] =	sst s0  }
0x9: {  	[smem:$0x3FAE] =	sst s1  }
0xa: {  	[smem:$0x3FAF] =	sst s2  }
0xb: {  	[smem:$0x3FB0] =	sst s3  }
0xc: {  	[smem:$0x3FB1] =	sst s4  }
0xd: {  	[smem:$0x3FB2] =	sst s5  }
0xe: {  	[smem:$0x3FB3] =	sst s6  }
0xf: {  	[smem:$0x3FB4] =	sst s7  }
0x10: {  	[smem:$0x3FB5] =	sst s8  }
0x11: {  	[smem:$0x3FB6] =	sst s9;
	s0 =	simm.s32 @!p0 $0x0  }
0x12: {  	s1 =	sld [smem:$0x3F9C];
	s0 =	simm.s32 @p0 $0x1  }
0x13: {  	[smem:$0x3FB7] =	sst s0;
	s0 =	simm.s32 @!p1 $0x0  }
0x14: {  	s2 =	sld [smem:$0x3F9B];
	s0 =	simm.s32 @p1 $0x1  }
0x15: {  	[smem:$0x3FB8] =	sst s0;
	s0 =	simm.s32 @!p2 $0x0  }
0x16: {  	s3 =	sld [smem:$0x3FDB];
	s0 =	simm.s32 @p2 $0x1  }
0x17: {  	s4 =	simm.s32 $0x1BF5;
	[smem:$0x3FBA] =	sst s0  }
0x18: {  	s0 =	sld [smem:$0x3F9D];
	_ =	swait.ge [sflag:s4], $0x0  }
0x19: {  	s7 =	sld [smem:$0x3F9E]  }
0x1a: {  	s8 =	sadd.s32 $0xFFFFE003, lr  }
0x1b: {  	s9 =	sadd.s32 $0xFFFFFEF7, lr;
	s5 =	simm.s32 $0xFFFFFFFF;
	p2 =	slt.u32 s8, $0xFFFFF086  }
0x1c: {  	p1 =	slt.u32 s9, $0xF7A;
	s5 =	simm.s32 @!p2 $0x0  }
0x1d: {  	s5 =	simm.s32 @p1 $0x1;
	p0 =	seq.s32 s7, s2  }
0x1e: {  	s7 =	smul.u32 @!p0 $0xF7A, s2;
	p2 =	seq.s32 @!p0 s5, $0x0  }
0x1f: {  	s9 =	smul.u32 $0xF7A, s1;
	s8 =	simm.s32 @!p0 $0x1BF5;
	p2 =	por !p2, p0  }
0x20: {  	[sflag:s8] =	ssyncset.s32 @!p0 $0xFFFFF086;
	s6 =	sadd.s32 @!p0 s3, s7;
	s7 =	simm.s32 @!p0 $0x108  }
0x21: {  	s3 =	sadd.s32 s3, s9;
	s6 =	sadd.s32 @!p0 $0x88, s6;
	s7 =	simm.s32 @p2 $0x1082  }
0x22: {  	[simem:s7], [sflag:s8] =	dma.local @!p0 [hbm:s6], $0xF7A  }
0x23: {  	s9 =	sor.u32 $0xD0000000, s2;
	s6 =	simm.s32 $0x108;
	_ =	swait.ge @!p0 [sflag:s8], $0x0  }
0x24: {  	s3 =	sadd.s32 $0x88, s3;
	s6 =	simm.s32 @!p1 $0x1082;
	[sflag:s4] =	ssyncset.s32 $0xFFFFF086  }
0x25: {  	[simem:s6], [sflag:s4] =	dma.local [hbm:s3], $0xF7A  }
0x26: {  	[smem:$0x3F9E] =	sst s1;
	(tag) =	ssettag s2;
	_ =	strace s9  }
0x27: {  	s1 =	sld [smem:$0x3FAE]  }
0x28: {  	s2 =	sld [smem:$0x3FAF]  }
0x29: {  	s4 =	sld [smem:$0x3FB1]  }
0x2a: {  	p0 =	seq.s32 s5, $0x0;
	s5 =	sld [smem:$0x3FB2]  }
0x2b: {  	s6 =	sld [smem:$0x3FB3]  }
0x2c: {  	s7 =	sld [smem:$0x3FB4]  }
0x2d: {  	s3 =	simm.s32 $0x108;
	s8 =	sld [smem:$0x3FB5]  }
0x2e: {  	s3 =	simm.s32 @!p0 $0x1082;
	s9 =	sld [smem:$0x3FB6]  }
0x2f: {  	lr =	sadd.s32 s0, s3;
	s0 =	sld [smem:$0x3FAD]  }
0x30: {  	s3 =	sld [smem:$0x3FB0]  }
0x31: {  	[smem:$0x3FB9] =	sst s10  }
0x32: {  	s10 =	sld [smem:$0x3FB7];
	_ =	sdelay $0x3  }
0x33: {  	p0 =	seq.s32 s10, $0x1;
	s10 =	sld [smem:$0x3FB9];
	_ =	sdelay $0x3  }
0x34: {  	[smem:$0x3FB9] =	sst s10  }
0x35: {  	s10 =	sld [smem:$0x3FB8];
	_ =	sdelay $0x3  }
0x36: {  	p1 =	seq.s32 s10, $0x1;
	s10 =	sld [smem:$0x3FB9];
	_ =	sdelay $0x3  }
0x37: {  	[smem:$0x3FB9] =	sst s10  }
0x38: {  	s10 =	sld [smem:$0x3FBA]  }
0x39: {  	_ = 	snop;
	(pc) =	sbr.ind lr, $3  }
0x3a: {  	_ = 	snop  }
0x3b: {  	_ = 	snop  }
0x3c: {  	p2 =	seq.s32 s10, $0x1;
	s10 =	sld [smem:$0x3FB9]  }
0x3d: {  	_ =	shalt  }
0x3e: {  	_ =	shalt  }
0x3f: {  	_ =	shalt  }
0x40: {  	_ =	shalt  }
0x41: {  	_ =	shalt  }
0x42: {  	_ =	shalt  }
0x43: {  	_ =	shalt  }
0x44: {  	_ =	shalt  }
0x45: {  	_ =	shalt  }
0x46: {  	_ =	shalt  }
0x47: {  	_ =	shalt  }
0x48: {  	_ =	shalt  }
0x49: {  	_ =	shalt  }
0x4a: {  	_ =	shalt  }
0x4b: {  	_ =	shalt  }
0x4c: {  	_ =	shalt  }
0x4d: {  	_ =	shalt  }
0x4e: {  	_ =	shalt  }
0x4f: {  	_ =	shalt  }
0x50: {  	_ =	shalt  }
0x51: {  	_ =	shalt  }
0x52: {  	_ =	shalt  }
0x53: {  	_ =	shalt  }
0x54: {  	_ =	shalt  }
0x55: {  	_ =	shalt  }
0x56: {  	_ =	shalt  }
0x57: {  	_ =	shalt  }
0x58: {  	_ =	shalt  }
0x59: {  	_ =	shalt  }
0x5a: {  	_ =	shalt  }
0x5b: {  	_ =	shalt  }
0x5c: {  	_ =	shalt  }
0x5d: {  	_ =	shalt  }
0x5e: {  	_ =	shalt  }
0x5f: {  	_ =	shalt  }
0x60: {  	_ =	shalt  }
0x61: {  	_ =	shalt  }
0x62: {  	_ =	shalt  }
0x63: {  	_ =	shalt  }
0x64: {  	_ =	shalt  }
0x65: {  	_ =	shalt  }
0x66: {  	_ =	shalt  }
0x67: {  	_ =	shalt  }
0x68: {  	_ =	shalt  }
0x69: {  	_ =	shalt  }
0x6a: {  	_ =	shalt  }
0x6b: {  	_ =	shalt  }
0x6c: {  	_ =	shalt  }
0x6d: {  	_ =	shalt  }
0x6e: {  	_ =	shalt  }
0x6f: {  	_ =	shalt  }
0x70: {  	_ =	shalt  }
0x71: {  	_ =	shalt  }
0x72: {  	_ =	shalt  }
0x73: {  	_ =	shalt  }
0x74: {  	_ =	shalt  }
0x75: {  	_ =	shalt  }
0x76: {  	_ =	shalt  }
0x77: {  	_ =	shalt  }
0x78: {  	_ =	shalt  }
0x79: {  	_ =	shalt  }
0x7a: {  	_ =	shalt  }
0x7b: {  	_ =	shalt  }
0x7c: {  	_ =	shalt  }
0x7d: {  	_ =	shalt  }
0x7e: {  	_ =	shalt  }
0x7f: {  	_ =	shalt  }
0x80: {  	_ =	shalt  }
0x81: {  	_ =	shalt  }
0x82: {  	_ =	shalt  }
0x83: {  	_ =	shalt  }
0x84: {  	_ =	shalt  }
0x85: {  	_ =	shalt  }
0x86: {  	_ =	shalt  }
0x87: {  	_ =	shalt  }
.Lfunc_end0:
.L_simem_size_0:
called_computation_lowered:
.L_overlay_start_0:
0x88: {  	s2 =	sld [smem:$0x3FD9]  }
0x89: {  	s3 =	sld [smem:$0x3FFE];
	_ =	sdelay $0x1  }
0x8a: {  	s1 =	srdreg.scid  }
0x8b: {  	s0 =	sand.u32 $0x1, s1  }
0x8c: {  	s17 =	sshll.u32 s0, $0xA;
	s2 =	sadd.s32 s3, s2  }
0x8d: {  	s2 =	sadd.s32 s2, s17  }
0x8e: {  	[smem:$0x3FC5] =	sst s2  }
0x8f: {  	_ = 	snop  }
0x90: {  	s2 =	sld [smem:$0x3FC9]  }
0x91: {  	s18 =	sld [smem:$0x3FD0];
	(tm) =	ssettm $0x1  }
0x92: {  	s4 =	sld [smem:$0x3FFB];
	_ =	sdelay $0x3  }
0x93: {  	_ =	strace s4  }
0x94: {  	s4 =	sld [smem:$0x3FFC];
	_ =	sdelay $0x3  }
0x95: {  	_ =	strace s4  }
0x96: {  	s4 =	sld [smem:$0x3FFD];
	_ =	sdelay $0x3  }
0x97: {  	_ =	strace s4  }
0x98: {  	_ =	strace $0x8FFFFFFF  }
0x99: {  	s19 =	sld [smem:$0x3FDB];
	_ =	sdelay $0x1  }
0x9a: {  	s5 =	simm.s32 $_scs_section_size  }
0x9b: {  	s6 =	simm.s32 $_size__tile_overlayer_lowered;
	s7 =	simm.s32 $_tile_overlayer_lowered  }
0x9c: {  	s22 =	simm.s32 $0x1BFF;
	s21 =	sshll.u32 s7, $0x1;
	s4 =	sadd.s32 s5, s19  }
0x9d: {  	s8 =	simm.s32 $0x0;
	s20 =	sshll.u32 s6, $0x1;
	s6 =	sadd.s32 s21, s4  }
0x9e: {  	[timem:s8], [sflag:s22] =	dma.local [hbm:s6], s20  }
0x9f: {  	_ =	swait.ge [sflag:s22], s20  }
0xa0: {  	s5 =	ssub.s32 $0x0, s20;
	[sflag:s22] =	ssyncset.done $0x0  }
0xa1: {  	[sflag:s22] =	ssyncadd.s32 s5;
	_ =	sdelay $0x1  }
0xa2: {  	s23 =	simm.s32 $0x1B8B  }
0xa3: {  	_ =	swait.ge [sflag:s23], $0x1  }
0xa4: {  	[sflag:s23] =	ssyncset.done $0x0  }
0xa5: {  	s25 =	simm.s32 $0x1B8E;
	s24 =	sld [smem:$0x3FFE];
	[sflag:s23] =	ssyncadd.s32 $0xFFFFFFFF  }
0xa6: {  	s26 =	simm.s32 $execute0_lowered;
	[smem:$0x3FD2] =	sst s25  }
0xa7: {  	s6 =	sshll.u32 s26, $0x1;
	_ =	strace $0x80000046;
	[dreg:$0x1] =	wrdreg $0xFFFFFFFF  }
0xa8: {  	s28 =	simm.s32 $_size_execute0_lowered;
	s4 =	sadd.s32 s4, s6;
	[dreg:$0x0] =	wrdreg $0x0  }
0xa9: {  	s6 =	sshll.u32 s28, $0x1;
	[dreg:$0x2] =	wrdreg s4  }
0xaa: {  	[dreg:$0x3] =	wrdreg s6  }
0xab: {  	[dreg:$0x4] =	wrdreg $0xC0  }
0xac: {  	_ =	task [dreg:s8], $0x5FFFF  }
0xad: {  	[dreg:$0x1] =	wrdreg $0xFFFFFFFF  }
0xae: {  	[dreg:$0x0] =	wrdreg $0x60  }
0xaf: {  	[dreg:$0x2] =	wrdreg s2  }
0xb0: {  	[dreg:$0x3] =	wrdreg s24  }
0xb1: {  	[dreg:$0x4] =	wrdreg s18  }
0xb2: {  	[dreg:$0x5] =	wrdreg $0x9  }
0xb3: {  	_ =	task.clear_ibuf [dreg:s8], $0x6FFFF;
	_ =	strace $0x90000046  }
0xb4: {  	s29 =	simm.s32 $0x9;
	_ =	strace $0x80000048  }
0xb5: {  	_ =	swait.ge [sflag:s29], $0x1  }
0xb6: {  	[sflag:s29] =	ssyncadd.s32 $0xFFFFFFFF  }
0xb7: {  	_ =	strace $0x90000048  }
0xb8: {  	_ =	sfence  }
0xb9: {  	s30 =	sld [smem:$0x0];
	_ =	sdelay $0x2  }
0xba: {  	s31 =	sshll.u32 s1, $0xD;
	s1 =	sshrl.u32 s1, $0x2  }
0xbb: {  	s3 =	sand.u32 $0x4000, s31;
	s1 =	sadd.s32 s1, s30  }
0xbc: {  	s0 =	sor.u32 s3, s0;
	s1 =	sshll.u32 s1, $0x11  }
0xbd: {  	s0 =	sor.u32 s1, s0  }
0xbe: {  	s0 =	sadd.s32 $0x8F2B, s0  }
0xbf: {  	[sflag:s0] =	ssyncadd.remote.s32 $0x1  }
0xc0: {  	_ =	sfence.sel $0xFFFF  }
0xc1: {  	[dreg:$0x0] =	wrdreg $0xFFFFFFFF;
	(pc) =	sbr.abs _section_cstart, $3  }
0xc2: {  	[dreg:$0x1] =	wrdreg $0xFFFFFFFF  }
0xc3: {  	_ =	task.clear_ibuf [dreg:s8], $0x2FFFF;
	_ =	strace $0x9FFFFFFF  }
0xc4: {  	(tm) =	ssettm $0x7FFFFFFF  }
0xc5: {  	_ =	shalt  }
tec
execute0_lowered:
.L_overlay_start_1:
0x0: {  	(tag) =	ssettag $0x1  }
0x1: {  	s1 =	rddreg [dreg:$0x0]  }
0x2: {  	s5 =	rddreg [dreg:$0x1]  }
0x3: {  	s3 =	rddreg [dreg:$0x2]  }
0x4: {  	s0 =	rddreg [dreg:$0x3];
	s6 =	srdreg.scid  }
0x5: {  	s4 =	simm.s32 $0x0;
	s2 =	stileid.u32;
	s10 =	simm.s32 $0x80  }
0x6: {  	s11 =	simm.s32 $0x100;
	s12 =	simm.s32 $0x180;
	s13 =	simm.s32 $0xE180  }
0x7: {  	s14 =	simm.s32 $0x1C180;
	s15 =	simm.s32 $0x1;
	s16 =	simm.s32 $0x3  }
0x8: {  	s17 =	simm.s32 $0x2;
	s18 =	simm.s32 $0x4;
	s19 =	simm.s32 $0x5  }
0x9: {  	s20 =	simm.s32 $0x0;
	s6 =	sand.u32 $0x1, s6;
	s8 =	sshll.u32 s2, $0x5  }
0xa: {  	[smem:$0x7FF] =	sst s4;
	s7 =	ssub.s32 $0x2, s6;
	s6 =	sshll.u32 s6, $0x4  }
0xb: {  	_ =	strace $0x80000047;
	s9 =	sshrl.u32 s7, $0x1;
	s6 =	sor.u32 s6, s8  }
0xc: {  	s31 =	ssub.s32 s7, s9;
	s5 =	sadd.s32 s5, s6;
	s9 =	simm.s32 $0x6  }
0xd: {  	v0 =	vimm.f32 $0.0e+00;
	s6 =	sadd.s32 $0x200, s5;
	s7 =	sadd.s32 $0x400, s5;
	s8 =	smax.u32 s31, $0x1  }
.LBB2_1:
0xe: {  	[tilespmem:s4], [sflag:$0x6] =	stream.linear.gather [hbm4b:s5+s4], $0x80, $0x38;
	[tilespmem:$0x1F980] =	vst v63  }
0xf: {  	_ =	swait.ge [sflag:s9], $0x80  }
0x10: {  	[sflag:s9] =	ssyncset.done $0x0  }
0x11: {  	[sflag:s9] =	ssyncadd.s32 $0xFFFFFF80  }
0x12: {  	[tilespmem:s10], [sflag:$0x6] =	stream.linear.gather [hbm4b:s6+s4], $0x80, $0x38;
	[tilespmem:$0x1F980] =	vst v63  }
0x13: {  	_ =	swait.ge [sflag:s9], $0x80  }
0x14: {  	[sflag:s9] =	ssyncset.done $0x0  }
0x15: {  	[sflag:s9] =	ssyncadd.s32 $0xFFFFFF80  }
0x16: {  	[tilespmem:s11], [sflag:$0x6] =	stream.linear.gather [hbm4b:s7+s4], $0x80, $0x38;
	[tilespmem:$0x1F980] =	vst v63  }
0x17: {  	_ =	swait.ge [sflag:s9], $0x80  }
0x18: {  	[sflag:s9] =	ssyncset.done $0x0  }
0x19: {  	[sflag:s9] =	ssyncadd.s32 $0xFFFFFF80  }
0x1a: {  	v1 =	vld [tilespmem:$0x0];
	_ =	sdelay $0x4  }
0x1b: {  	(v2sf) =	vpush v1, $0x0;
	_ =	sdelay $0xe  }
0x1c: {  	s21 =	spop (v2sf)  }
0x1d: {  	s21 =	smul.u32 $0xE000, s21  }
0x1e: {  	s22 =	sand.u32 $0xFFFE, s4  }
0x1f: {  	s22 =	sshrl.u32 s22, $0x1;
	s21 =	sshrl.u32 s21, $0x3  }
0x20: {  	s23 =	smul.u32 $0x4925, s22;
	v2 =	vld [tilespmem:$0x80];
	s21 =	sadd.s32 s1, s21  }
0x21: {  	v4 =	vld [tilespmem:$0x100];
	[tilespmem:s12], [sflag:$0x1] =	stream.linear.gather [hbm4b:s21+s4], $0xE000, $0x38  }
0x22: {  	s22 =	sshrl.u32 s23, $0x11;
	s21 =	simm.s32 $0x1  }
0x23: {  	s25 =	smul.u32 $0xE, s22;
	s24 =	sand.u32 $0xFFFE, s21  }
0x24: {  	s31 =	sshrl.u32 s24, $0x1  }
0x25: {  	s25 =	ssub.s32 $0x0, s25;
	s24 =	simm.s32 $0x2;
	s22 =	smul.u32 $0x4925, s31  }
.LBB2_2:
0x26: {  	p0 =	sne.s32 s24, $0x30F;
	s26 =	sshrl.u32 s23, $0x9;
	s28 =	sshll.u32 s25, $0x7  }
0x27: {  	s29 =	smov.u32 s21;
	s21 =	smov.u32 s24;
	s23 =	sshrl.u32 s23, $0xA  }
0x28: {  	s25 =	sshll.u32 s25, $0x4;
	s26 =	sand.u32 $0x7800, s26;
	s28 =	sand.u32 $0x400, s28  }
.Ltmp0:
0x29: {  	s23 =	sand.u32 $0x380, s23;
	s26 =	sor.u32 s28, s26;
	(pc) =	sbr.rel @p0 .LBB2_2-.Ltmp0, $4  }
0x2a: {  	s25 =	sand.u32 $0x70, s25;
	s28 =	sshrl.u32 s22, $0x11;
	s23 =	sor.u32 s23, s26  }
0x2b: {  	s26 =	sand.u32 $0xFFFE, s24;
	s28 =	smul.u32 $0xE, s28;
	s23 =	sor.u32 s25, s23  }
0x2c: {  	s25 =	sshrl.u32 s26, $0x1;
	[tilespmem:s23+$0x1C180] =	vst v0;
	s23 =	smov.u32 s22  }
0x2d: {  	s24 =	sadd.s32 $0x1, s24;
	s22 =	smul.u32 $0x4925, s25;
	s25 =	ssub.s32 s29, s28  }
0x2e: {  	v1 =	vmul.u32 $0xE000, v1;
	_ =	sdelay $0x1  }
0x2f: {  	v1 =	vshrl.u32 v1, $0x3  }
0x30: {  	v3 =	vadd.s32 s1, v1  }
0x31: {  	v1 =	vmul.u32 $0xE000, v4;
	(v2sf) =	vpush v3, $0x1;
	_ =	sdelay $0x1  }
0x32: {  	(v2sf) =	vpush v1, $0x0;
	_ =	sdelay $0x3  }
0x33: {  	s24 =	sshrl.u32 s23, $0x9;
	s26 =	sshll.u32 s25, $0x7;
	s28 =	sshrl.u32 s22, $0x11  }
0x34: {  	s31 =	sshrl.u32 s23, $0xA;
	s24 =	sand.u32 $0x7800, s24;
	s28 =	smul.u32 $0xE, s28  }
0x35: {  	s26 =	sand.u32 $0x400, s26;
	s23 =	sand.u32 $0x380, s31;
	s29 =	sshrl.u32 s22, $0x9  }
0x36: {  	s24 =	sor.u32 s26, s24;
	s26 =	sshll.u32 s25, $0x4;
	s21 =	ssub.s32 s21, s28  }
0x37: {  	s31 =	sshrl.u32 s22, $0xA;
	s25 =	sand.u32 $0x70, s26;
	s30 =	sshll.u32 s21, $0x7  }
0x38: {  	s23 =	sor.u32 s23, s24;
	s24 =	sand.u32 $0x7800, s29;
	s26 =	sand.u32 $0x400, s30  }
0x39: {  	s22 =	sand.u32 $0x380, s31;
	s21 =	sshll.u32 s21, $0x4;
	s24 =	sor.u32 s26, s24  }
0x3a: {  	s23 =	sor.u32 s25, s23;
	s21 =	sand.u32 $0x70, s21;
	s22 =	sor.u32 s22, s24  }
0x3b: {  	[tilespmem:s23+$0x1C180] =	vst v0;
	s21 =	sor.u32 s21, s22  }
0x3c: {  	[tilespmem:s21+$0x1C180] =	vst v0;
	s28 =	spop (v2sf)  }
0x3d: {  	[tilespmem:s13], [sflag:$0x2] =	stream.linear.gather [hbm4b:s28+s4], $0xE000, $0x38;
	[tilespmem:$0x1F980] =	vst v63  }
0x3e: {  	s29 =	spop (v2sf)  }
0x3f: {  	s30 =	sshrl.u32 s29, $0x3  }
0x40: {  	s31 =	sadd.s32 $0x3800, s29;
	s22 =	sadd.s32 s3, s30  }
0x41: {  	[hbm4b:s22+s4] =	stream.linear.scatter [tilespmem:s14], [sflag:$0x5], $0x3800, $0x38;
	[tilespmem:$0x1F980] =	vst v63  }
0x42: {  	s22 =	sshrl.u32 s31, $0x3  }
0x43: {  	s23 =	sadd.s32 $0x7000, s29;
	s22 =	sadd.s32 s3, s22  }
0x44: {  	[hbm4b:s22+s4] =	stream.linear.scatter [tilespmem:s14], [sflag:$0x5], $0x3800, $0x38;
	[tilespmem:$0x1F980] =	vst v63  }
0x45: {  	s21 =	sadd.s32 $0xA800, s29;
	s22 =	sshrl.u32 s23, $0x3  }
0x46: {  	s21 =	sshrl.u32 s21, $0x3;
	s22 =	sadd.s32 s3, s22  }
0x47: {  	v2 =	vmul.u32 $0xE000, v2;
	[hbm4b:s22+s4] =	stream.linear.scatter [tilespmem:s14], [sflag:$0x5], $0x3800, $0x38;
	[tilespmem:$0x1F980] =	vst v63  }
0x48: {  	s21 =	sadd.s32 s3, s21  }
0x49: {  	v2 =	vshrl.u32 v2, $0x3;
	[hbm4b:s21+s4] =	stream.linear.scatter [tilespmem:s14], [sflag:$0x5], $0x3800, $0x38;
	[tilespmem:$0x1F980] =	vst v63  }
0x4a: {  	v2 =	vadd.s32 s3, v2;
	_ =	swait.ge [sflag:s15], $0xE000  }
0x4b: {  	(v2sf) =	vpush v2, $0x0;
	_ =	sdelay $0xd  }
0x4c: {  	[sflag:s15] =	ssyncset.done $0x0  }
0x4d: {  	[sflag:s15] =	ssyncadd.s32 $0xFFFF2000;
	s24 =	spop (v2sf)  }
0x4e: {  	[hbm4b:s24+s4] =	stream.linear.scatter [tilespmem:s12], [sflag:$0x3], $0xE000, $0x38;
	[tilespmem:$0x1F980] =	vst v63  }
0x4f: {  	_ =	swait.ge [sflag:s16], $0xE000  }
0x50: {  	(v2sf) =	vpush v3, $0x2;
	_ =	sdelay $0x1  }
0x51: {  	(v2sf) =	vpush v1, $0x1;
	_ =	sdelay $0xb  }
0x52: {  	[sflag:s16] =	ssyncset.done $0x0  }
0x53: {  	[sflag:s16] =	ssyncadd.s32 $0xFFFF2000;
	s25 =	spop (v2sf)  }
0x54: {  	[tilespmem:s12], [sflag:$0x1] =	stream.linear.gather [hbm4b:s25+s4], $0xE000, $0x38;
	[tilespmem:$0x1F980] =	vst v63  }
0x55: {  	s26 =	spop (v2sf)  }
0x56: {  	s28 =	sshrl.u32 s26, $0x3  }
0x57: {  	s29 =	sadd.s32 $0x3800, s26;
	s22 =	sadd.s32 s3, s28  }
0x58: {  	[hbm4b:s22+s4] =	stream.linear.scatter [tilespmem:s14], [sflag:$0x5], $0x3800, $0x38;
	[tilespmem:$0x1F980] =	vst v63  }
0x59: {  	s22 =	sshrl.u32 s29, $0x3  }
0x5a: {  	s30 =	sadd.s32 $0x7000, s26;
	s22 =	sadd.s32 s3, s22  }
0x5b: {  	[hbm4b:s22+s4] =	stream.linear.scatter [tilespmem:s14], [sflag:$0x5], $0x3800, $0x38;
	[tilespmem:$0x1F980] =	vst v63  }
0x5c: {  	s21 =	sadd.s32 $0xA800, s26;
	s22 =	sshrl.u32 s30, $0x3  }
0x5d: {  	s21 =	sshrl.u32 s21, $0x3;
	s22 =	sadd.s32 s3, s22  }
0x5e: {  	[hbm4b:s22+s4] =	stream.linear.scatter [tilespmem:s14], [sflag:$0x5], $0x3800, $0x38;
	[tilespmem:$0x1F980] =	vst v63  }
0x5f: {  	s21 =	sadd.s32 s3, s21  }
0x60: {  	[hbm4b:s21+s4] =	stream.linear.scatter [tilespmem:s14], [sflag:$0x5], $0x3800, $0x38;
	[tilespmem:$0x1F980] =	vst v63  }
0x61: {  	_ =	swait.ge [sflag:s17], $0xE000  }
0x62: {  	(v2sf) =	vpush v2, $0x1;
	_ =	sdelay $0xd  }
0x63: {  	[sflag:s17] =	ssyncset.done $0x0  }
0x64: {  	[sflag:s17] =	ssyncadd.s32 $0xFFFF2000;
	s31 =	spop (v2sf)  }
0x65: {  	[hbm4b:s31+s4] =	stream.linear.scatter [tilespmem:s13], [sflag:$0x4], $0xE000, $0x38;
	[tilespmem:$0x1F980] =	vst v63  }
0x66: {  	_ =	swait.ge [sflag:s18], $0xE000  }
0x67: {  	(v2sf) =	vpush v3, $0x3;
	_ =	sdelay $0x1  }
0x68: {  	(v2sf) =	vpush v1, $0x2;
	_ =	sdelay $0xb  }
0x69: {  	[sflag:s18] =	ssyncset.done $0x0  }
0x6a: {  	[sflag:s18] =	ssyncadd.s32 $0xFFFF2000;
	s22 =	spop (v2sf)  }
0x6b: {  	[tilespmem:s13], [sflag:$0x2] =	stream.linear.gather [hbm4b:s22+s4], $0xE000, $0x38;
	[tilespmem:$0x1F980] =	vst v63  }
0x6c: {  	s23 =	spop (v2sf)  }
0x6d: {  	s24 =	sshrl.u32 s23, $0x3  }
0x6e: {  	s25 =	sadd.s32 $0x3800, s23;
	s22 =	sadd.s32 s3, s24  }
0x6f: {  	[hbm4b:s22+s4] =	stream.linear.scatter [tilespmem:s14], [sflag:$0x5], $0x3800, $0x38;
	[tilespmem:$0x1F980] =	vst v63  }
0x70: {  	s22 =	sshrl.u32 s25, $0x3  }
0x71: {  	s26 =	sadd.s32 $0x7000, s23;
	s22 =	sadd.s32 s3, s22  }
0x72: {  	[hbm4b:s22+s4] =	stream.linear.scatter [tilespmem:s14], [sflag:$0x5], $0x3800, $0x38;
	[tilespmem:$0x1F980] =	vst v63  }
0x73: {  	s21 =	sadd.s32 $0xA800, s23;
	s22 =	sshrl.u32 s26, $0x3  }
0x74: {  	s21 =	sshrl.u32 s21, $0x3;
	s22 =	sadd.s32 s3, s22  }
0x75: {  	[hbm4b:s22+s4] =	stream.linear.scatter [tilespmem:s14], [sflag:$0x5], $0x3800, $0x38;
	[tilespmem:$0x1F980] =	vst v63  }
0x76: {  	s21 =	sadd.s32 s3, s21  }
0x77: {  	[hbm4b:s21+s4] =	stream.linear.scatter [tilespmem:s14], [sflag:$0x5], $0x3800, $0x38;
	[tilespmem:$0x1F980] =	vst v63  }
0x78: {  	_ =	swait.ge [sflag:s19], $0x3800  }
0x79: {  	[sflag:s19] =	ssyncset.done $0x0  }
0x7a: {  	[sflag:s19] =	ssyncadd.s32 $0xFFFFC800  }
0x7b: {  	_ =	swait.ge [sflag:s19], $0x3800  }
0x7c: {  	[sflag:s19] =	ssyncset.done $0x0  }
0x7d: {  	[sflag:s19] =	ssyncadd.s32 $0xFFFFC800  }
0x7e: {  	_ =	swait.ge [sflag:s19], $0x3800  }
0x7f: {  	[sflag:s19] =	ssyncset.done $0x0  }
0x80: {  	[sflag:s19] =	ssyncadd.s32 $0xFFFFC800  }
0x81: {  	_ =	swait.ge [sflag:s19], $0x3800  }
0x82: {  	[sflag:s19] =	ssyncset.done $0x0  }
0x83: {  	[sflag:s19] =	ssyncadd.s32 $0xFFFFC800  }
0x84: {  	_ =	swait.ge [sflag:s15], $0xE000  }
0x85: {  	(v2sf) =	vpush v2, $0x2;
	_ =	sdelay $0xd  }
0x86: {  	[sflag:s15] =	ssyncset.done $0x0  }
0x87: {  	[sflag:s15] =	ssyncadd.s32 $0xFFFF2000;
	s28 =	spop (v2sf)  }
0x88: {  	[hbm4b:s28+s4] =	stream.linear.scatter [tilespmem:s12], [sflag:$0x3], $0xE000, $0x38;
	[tilespmem:$0x1F980] =	vst v63  }
0x89: {  	_ =	swait.ge [sflag:s16], $0xE000  }
0x8a: {  	(v2sf) =	vpush v3, $0x4;
	_ =	sdelay $0x1  }
0x8b: {  	(v2sf) =	vpush v1, $0x3;
	_ =	sdelay $0xb  }
0x8c: {  	[sflag:s16] =	ssyncset.done $0x0  }
0x8d: {  	[sflag:s16] =	ssyncadd.s32 $0xFFFF2000;
	s29 =	spop (v2sf)  }
0x8e: {  	[tilespmem:s12], [sflag:$0x1] =	stream.linear.gather [hbm4b:s29+s4], $0xE000, $0x38;
	[tilespmem:$0x1F980] =	vst v63  }
0x8f: {  	s30 =	spop (v2sf)  }
0x90: {  	s31 =	sshrl.u32 s30, $0x3  }
0x91: {  	s23 =	sadd.s32 $0x3800, s30;
	s22 =	sadd.s32 s3, s31  }
0x92: {  	[hbm4b:s22+s4] =	stream.linear.scatter [tilespmem:s14], [sflag:$0x5], $0x3800, $0x38;
	[tilespmem:$0x1F980] =	vst v63  }
0x93: {  	s22 =	sshrl.u32 s23, $0x3  }
0x94: {  	s24 =	sadd.s32 $0x7000, s30;
	s22 =	sadd.s32 s3, s22  }
0x95: {  	[hbm4b:s22+s4] =	stream.linear.scatter [tilespmem:s14], [sflag:$0x5], $0x3800, $0x38;
	[tilespmem:$0x1F980] =	vst v63  }
0x96: {  	s21 =	sadd.s32 $0xA800, s30;
	s22 =	sshrl.u32 s24, $0x3  }
0x97: {  	s21 =	sshrl.u32 s21, $0x3;
	s22 =	sadd.s32 s3, s22  }
0x98: {  	[hbm4b:s22+s4] =	stream.linear.scatter [tilespmem:s14], [sflag:$0x5], $0x3800, $0x38;
	[tilespmem:$0x1F980] =	vst v63  }
0x99: {  	s21 =	sadd.s32 s3, s21  }
0x9a: {  	[hbm4b:s21+s4] =	stream.linear.scatter [tilespmem:s14], [sflag:$0x5], $0x3800, $0x38;
	[tilespmem:$0x1F980] =	vst v63  }
0x9b: {  	_ =	swait.ge [sflag:s19], $0x3800  }
0x9c: {  	[sflag:s19] =	ssyncset.done $0x0  }
0x9d: {  	[sflag:s19] =	ssyncadd.s32 $0xFFFFC800  }
0x9e: {  	_ =	swait.ge [sflag:s19], $0x3800  }
0x9f: {  	[sflag:s19] =	ssyncset.done $0x0  }
0xa0: {  	[sflag:s19] =	ssyncadd.s32 $0xFFFFC800  }
0xa1: {  	_ =	swait.ge [sflag:s19], $0x3800  }
0xa2: {  	[sflag:s19] =	ssyncset.done $0x0  }
0xa3: {  	[sflag:s19] =	ssyncadd.s32 $0xFFFFC800  }
0xa4: {  	_ =	swait.ge [sflag:s19], $0x3800  }
0xa5: {  	[sflag:s19] =	ssyncset.done $0x0  }
0xa6: {  	[sflag:s19] =	ssyncadd.s32 $0xFFFFC800  }
0xa7: {  	_ =	swait.ge [sflag:s17], $0xE000  }
0xa8: {  	(v2sf) =	vpush v2, $0x3;
	_ =	sdelay $0xd  }
0xa9: {  	[sflag:s17] =	ssyncset.done $0x0  }
0xaa: {  	[sflag:s17] =	ssyncadd.s32 $0xFFFF2000;
	s25 =	spop (v2sf)  }
0xab: {  	[hbm4b:s25+s4] =	stream.linear.scatter [tilespmem:s13], [sflag:$0x4], $0xE000, $0x38;
	[tilespmem:$0x1F980] =	vst v63  }
0xac: {  	_ =	swait.ge [sflag:s18], $0xE000  }
0xad: {  	(v2sf) =	vpush v3, $0x5;
	_ =	sdelay $0x1  }
0xae: {  	(v2sf) =	vpush v1, $0x4;
	_ =	sdelay $0xb  }
0xaf: {  	[sflag:s18] =	ssyncset.done $0x0  }
0xb0: {  	[sflag:s18] =	ssyncadd.s32 $0xFFFF2000;
	s26 =	spop (v2sf)  }
0xb1: {  	[tilespmem:s13], [sflag:$0x2] =	stream.linear.gather [hbm4b:s26+s4], $0xE000, $0x38;
	[tilespmem:$0x1F980] =	vst v63  }
0xb2: {  	s28 =	spop (v2sf)  }
0xb3: {  	s29 =	sshrl.u32 s28, $0x3  }
0xb4: {  	s30 =	sadd.s32 $0x3800, s28;
	s22 =	sadd.s32 s3, s29  }
0xb5: {  	[hbm4b:s22+s4] =	stream.linear.scatter [tilespmem:s14], [sflag:$0x5], $0x3800, $0x38;
	[tilespmem:$0x1F980] =	vst v63  }
0xb6: {  	s22 =	sshrl.u32 s30, $0x3  }
0xb7: {  	s31 =	sadd.s32 $0x7000, s28;
	s22 =	sadd.s32 s3, s22  }
0xb8: {  	[hbm4b:s22+s4] =	stream.linear.scatter [tilespmem:s14], [sflag:$0x5], $0x3800, $0x38;
	[tilespmem:$0x1F980] =	vst v63  }
0xb9: {  	s21 =	sadd.s32 $0xA800, s28;
	s22 =	sshrl.u32 s31, $0x3  }
0xba: {  	s21 =	sshrl.u32 s21, $0x3;
	s22 =	sadd.s32 s3, s22  }
0xbb: {  	[hbm4b:s22+s4] =	stream.linear.scatter [tilespmem:s14], [sflag:$0x5], $0x3800, $0x38;
	[tilespmem:$0x1F980] =	vst v63  }
0xbc: {  	s21 =	sadd.s32 s3, s21  }
0xbd: {  	[hbm4b:s21+s4] =	stream.linear.scatter [tilespmem:s14], [sflag:$0x5], $0x3800, $0x38;
	[tilespmem:$0x1F980] =	vst v63  }
0xbe: {  	_ =	swait.ge [sflag:s19], $0x3800  }
0xbf: {  	[sflag:s19] =	ssyncset.done $0x0  }
0xc0: {  	[sflag:s19] =	ssyncadd.s32 $0xFFFFC800  }
0xc1: {  	_ =	swait.ge [sflag:s19], $0x3800  }
0xc2: {  	[sflag:s19] =	ssyncset.done $0x0  }
0xc3: {  	[sflag:s19] =	ssyncadd.s32 $0xFFFFC800  }
0xc4: {  	_ =	swait.ge [sflag:s19], $0x3800  }
0xc5: {  	[sflag:s19] =	ssyncset.done $0x0  }
0xc6: {  	[sflag:s19] =	ssyncadd.s32 $0xFFFFC800  }
0xc7: {  	_ =	swait.ge [sflag:s19], $0x3800  }
0xc8: {  	[sflag:s19] =	ssyncset.done $0x0  }
0xc9: {  	[sflag:s19] =	ssyncadd.s32 $0xFFFFC800  }
0xca: {  	_ =	swait.ge [sflag:s15], $0xE000  }
0xcb: {  	(v2sf) =	vpush v2, $0x4;
	_ =	sdelay $0xd  }
0xcc: {  	[sflag:s15] =	ssyncset.done $0x0  }
0xcd: {  	[sflag:s15] =	ssyncadd.s32 $0xFFFF2000;
	s22 =	spop (v2sf)  }
0xce: {  	[hbm4b:s22+s4] =	stream.linear.scatter [tilespmem:s12], [sflag:$0x3], $0xE000, $0x38;
	[tilespmem:$0x1F980] =	vst v63  }
0xcf: {  	_ =	swait.ge [sflag:s16], $0xE000  }
0xd0: {  	(v2sf) =	vpush v3, $0x6;
	_ =	sdelay $0x1  }
0xd1: {  	(v2sf) =	vpush v1, $0x5;
	_ =	sdelay $0xb  }
0xd2: {  	[sflag:s16] =	ssyncset.done $0x0  }
0xd3: {  	[sflag:s16] =	ssyncadd.s32 $0xFFFF2000;
	s23 =	spop (v2sf)  }
0xd4: {  	[tilespmem:s12], [sflag:$0x1] =	stream.linear.gather [hbm4b:s23+s4], $0xE000, $0x38;
	[tilespmem:$0x1F980] =	vst v63  }
0xd5: {  	s24 =	spop (v2sf)  }
0xd6: {  	s25 =	sshrl.u32 s24, $0x3  }
0xd7: {  	s26 =	sadd.s32 $0x3800, s24;
	s22 =	sadd.s32 s3, s25  }
0xd8: {  	[hbm4b:s22+s4] =	stream.linear.scatter [tilespmem:s14], [sflag:$0x5], $0x3800, $0x38;
	[tilespmem:$0x1F980] =	vst v63  }
0xd9: {  	s22 =	sshrl.u32 s26, $0x3  }
0xda: {  	s28 =	sadd.s32 $0x7000, s24;
	s22 =	sadd.s32 s3, s22  }
0xdb: {  	[hbm4b:s22+s4] =	stream.linear.scatter [tilespmem:s14], [sflag:$0x5], $0x3800, $0x38;
	[tilespmem:$0x1F980] =	vst v63  }
0xdc: {  	s21 =	sadd.s32 $0xA800, s24;
	s22 =	sshrl.u32 s28, $0x3  }
0xdd: {  	s21 =	sshrl.u32 s21, $0x3;
	s22 =	sadd.s32 s3, s22  }
0xde: {  	[hbm4b:s22+s4] =	stream.linear.scatter [tilespmem:s14], [sflag:$0x5], $0x3800, $0x38;
	[tilespmem:$0x1F980] =	vst v63  }
0xdf: {  	s21 =	sadd.s32 s3, s21  }
0xe0: {  	[hbm4b:s21+s4] =	stream.linear.scatter [tilespmem:s14], [sflag:$0x5], $0x3800, $0x38;
	[tilespmem:$0x1F980] =	vst v63  }
0xe1: {  	_ =	swait.ge [sflag:s19], $0x3800  }
0xe2: {  	[sflag:s19] =	ssyncset.done $0x0  }
0xe3: {  	[sflag:s19] =	ssyncadd.s32 $0xFFFFC800  }
0xe4: {  	_ =	swait.ge [sflag:s19], $0x3800  }
0xe5: {  	[sflag:s19] =	ssyncset.done $0x0  }
0xe6: {  	[sflag:s19] =	ssyncadd.s32 $0xFFFFC800  }
0xe7: {  	_ =	swait.ge [sflag:s19], $0x3800  }
0xe8: {  	[sflag:s19] =	ssyncset.done $0x0  }
0xe9: {  	[sflag:s19] =	ssyncadd.s32 $0xFFFFC800  }
0xea: {  	_ =	swait.ge [sflag:s19], $0x3800  }
0xeb: {  	[sflag:s19] =	ssyncset.done $0x0  }
0xec: {  	[sflag:s19] =	ssyncadd.s32 $0xFFFFC800  }
0xed: {  	_ =	swait.ge [sflag:s17], $0xE000  }
0xee: {  	(v2sf) =	vpush v2, $0x5;
	_ =	sdelay $0xd  }
0xef: {  	[sflag:s17] =	ssyncset.done $0x0  }
0xf0: {  	[sflag:s17] =	ssyncadd.s32 $0xFFFF2000;
	s29 =	spop (v2sf)  }
0xf1: {  	[hbm4b:s29+s4] =	stream.linear.scatter [tilespmem:s13], [sflag:$0x4], $0xE000, $0x38;
	[tilespmem:$0x1F980] =	vst v63  }
0xf2: {  	_ =	swait.ge [sflag:s18], $0xE000  }
0xf3: {  	(v2sf) =	vpush v3, $0x7;
	_ =	sdelay $0x1  }
0xf4: {  	(v2sf) =	vpush v1, $0x6;
	_ =	sdelay $0xb  }
0xf5: {  	[sflag:s18] =	ssyncset.done $0x0  }
0xf6: {  	[sflag:s18] =	ssyncadd.s32 $0xFFFF2000;
	s30 =	spop (v2sf)  }
0xf7: {  	[tilespmem:s13], [sflag:$0x2] =	stream.linear.gather [hbm4b:s30+s4], $0xE000, $0x38;
	[tilespmem:$0x1F980] =	vst v63  }
0xf8: {  	s31 =	spop (v2sf)  }
0xf9: {  	s23 =	sshrl.u32 s31, $0x3  }
0xfa: {  	s24 =	sadd.s32 $0x3800, s31;
	s22 =	sadd.s32 s3, s23  }
0xfb: {  	[hbm4b:s22+s4] =	stream.linear.scatter [tilespmem:s14], [sflag:$0x5], $0x3800, $0x38;
	[tilespmem:$0x1F980] =	vst v63  }
0xfc: {  	s22 =	sshrl.u32 s24, $0x3  }
0xfd: {  	s25 =	sadd.s32 $0x7000, s31;
	s22 =	sadd.s32 s3, s22  }
0xfe: {  	[hbm4b:s22+s4] =	stream.linear.scatter [tilespmem:s14], [sflag:$0x5], $0x3800, $0x38;
	[tilespmem:$0x1F980] =	vst v63  }
0xff: {  	s21 =	sadd.s32 $0xA800, s31;
	s22 =	sshrl.u32 s25, $0x3  }
0x100: {  	s21 =	sshrl.u32 s21, $0x3;
	s22 =	sadd.s32 s3, s22  }
0x101: {  	[hbm4b:s22+s4] =	stream.linear.scatter [tilespmem:s14], [sflag:$0x5], $0x3800, $0x38;
	[tilespmem:$0x1F980] =	vst v63  }
0x102: {  	s21 =	sadd.s32 s3, s21  }
0x103: {  	[hbm4b:s21+s4] =	stream.linear.scatter [tilespmem:s14], [sflag:$0x5], $0x3800, $0x38;
	[tilespmem:$0x1F980] =	vst v63  }
0x104: {  	_ =	swait.ge [sflag:s19], $0x3800  }
0x105: {  	[sflag:s19] =	ssyncset.done $0x0  }
0x106: {  	[sflag:s19] =	ssyncadd.s32 $0xFFFFC800  }
0x107: {  	_ =	swait.ge [sflag:s19], $0x3800  }
0x108: {  	[sflag:s19] =	ssyncset.done $0x0  }
0x109: {  	[sflag:s19] =	ssyncadd.s32 $0xFFFFC800  }
0x10a: {  	_ =	swait.ge [sflag:s19], $0x3800  }
0x10b: {  	[sflag:s19] =	ssyncset.done $0x0  }
0x10c: {  	[sflag:s19] =	ssyncadd.s32 $0xFFFFC800  }
0x10d: {  	_ =	swait.ge [sflag:s19], $0x3800  }
0x10e: {  	[sflag:s19] =	ssyncset.done $0x0  }
0x10f: {  	[sflag:s19] =	ssyncadd.s32 $0xFFFFC800  }
0x110: {  	_ =	swait.ge [sflag:s15], $0xE000  }
0x111: {  	(v2sf) =	vpush v2, $0x6;
	_ =	sdelay $0xd  }
0x112: {  	[sflag:s15] =	ssyncset.done $0x0  }
0x113: {  	[sflag:s15] =	ssyncadd.s32 $0xFFFF2000;
	s26 =	spop (v2sf)  }
0x114: {  	[hbm4b:s26+s4] =	stream.linear.scatter [tilespmem:s12], [sflag:$0x3], $0xE000, $0x38;
	[tilespmem:$0x1F980] =	vst v63  }
0x115: {  	_ =	swait.ge [sflag:s16], $0xE000  }
0x116: {  	(v2sf) =	vpush v3, $0x8;
	_ =	sdelay $0x1  }
0x117: {  	(v2sf) =	vpush v1, $0x7;
	_ =	sdelay $0xb  }
0x118: {  	[sflag:s16] =	ssyncset.done $0x0  }
0x119: {  	[sflag:s16] =	ssyncadd.s32 $0xFFFF2000;
	s28 =	spop (v2sf)  }
0x11a: {  	[tilespmem:s12], [sflag:$0x1] =	stream.linear.gather [hbm4b:s28+s4], $0xE000, $0x38;
	[tilespmem:$0x1F980] =	vst v63  }
0x11b: {  	s29 =	spop (v2sf)  }
0x11c: {  	s30 =	sshrl.u32 s29, $0x3  }
0x11d: {  	s31 =	sadd.s32 $0x3800, s29;
	s22 =	sadd.s32 s3, s30  }
0x11e: {  	[hbm4b:s22+s4] =	stream.linear.scatter [tilespmem:s14], [sflag:$0x5], $0x3800, $0x38;
	[tilespmem:$0x1F980] =	vst v63  }
0x11f: {  	s22 =	sshrl.u32 s31, $0x3  }
0x120: {  	s23 =	sadd.s32 $0x7000, s29;
	s22 =	sadd.s32 s3, s22  }
0x121: {  	[hbm4b:s22+s4] =	stream.linear.scatter [tilespmem:s14], [sflag:$0x5], $0x3800, $0x38;
	[tilespmem:$0x1F980] =	vst v63  }
0x122: {  	s21 =	sadd.s32 $0xA800, s29;
	s22 =	sshrl.u32 s23, $0x3  }
0x123: {  	s21 =	sshrl.u32 s21, $0x3;
	s22 =	sadd.s32 s3, s22  }
0x124: {  	[hbm4b:s22+s4] =	stream.linear.scatter [tilespmem:s14], [sflag:$0x5], $0x3800, $0x38;
	[tilespmem:$0x1F980] =	vst v63  }
0x125: {  	s21 =	sadd.s32 s3, s21  }
0x126: {  	[hbm4b:s21+s4] =	stream.linear.scatter [tilespmem:s14], [sflag:$0x5], $0x3800, $0x38;
	[tilespmem:$0x1F980] =	vst v63  }
0x127: {  	_ =	swait.ge [sflag:s19], $0x3800  }
0x128: {  	[sflag:s19] =	ssyncset.done $0x0  }
0x129: {  	[sflag:s19] =	ssyncadd.s32 $0xFFFFC800  }
0x12a: {  	_ =	swait.ge [sflag:s19], $0x3800  }
0x12b: {  	[sflag:s19] =	ssyncset.done $0x0  }
0x12c: {  	[sflag:s19] =	ssyncadd.s32 $0xFFFFC800  }
0x12d: {  	_ =	swait.ge [sflag:s19], $0x3800  }
0x12e: {  	[sflag:s19] =	ssyncset.done $0x0  }
0x12f: {  	[sflag:s19] =	ssyncadd.s32 $0xFFFFC800  }
0x130: {  	_ =	swait.ge [sflag:s19], $0x3800  }
0x131: {  	[sflag:s19] =	ssyncset.done $0x0  }
0x132: {  	[sflag:s19] =	ssyncadd.s32 $0xFFFFC800  }
0x133: {  	_ =	swait.ge [sflag:s17], $0xE000  }
0x134: {  	(v2sf) =	vpush v2, $0x7;
	_ =	sdelay $0xd  }
0x135: {  	[sflag:s17] =	ssyncset.done $0x0  }
0x136: {  	[sflag:s17] =	ssyncadd.s32 $0xFFFF2000;
	s24 =	spop (v2sf)  }
0x137: {  	[hbm4b:s24+s4] =	stream.linear.scatter [tilespmem:s13], [sflag:$0x4], $0xE000, $0x38;
	[tilespmem:$0x1F980] =	vst v63  }
0x138: {  	_ =	swait.ge [sflag:s18], $0xE000  }
0x139: {  	(v2sf) =	vpush v3, $0x9;
	_ =	sdelay $0x1  }
0x13a: {  	(v2sf) =	vpush v1, $0x8;
	_ =	sdelay $0xb  }
0x13b: {  	[sflag:s18] =	ssyncset.done $0x0  }
0x13c: {  	[sflag:s18] =	ssyncadd.s32 $0xFFFF2000;
	s25 =	spop (v2sf)  }
0x13d: {  	[tilespmem:s13], [sflag:$0x2] =	stream.linear.gather [hbm4b:s25+s4], $0xE000, $0x38;
	[tilespmem:$0x1F980] =	vst v63  }
0x13e: {  	s26 =	spop (v2sf)  }
0x13f: {  	s28 =	sshrl.u32 s26, $0x3  }
0x140: {  	s29 =	sadd.s32 $0x3800, s26;
	s22 =	sadd.s32 s3, s28  }
0x141: {  	[hbm4b:s22+s4] =	stream.linear.scatter [tilespmem:s14], [sflag:$0x5], $0x3800, $0x38;
	[tilespmem:$0x1F980] =	vst v63  }
0x142: {  	s22 =	sshrl.u32 s29, $0x3  }
0x143: {  	s30 =	sadd.s32 $0x7000, s26;
	s22 =	sadd.s32 s3, s22  }
0x144: {  	[hbm4b:s22+s4] =	stream.linear.scatter [tilespmem:s14], [sflag:$0x5], $0x3800, $0x38;
	[tilespmem:$0x1F980] =	vst v63  }
0x145: {  	s21 =	sadd.s32 $0xA800, s26;
	s22 =	sshrl.u32 s30, $0x3  }
0x146: {  	s21 =	sshrl.u32 s21, $0x3;
	s22 =	sadd.s32 s3, s22  }
0x147: {  	[hbm4b:s22+s4] =	stream.linear.scatter [tilespmem:s14], [sflag:$0x5], $0x3800, $0x38;
	[tilespmem:$0x1F980] =	vst v63  }
0x148: {  	s21 =	sadd.s32 s3, s21  }
0x149: {  	[hbm4b:s21+s4] =	stream.linear.scatter [tilespmem:s14], [sflag:$0x5], $0x3800, $0x38;
	[tilespmem:$0x1F980] =	vst v63  }
0x14a: {  	_ =	swait.ge [sflag:s19], $0x3800  }
0x14b: {  	[sflag:s19] =	ssyncset.done $0x0  }
0x14c: {  	[sflag:s19] =	ssyncadd.s32 $0xFFFFC800  }
0x14d: {  	_ =	swait.ge [sflag:s19], $0x3800  }
0x14e: {  	[sflag:s19] =	ssyncset.done $0x0  }
0x14f: {  	[sflag:s19] =	ssyncadd.s32 $0xFFFFC800  }
0x150: {  	_ =	swait.ge [sflag:s19], $0x3800  }
0x151: {  	[sflag:s19] =	ssyncset.done $0x0  }
0x152: {  	[sflag:s19] =	ssyncadd.s32 $0xFFFFC800  }
0x153: {  	_ =	swait.ge [sflag:s19], $0x3800  }
0x154: {  	[sflag:s19] =	ssyncset.done $0x0  }
0x155: {  	[sflag:s19] =	ssyncadd.s32 $0xFFFFC800  }
0x156: {  	_ =	swait.ge [sflag:s15], $0xE000  }
0x157: {  	(v2sf) =	vpush v2, $0x8;
	_ =	sdelay $0xd  }
0x158: {  	[sflag:s15] =	ssyncset.done $0x0  }
0x159: {  	[sflag:s15] =	ssyncadd.s32 $0xFFFF2000;
	s31 =	spop (v2sf)  }
0x15a: {  	[hbm4b:s31+s4] =	stream.linear.scatter [tilespmem:s12], [sflag:$0x3], $0xE000, $0x38;
	[tilespmem:$0x1F980] =	vst v63  }
0x15b: {  	_ =	swait.ge [sflag:s16], $0xE000  }
0x15c: {  	(v2sf) =	vpush v3, $0xA;
	_ =	sdelay $0x1  }
0x15d: {  	(v2sf) =	vpush v1, $0x9;
	_ =	sdelay $0xb  }
0x15e: {  	[sflag:s16] =	ssyncset.done $0x0  }
0x15f: {  	[sflag:s16] =	ssyncadd.s32 $0xFFFF2000;
	s22 =	spop (v2sf)  }
0x160: {  	[tilespmem:s12], [sflag:$0x1] =	stream.linear.gather [hbm4b:s22+s4], $0xE000, $0x38;
	[tilespmem:$0x1F980] =	vst v63  }
0x161: {  	s23 =	spop (v2sf)  }
0x162: {  	s24 =	sshrl.u32 s23, $0x3  }
0x163: {  	s25 =	sadd.s32 $0x3800, s23;
	s22 =	sadd.s32 s3, s24  }
0x164: {  	[hbm4b:s22+s4] =	stream.linear.scatter [tilespmem:s14], [sflag:$0x5], $0x3800, $0x38;
	[tilespmem:$0x1F980] =	vst v63  }
0x165: {  	s22 =	sshrl.u32 s25, $0x3  }
0x166: {  	s26 =	sadd.s32 $0x7000, s23;
	s22 =	sadd.s32 s3, s22  }
0x167: {  	[hbm4b:s22+s4] =	stream.linear.scatter [tilespmem:s14], [sflag:$0x5], $0x3800, $0x38;
	[tilespmem:$0x1F980] =	vst v63  }
0x168: {  	s21 =	sadd.s32 $0xA800, s23;
	s22 =	sshrl.u32 s26, $0x3  }
0x169: {  	s21 =	sshrl.u32 s21, $0x3;
	s22 =	sadd.s32 s3, s22  }
0x16a: {  	[hbm4b:s22+s4] =	stream.linear.scatter [tilespmem:s14], [sflag:$0x5], $0x3800, $0x38;
	[tilespmem:$0x1F980] =	vst v63  }
0x16b: {  	s21 =	sadd.s32 s3, s21  }
0x16c: {  	[hbm4b:s21+s4] =	stream.linear.scatter [tilespmem:s14], [sflag:$0x5], $0x3800, $0x38;
	[tilespmem:$0x1F980] =	vst v63  }
0x16d: {  	_ =	swait.ge [sflag:s19], $0x3800  }
0x16e: {  	[sflag:s19] =	ssyncset.done $0x0  }
0x16f: {  	[sflag:s19] =	ssyncadd.s32 $0xFFFFC800  }
0x170: {  	_ =	swait.ge [sflag:s19], $0x3800  }
0x171: {  	[sflag:s19] =	ssyncset.done $0x0  }
0x172: {  	[sflag:s19] =	ssyncadd.s32 $0xFFFFC800  }
0x173: {  	_ =	swait.ge [sflag:s19], $0x3800  }
0x174: {  	[sflag:s19] =	ssyncset.done $0x0  }
0x175: {  	[sflag:s19] =	ssyncadd.s32 $0xFFFFC800  }
0x176: {  	_ =	swait.ge [sflag:s19], $0x3800  }
0x177: {  	[sflag:s19] =	ssyncset.done $0x0  }
0x178: {  	[sflag:s19] =	ssyncadd.s32 $0xFFFFC800  }
0x179: {  	_ =	swait.ge [sflag:s17], $0xE000  }
0x17a: {  	(v2sf) =	vpush v2, $0x9;
	_ =	sdelay $0xd  }
0x17b: {  	[sflag:s17] =	ssyncset.done $0x0  }
0x17c: {  	[sflag:s17] =	ssyncadd.s32 $0xFFFF2000;
	s28 =	spop (v2sf)  }
0x17d: {  	[hbm4b:s28+s4] =	stream.linear.scatter [tilespmem:s13], [sflag:$0x4], $0xE000, $0x38;
	[tilespmem:$0x1F980] =	vst v63  }
0x17e: {  	_ =	swait.ge [sflag:s18], $0xE000  }
0x17f: {  	(v2sf) =	vpush v3, $0xB;
	_ =	sdelay $0x1  }
0x180: {  	(v2sf) =	vpush v1, $0xA;
	_ =	sdelay $0xb  }
0x181: {  	[sflag:s18] =	ssyncset.done $0x0  }
0x182: {  	[sflag:s18] =	ssyncadd.s32 $0xFFFF2000;
	s29 =	spop (v2sf)  }
0x183: {  	[tilespmem:s13], [sflag:$0x2] =	stream.linear.gather [hbm4b:s29+s4], $0xE000, $0x38;
	[tilespmem:$0x1F980] =	vst v63  }
0x184: {  	s30 =	spop (v2sf)  }
0x185: {  	s31 =	sshrl.u32 s30, $0x3  }
0x186: {  	s23 =	sadd.s32 $0x3800, s30;
	s22 =	sadd.s32 s3, s31  }
0x187: {  	[hbm4b:s22+s4] =	stream.linear.scatter [tilespmem:s14], [sflag:$0x5], $0x3800, $0x38;
	[tilespmem:$0x1F980] =	vst v63  }
0x188: {  	s22 =	sshrl.u32 s23, $0x3  }
0x189: {  	s24 =	sadd.s32 $0x7000, s30;
	s22 =	sadd.s32 s3, s22  }
0x18a: {  	[hbm4b:s22+s4] =	stream.linear.scatter [tilespmem:s14], [sflag:$0x5], $0x3800, $0x38;
	[tilespmem:$0x1F980] =	vst v63  }
0x18b: {  	s21 =	sadd.s32 $0xA800, s30;
	s22 =	sshrl.u32 s24, $0x3  }
0x18c: {  	s21 =	sshrl.u32 s21, $0x3;
	s22 =	sadd.s32 s3, s22  }
0x18d: {  	[hbm4b:s22+s4] =	stream.linear.scatter [tilespmem:s14], [sflag:$0x5], $0x3800, $0x38;
	[tilespmem:$0x1F980] =	vst v63  }
0x18e: {  	s21 =	sadd.s32 s3, s21  }
0x18f: {  	[hbm4b:s21+s4] =	stream.linear.scatter [tilespmem:s14], [sflag:$0x5], $0x3800, $0x38;
	[tilespmem:$0x1F980] =	vst v63  }
0x190: {  	_ =	swait.ge [sflag:s19], $0x3800  }
0x191: {  	[sflag:s19] =	ssyncset.done $0x0  }
0x192: {  	[sflag:s19] =	ssyncadd.s32 $0xFFFFC800  }
0x193: {  	_ =	swait.ge [sflag:s19], $0x3800  }
0x194: {  	[sflag:s19] =	ssyncset.done $0x0  }
0x195: {  	[sflag:s19] =	ssyncadd.s32 $0xFFFFC800  }
0x196: {  	_ =	swait.ge [sflag:s19], $0x3800  }
0x197: {  	[sflag:s19] =	ssyncset.done $0x0  }
0x198: {  	[sflag:s19] =	ssyncadd.s32 $0xFFFFC800  }
0x199: {  	_ =	swait.ge [sflag:s19], $0x3800  }
0x19a: {  	[sflag:s19] =	ssyncset.done $0x0  }
0x19b: {  	[sflag:s19] =	ssyncadd.s32 $0xFFFFC800  }
0x19c: {  	_ =	swait.ge [sflag:s15], $0xE000  }
0x19d: {  	(v2sf) =	vpush v2, $0xA;
	_ =	sdelay $0xd  }
0x19e: {  	[sflag:s15] =	ssyncset.done $0x0  }
0x19f: {  	[sflag:s15] =	ssyncadd.s32 $0xFFFF2000;
	s25 =	spop (v2sf)  }
0x1a0: {  	[hbm4b:s25+s4] =	stream.linear.scatter [tilespmem:s12], [sflag:$0x3], $0xE000, $0x38;
	[tilespmem:$0x1F980] =	vst v63  }
0x1a1: {  	_ =	swait.ge [sflag:s16], $0xE000  }
0x1a2: {  	(v2sf) =	vpush v1, $0xB;
	_ =	sdelay $0xe  }
0x1a3: {  	s26 =	spop (v2sf)  }
0x1a4: {  	[sflag:s16] =	ssyncset.done $0x0;
	s28 =	sshrl.u32 s26, $0x3  }
0x1a5: {  	[sflag:s16] =	ssyncadd.s32 $0xFFFF2000;
	s29 =	sadd.s32 $0x3800, s26;
	s22 =	sadd.s32 s3, s28  }
0x1a6: {  	[hbm4b:s22+s4] =	stream.linear.scatter [tilespmem:s14], [sflag:$0x5], $0x3800, $0x38;
	[tilespmem:$0x1F980] =	vst v63  }
0x1a7: {  	s22 =	sshrl.u32 s29, $0x3  }
0x1a8: {  	s30 =	sadd.s32 $0x7000, s26;
	s22 =	sadd.s32 s3, s22  }
0x1a9: {  	[hbm4b:s22+s4] =	stream.linear.scatter [tilespmem:s14], [sflag:$0x5], $0x3800, $0x38;
	[tilespmem:$0x1F980] =	vst v63  }
0x1aa: {  	s21 =	sadd.s32 $0xA800, s26;
	s22 =	sshrl.u32 s30, $0x3  }
0x1ab: {  	s21 =	sshrl.u32 s21, $0x3;
	s22 =	sadd.s32 s3, s22  }
0x1ac: {  	[hbm4b:s22+s4] =	stream.linear.scatter [tilespmem:s14], [sflag:$0x5], $0x3800, $0x38;
	[tilespmem:$0x1F980] =	vst v63  }
0x1ad: {  	s21 =	sadd.s32 s3, s21  }
0x1ae: {  	[hbm4b:s21+s4] =	stream.linear.scatter [tilespmem:s14], [sflag:$0x5], $0x3800, $0x38;
	[tilespmem:$0x1F980] =	vst v63  }
0x1af: {  	_ =	swait.ge [sflag:s19], $0x3800  }
0x1b0: {  	[sflag:s19] =	ssyncset.done $0x0  }
0x1b1: {  	[sflag:s19] =	ssyncadd.s32 $0xFFFFC800  }
0x1b2: {  	_ =	swait.ge [sflag:s19], $0x3800  }
0x1b3: {  	[sflag:s19] =	ssyncset.done $0x0  }
0x1b4: {  	[sflag:s19] =	ssyncadd.s32 $0xFFFFC800  }
0x1b5: {  	_ =	swait.ge [sflag:s19], $0x3800  }
0x1b6: {  	[sflag:s19] =	ssyncset.done $0x0  }
0x1b7: {  	[sflag:s19] =	ssyncadd.s32 $0xFFFFC800  }
0x1b8: {  	_ =	swait.ge [sflag:s19], $0x3800  }
0x1b9: {  	[sflag:s19] =	ssyncset.done $0x0  }
0x1ba: {  	[sflag:s19] =	ssyncadd.s32 $0xFFFFC800  }
0x1bb: {  	_ =	swait.ge [sflag:s17], $0xE000  }
0x1bc: {  	(v2sf) =	vpush v2, $0xB;
	_ =	sdelay $0xd  }
0x1bd: {  	[sflag:s17] =	ssyncset.done $0x0  }
0x1be: {  	[sflag:s17] =	ssyncadd.s32 $0xFFFF2000;
	s31 =	spop (v2sf)  }
0x1bf: {  	[hbm4b:s31+s4] =	stream.linear.scatter [tilespmem:s13], [sflag:$0x4], $0xE000, $0x38;
	[tilespmem:$0x1F980] =	vst v63  }
0x1c0: {  	_ =	swait.ge [sflag:s18], $0xE000  }
0x1c1: {  	[sflag:s18] =	ssyncset.done $0x0  }
0x1c2: {  	[sflag:s18] =	ssyncadd.s32 $0xFFFF2000  }
0x1c3: {  	_ =	swait.ge [sflag:s19], $0x3800  }
0x1c4: {  	[sflag:s19] =	ssyncset.done $0x0  }
0x1c5: {  	[sflag:s19] =	ssyncadd.s32 $0xFFFFC800  }
0x1c6: {  	_ =	swait.ge [sflag:s19], $0x3800  }
0x1c7: {  	[sflag:s19] =	ssyncset.done $0x0  }
0x1c8: {  	[sflag:s19] =	ssyncadd.s32 $0xFFFFC800  }
0x1c9: {  	_ =	swait.ge [sflag:s19], $0x3800  }
0x1ca: {  	[sflag:s19] =	ssyncset.done $0x0  }
0x1cb: {  	[sflag:s19] =	ssyncadd.s32 $0xFFFFC800  }
0x1cc: {  	_ =	swait.ge [sflag:s19], $0x3800  }
0x1cd: {  	[sflag:s19] =	ssyncset.done $0x0  }
0x1ce: {  	[sflag:s19] =	ssyncadd.s32 $0xFFFFC800  }
0x1cf: {  	_ =	swait.ge [sflag:s19], $0x3800  }
0x1d0: {  	[sflag:s19] =	ssyncset.done $0x0  }
0x1d1: {  	[sflag:s19] =	ssyncadd.s32 $0xFFFFC800  }
0x1d2: {  	_ =	swait.ge [sflag:s19], $0x3800  }
0x1d3: {  	[sflag:s19] =	ssyncset.done $0x0  }
0x1d4: {  	s20 =	sadd.s32 $0x1, s20;
	[sflag:s19] =	ssyncadd.s32 $0xFFFFC800  }
0x1d5: {  	p0 =	sne.s32 s20, s8;
	_ =	swait.ge [sflag:s19], $0x3800  }
.Ltmp1:
0x1d6: {  	[sflag:s19] =	ssyncset.done $0x0;
	(pc) =	sbr.rel @p0 .LBB2_1-.Ltmp1, $4  }
0x1d7: {  	[sflag:s19] =	ssyncadd.s32 $0xFFFFC800  }
0x1d8: {  	_ =	swait.ge [sflag:s19], $0x3800  }
0x1d9: {  	[sflag:s19] =	ssyncset.done $0x0  }
0x1da: {  	[sflag:s19] =	ssyncadd.s32 $0xFFFFC800  }
0x1db: {  	_ =	sfence.sel $0x180000  }
0x1dc: {  	[bflag:$0x0] =	sbarrier.arrive $0xFFFF  }
0x1dd: {  	p0 =	sne.s32 s2, $0x0;
	_ =	strace $0x90000047  }
0x1de: {  	s0 =	sadd.s32 @!p0 $0x100000, s0;
	[bflag:$0x2] =	sbarrier.arrive $0xFFFF  }
0x1df: {  	[sflag:s0] =	ssyncadd.tile.s32 @!p0 $0x1;
	_ =	shalt  }
.Lfunc_end2:
_tile_overlayer_lowered:
.L_overlay_start_2:
0x1e0: {  	(tag) =	ssettag $0x2  }
0x1e1: {  	s0 =	rddreg [dreg:$0x0];
	s2 =	stileid.u32  }
0x1e2: {  	s1 =	rddreg [dreg:$0x1];
	p0 =	sne.s32 s2, $0x0  }
0x1e3: {  	s3 =	rddreg [dreg:$0x2];
	[bflag:$0x3] =	sbarrier.arrive $0xFFFF;
	s2 =	simm.s32 @!p0 $0x1C06  }
0x1e4: {  	[timem:s3], [sflag:s2] =	dma.local @!p0 [hbm:s0], s1  }
0x1e5: {  	s0 =	simm.s32 @!p0 $0x6  }
0x1e6: {  	_ =	swait.ge @!p0 [sflag:s0], s1  }
0x1e7: {  	s1 =	ssub.s32 @!p0 $0x0, s1;
	[sflag:s0] =	ssyncset.done @!p0 $0x0  }
0x1e8: {  	[sflag:s0] =	ssyncadd.s32 @!p0 s1  }
0x1e9: {  	[bflag:$0x3] =	sbarrier.arrive $0xFFFF  }
0x1ea: {  	_ =	shalt  }

</sc_bundles>
